<compile_context>
chip_gen: v7x
topology: tpu7x:2x2x1
jax: 0.10.2.dev20260603
libtpu: 0.0.44.dev20260713+nightly
codegen_flags: <defaults>
</compile_context>

<pallas_src>
import functools

import jax
import jax.numpy as jnp
from jax import lax
from jax.experimental import pallas as pl
from jax.experimental.pallas import tpu as pltpu
from jax.experimental.pallas import tpu_sc as plsc

EMB_DIM = 128
NUM_KEYS = 100000
BATCH = 4096
TOP_M = 32
TEMP = 0.07

NPAD = 102400
G = 32
NG = NPAD // G
BQA = 256
BKA = 4096
BQS = 256
B2 = 2 * BATCH
NEG = -1e30


def _qn_kernel(q_ref, wp_ref, bp_ref, out_ref):
    pq = lax.dot_general(q_ref[...], wp_ref[0],
                         (((1,), (1,)), ((), ())),
                         preferred_element_type=jnp.float32)
    pq = pq + bp_ref[0]
    nrm = jnp.sqrt(jnp.sum(pq * pq, axis=1, keepdims=True))
    out_ref[0] = pq / jnp.maximum(nrm, 1e-12)


def _keysn_kernel(b_ref, out_ref):
    b = b_ref[...]
    nrm = jnp.sqrt(jnp.sum(b * b, axis=1, keepdims=True))
    out_ref[...] = b / jnp.maximum(nrm, 1e-12)


def _score_kernel(qn_ref, bank_ref, s_ref, gm_ref):
    j = pl.program_id(0)
    s = lax.dot_general(qn_ref[...], bank_ref[...],
                        (((1,), (1,)), ((), ())),
                        preferred_element_type=jnp.float32)
    kidx = j * BKA + lax.broadcasted_iota(jnp.int32, (1, BKA), 1)
    s = jnp.where(kidx < NUM_KEYS, s, NEG)
    s_ref[...] = s.reshape(BQA, BKA // EMB_DIM, EMB_DIM)
    gm_ref[...] = jnp.max(s.reshape(BQA, BKA // G, G), axis=2)


def _sel1_kernel(gm_ref, sidx_ref, idx1_ref):
    i = pl.program_id(0)
    io = lax.broadcasted_iota(jnp.int32, (BQS, NG), 1)
    iom = lax.broadcasted_iota(jnp.int32, (BQS, TOP_M), 1)

    def body(t, carry):
        gm, acc = carry
        a = jnp.argmax(gm, axis=1).astype(jnp.int32)
        acc = jnp.where(iom == t, a[:, None], acc)
        gm = jnp.where(io == a[:, None], NEG, gm)
        return gm, acc

    _, idx1 = lax.fori_loop(
        0, TOP_M, body,
        (gm_ref[...], jnp.zeros((BQS, TOP_M), jnp.int32)))
    rows = i * BQS + lax.broadcasted_iota(jnp.int32, (BQS, TOP_M), 0)
    idx1_ref[...] = idx1
    sidx_ref[...] = rows * (NPAD // EMB_DIM) + idx1 // 4


def _sel2_kernel(ch_ref, idx1_ref, ts_ref, ti_ref):
    idx1 = idx1_ref[...]
    sub = (idx1 % 4)[:, :, None] * G + lax.broadcasted_iota(
        jnp.int32, (BQS, TOP_M, G), 2)
    c = jnp.take_along_axis(ch_ref[...], sub, axis=2).reshape(BQS, TOP_M * G)
    ioc = lax.broadcasted_iota(jnp.int32, (BQS, TOP_M * G), 1)
    iom = lax.broadcasted_iota(jnp.int32, (BQS, TOP_M), 1)

    def body(t, carry):
        c, ts, ti = carry
        v = jnp.max(c, axis=1)
        p = jnp.argmax(c, axis=1).astype(jnp.int32)
        grp = jnp.take_along_axis(idx1, (p // G)[:, None], axis=1)[:, 0]
        eid = grp * G + p % G
        ts = jnp.where(iom == t, v[:, None], ts)
        ti = jnp.where(iom == t, eid[:, None], ti)
        c = jnp.where(ioc == p[:, None], NEG, c)
        return c, ts, ti

    _, ts, ti = lax.fori_loop(
        0, TOP_M, body,
        (c, jnp.zeros((BQS, TOP_M), jnp.float32),
         jnp.zeros((BQS, TOP_M), jnp.int32)))
    ts_ref[...] = ts
    ti_ref[...] = ti


def _fin_kernel(s0_ref, s1_ref, v0_ref, v1_ref, wu0_ref, bu0_ref,
                wu1_ref, bu1_ref, g_ref, b_ref, o_ref):
    def zsum(s, v):
        x = s / TEMP
        m = jnp.max(x, axis=1, keepdims=True)
        e = jnp.exp(x - m)
        a = e / jnp.sum(e, axis=1, keepdims=True)
        return jnp.sum(v * a[:, :, None], axis=1)

    z0 = zsum(s0_ref[...], v0_ref[...])
    z1 = zsum(s1_ref[...], v1_ref[...])
    r = (lax.dot_general(z0, wu0_ref[...], (((1,), (1,)), ((), ())),
                         preferred_element_type=jnp.float32)
         + bu0_ref[0][None, :]
         + lax.dot_general(z1, wu1_ref[...], (((1,), (1,)), ((), ())),
                           preferred_element_type=jnp.float32)
         + bu1_ref[0][None, :])
    mu = jnp.mean(r, axis=1, keepdims=True)
    var = jnp.mean((r - mu) * (r - mu), axis=1, keepdims=True)
    o_ref[...] = ((r - mu) / jnp.sqrt(var + 1e-5)
                  * g_ref[0][None, :] + b_ref[0][None, :])


def _sc_gather(table, idx, d, chunk):
    n = idx.shape[0]
    info = plsc.get_sparse_core_info()
    nw = info.num_cores * info.num_subcores
    b_per_w = n // nw
    mesh = plsc.VectorSubcoreMesh(core_axis_name="c", subcore_axis_name="s")

    @functools.partial(
        pl.kernel, mesh=mesh,
        out_type=jax.ShapeDtypeStruct((n, d), jnp.float32),
        scratch_types=[
            pltpu.VMEM((chunk,), jnp.int32),
            pltpu.VMEM((chunk, d), jnp.float32),
            pltpu.SemaphoreType.DMA,
        ],
    )
    def k(table_hbm, idx_hbm, out_hbm, idx_v, rows_v, sem):
        wid = lax.axis_index("s") * info.num_cores + lax.axis_index("c")
        base = wid * b_per_w
        for c in range(b_per_w // chunk):
            off = base + c * chunk
            pltpu.sync_copy(idx_hbm.at[pl.ds(off, chunk)], idx_v)
            pltpu.async_copy(table_hbm.at[idx_v], rows_v, sem).wait()
            pltpu.sync_copy(rows_v, out_hbm.at[pl.ds(off, chunk)])

    return k(table, idx)


def kernel(q, bank_embs, Wp0, bp0, Wp1, bp1, Wu0, bu0, Wu1, bu1,
           gamma, beta, top_m):
    f32 = jnp.float32
    bank_pad = jnp.pad(bank_embs, ((0, NPAD - NUM_KEYS), (0, 0)))
    wp = jnp.stack([Wp0, Wp1])
    bp = jnp.stack([bp0, bp1]).reshape(2, 1, EMB_DIM)

    qn = pl.pallas_call(
        _qn_kernel,
        grid=(2,),
        in_specs=[
            pl.BlockSpec((BATCH, EMB_DIM), lambda s: (0, 0)),
            pl.BlockSpec((1, EMB_DIM, EMB_DIM), lambda s: (s, 0, 0)),
            pl.BlockSpec((1, 1, EMB_DIM), lambda s: (s, 0, 0)),
        ],
        out_specs=pl.BlockSpec((1, BATCH, EMB_DIM), lambda s: (s, 0, 0)),
        out_shape=jax.ShapeDtypeStruct((2, BATCH, EMB_DIM), f32),
    )(q, wp, bp).reshape(B2, EMB_DIM)

    keys_n = pl.pallas_call(
        _keysn_kernel,
        grid=(NPAD // BKA,),
        in_specs=[pl.BlockSpec((BKA, EMB_DIM), lambda j: (j, 0))],
        out_specs=pl.BlockSpec((BKA, EMB_DIM), lambda j: (j, 0)),
        out_shape=jax.ShapeDtypeStruct((NPAD, EMB_DIM), f32),
    )(bank_pad)

    scores, gm1 = pl.pallas_call(
        _score_kernel,
        grid=(NPAD // BKA, B2 // BQA),
        in_specs=[
            pl.BlockSpec((BQA, EMB_DIM), lambda j, i: (i, 0)),
            pl.BlockSpec((BKA, EMB_DIM), lambda j, i: (j, 0)),
        ],
        out_specs=[
            pl.BlockSpec((BQA, BKA // EMB_DIM, EMB_DIM),
                         lambda j, i: (i, j, 0)),
            pl.BlockSpec((BQA, BKA // G), lambda j, i: (i, j)),
        ],
        out_shape=[
            jax.ShapeDtypeStruct((B2, NPAD // EMB_DIM, EMB_DIM), f32),
            jax.ShapeDtypeStruct((B2, NG), f32),
        ],
    )(qn, keys_n)

    sidx, idx1 = pl.pallas_call(
        _sel1_kernel,
        grid=(B2 // BQS,),
        in_specs=[pl.BlockSpec((BQS, NG), lambda i: (i, 0))],
        out_specs=[
            pl.BlockSpec((BQS, TOP_M), lambda i: (i, 0)),
            pl.BlockSpec((BQS, TOP_M), lambda i: (i, 0)),
        ],
        out_shape=[
            jax.ShapeDtypeStruct((B2, TOP_M), jnp.int32),
            jax.ShapeDtypeStruct((B2, TOP_M), jnp.int32),
        ],
    )(gm1)

    chunks = _sc_gather(scores.reshape(B2 * NPAD // EMB_DIM, EMB_DIM),
                        sidx.reshape(B2 * TOP_M), EMB_DIM, 512)

    top_s, top_i = pl.pallas_call(
        _sel2_kernel,
        grid=(B2 // BQS,),
        in_specs=[
            pl.BlockSpec((BQS, TOP_M, EMB_DIM), lambda i: (i, 0, 0)),
            pl.BlockSpec((BQS, TOP_M), lambda i: (i, 0)),
        ],
        out_specs=[
            pl.BlockSpec((BQS, TOP_M), lambda i: (i, 0)),
            pl.BlockSpec((BQS, TOP_M), lambda i: (i, 0)),
        ],
        out_shape=[
            jax.ShapeDtypeStruct((B2, TOP_M), f32),
            jax.ShapeDtypeStruct((B2, TOP_M), jnp.int32),
        ],
    )(chunks.reshape(B2, TOP_M, EMB_DIM), idx1)

    vals = _sc_gather(bank_embs, top_i.reshape(B2 * TOP_M), EMB_DIM, 512)
    vals = vals.reshape(2, BATCH, TOP_M, EMB_DIM)

    out = pl.pallas_call(
        _fin_kernel,
        grid=(BATCH // BQS,),
        in_specs=[
            pl.BlockSpec((BQS, TOP_M), lambda i: (i, 0)),
            pl.BlockSpec((BQS, TOP_M), lambda i: (i, 0)),
            pl.BlockSpec((BQS, TOP_M, EMB_DIM), lambda i: (i, 0, 0)),
            pl.BlockSpec((BQS, TOP_M, EMB_DIM), lambda i: (i, 0, 0)),
            pl.BlockSpec((EMB_DIM, EMB_DIM), lambda i: (0, 0)),
            pl.BlockSpec((1, EMB_DIM), lambda i: (0, 0)),
            pl.BlockSpec((EMB_DIM, EMB_DIM), lambda i: (0, 0)),
            pl.BlockSpec((1, EMB_DIM), lambda i: (0, 0)),
            pl.BlockSpec((1, EMB_DIM), lambda i: (0, 0)),
            pl.BlockSpec((1, EMB_DIM), lambda i: (0, 0)),
        ],
        out_specs=pl.BlockSpec((BQS, EMB_DIM), lambda i: (i, 0)),
        out_shape=jax.ShapeDtypeStruct((BATCH, EMB_DIM), f32),
    )(top_s[:BATCH], top_s[BATCH:], vals[0], vals[1],
      Wu0, bu0.reshape(1, EMB_DIM), Wu1, bu1.reshape(1, EMB_DIM),
      gamma.reshape(1, EMB_DIM), beta.reshape(1, EMB_DIM))
    return out

# --- scband reference (transcript-rebuilt; emitter-appended) ---
"""Pipeline reference for scband-multi-scale-retriever-75453985456496 (READ-ONLY COPY).

The authoritative reference and input builder live on the scoring server;
editing this copy changes nothing except your own understanding.
"""

import jax, jax.numpy as jnp
import numpy as np

EMB_DIM = 128
NUM_SCALES = 2
NUM_KEYS = 100000
BATCH = 4096
TOP_M = 32
TEMP = 0.07


def _normalize(x, eps=1e-12):
    n = jnp.linalg.norm(x, axis=-1, keepdims=True)
    return x / jnp.clip(n, eps, None)


def setup_inputs(seed: int = 0) -> dict:
    key = jax.random.key(seed)
    ks = jax.random.split(key, 12)
    inp = {}
    inp['q'] = jax.random.normal(ks[0], (BATCH, EMB_DIM), dtype=jnp.float32)
    inp['bank_embs'] = jax.random.normal(ks[1], (NUM_KEYS, EMB_DIM), dtype=jnp.float32)
    inp['Wp0'] = jax.random.normal(ks[2], (EMB_DIM, EMB_DIM), dtype=jnp.float32) * 0.02
    inp['bp0'] = jnp.zeros((EMB_DIM,), dtype=jnp.float32)
    inp['Wp1'] = jax.random.normal(ks[3], (EMB_DIM, EMB_DIM), dtype=jnp.float32) * 0.02
    inp['bp1'] = jnp.zeros((EMB_DIM,), dtype=jnp.float32)
    inp['Wu0'] = jax.random.normal(ks[4], (EMB_DIM, EMB_DIM), dtype=jnp.float32) * 0.02
    inp['bu0'] = jnp.zeros((EMB_DIM,), dtype=jnp.float32)
    inp['Wu1'] = jax.random.normal(ks[5], (EMB_DIM, EMB_DIM), dtype=jnp.float32) * 0.02
    inp['bu1'] = jnp.zeros((EMB_DIM,), dtype=jnp.float32)
    inp['gamma'] = jnp.ones((EMB_DIM,), dtype=jnp.float32)
    inp['beta'] = jnp.zeros((EMB_DIM,), dtype=jnp.float32)
    inp['top_m'] = TOP_M
    return inp


def _retrieve(pq, keys, values, top_m):
    # cosine similarity retrieval
    scores = _normalize(pq) @ keys.T
    top_s, top_i = jax.lax.top_k(scores, top_m)
    attn = jax.nn.softmax(top_s / TEMP, axis=-1)
    topk_vals = jnp.take(values, top_i, axis=0)  # [B, M, D]
    z_ret = jnp.einsum('bm,bmd->bd', attn, topk_vals)
    return z_ret


def reference(q, bank_embs, Wp0, bp0, Wp1, bp1, Wu0, bu0, Wu1, bu1, gamma, beta, top_m):
    top_m_arr = jnp.asarray(top_m)
    values = bank_embs
    keys = _normalize(bank_embs)
    ref = jnp.zeros_like(q)
    projs = [(Wp0, bp0), (Wp1, bp1)]
    unis = [(Wu0, bu0), (Wu1, bu1)]
    for (Wp, bp), (Wu, bu) in zip(projs, unis):
        pq = q @ Wp.T + bp
        z = _retrieve(pq, keys, values, TOP_M)
        ref = ref + (z @ Wu.T + bu)
    mu = jnp.mean(ref, axis=-1, keepdims=True)
    var = jnp.var(ref, axis=-1, keepdims=True)
    out = (ref - mu) / jnp.sqrt(var + 1e-5) * gamma + beta
    out = out + (top_m_arr - top_m_arr).astype(out.dtype)
    return out

if __name__ == "__main__":
    import jax
    _d = setup_inputs()
    print(jax.jit(kernel)(*tuple(_d.values())))

</pallas_src>

<mosaic_0001>
#map = affine_map<(d0, d1) -> (0, 0)>
#map1 = affine_map<(d0, d1) -> (0)>
module attributes {stable_mosaic.version = 14 : i64} {
  func.func @k(%arg0: i32, %arg1: i32, %arg2: memref<6553600x128xf32, #tpu.memory_space<hbm>>, %arg3: memref<262144xi32, #tpu.memory_space<hbm>>, %arg4: memref<262144x128xf32, #tpu.memory_space<hbm>>, %arg5: memref<512xi32, #tpu.memory_space<vmem>>, %arg6: memref<512x128xf32, #tpu.memory_space<vmem>>, %arg7: memref<!tpu.dma_semaphore, #tpu.memory_space<semaphore_mem>>) attributes {dimension_semantics = [#tpu.dimension_semantics<core_parallel>, #tpu.dimension_semantics<subcore_parallel>], iteration_bounds = array<i64: 2, 16>, scalar_prefetch = 0 : i64, scratch_operands = 3 : i64, tpu.core_type = #tpu.core_type<sc_vector_subcore>, window_params = [{transform_indices = #map}, {transform_indices = #map1}, {transform_indices = #map}]} {
    %mul3A = arith.constant 2 : i32
    %mul3A_0 = arith.muli %arg1, %mul3A : i32
    %add3A = arith.addi %mul3A_0, %arg0 : i32
    %mul3A_1 = arith.constant 8192 : i32
    %mul3A_2 = arith.muli %add3A, %mul3A_1 : i32
    %add3A_3 = arith.constant 0 : i32
    %add3A_4 = arith.addi %mul3A_2, %add3A_3 : i32
    "tpu.region"() ({
      %run_scoped3A = tpu.sem_alloc : memref<!tpu.dma_semaphore, #tpu.memory_space<semaphore_mem>>
      %dma_start3A_129 = tpu.memref_slice %arg3[%add3A_4] : memref<262144xi32, #tpu.memory_space<hbm>> -> memref<512xi32, #tpu.memory_space<hbm>>
      %dma_start3A_130 = tpu.memref_slice %arg3[%add3A_4] : memref<262144xi32, #tpu.memory_space<hbm>> -> memref<512xi32, #tpu.memory_space<hbm>>
      tpu.enqueue_dma source(%dma_start3A_130 : memref<512xi32, #tpu.memory_space<hbm>>) target(%arg5 : memref<512xi32, #tpu.memory_space<vmem>>) target_semaphore(%run_scoped3A : memref<!tpu.dma_semaphore, #tpu.memory_space<semaphore_mem>>)
      %dma_wait3A_131 = tpu.memref_slice %arg3[%add3A_4] : memref<262144xi32, #tpu.memory_space<hbm>> -> memref<512xi32, #tpu.memory_space<hbm>>
      %dma_wait3A_132 = tpu.memref_slice %arg3[%add3A_4] : memref<262144xi32, #tpu.memory_space<hbm>> -> memref<512xi32, #tpu.memory_space<hbm>>
      tpu.wait_dma2 semaphore(%run_scoped3A : memref<!tpu.dma_semaphore, #tpu.memory_space<semaphore_mem>>) src(%dma_wait3A_132 : memref<512xi32, #tpu.memory_space<hbm>>) dst(%arg5 : memref<512xi32, #tpu.memory_space<vmem>>)
      tpu.yield
    }) : () -> ()
    %dma_start3A = arith.constant 0 : i32
    %dma_start3A_5 = arith.constant 0 : i32
    %dma_start3A_6 = tpu.memref_slice %arg2[%dma_start3A, %dma_start3A_5] : memref<6553600x128xf32, #tpu.memory_space<hbm>> -> memref<6553600x128xf32, #tpu.memory_space<hbm>>
    tpu.enqueue_indirect_dma source(%dma_start3A_6 : memref<6553600x128xf32, #tpu.memory_space<hbm>>) target(%arg6 : memref<512x128xf32, #tpu.memory_space<vmem>>) offsets(%arg5 : memref<512xi32, #tpu.memory_space<vmem>>) semaphore(%arg7 : memref<!tpu.dma_semaphore, #tpu.memory_space<semaphore_mem>>)
    %dma_wait3A = arith.constant 0 : i32
    %dma_wait3A_7 = arith.constant 0 : i32
    %dma_wait3A_8 = tpu.memref_slice %arg2[%dma_wait3A, %dma_wait3A_7] : memref<6553600x128xf32, #tpu.memory_space<hbm>> -> memref<6553600x128xf32, #tpu.memory_space<hbm>>
    tpu.wait_indirect_dma semaphore(%arg7 : memref<!tpu.dma_semaphore, #tpu.memory_space<semaphore_mem>>) src(%dma_wait3A_8 : memref<6553600x128xf32, #tpu.memory_space<hbm>>) dst(%arg6 : memref<512x128xf32, #tpu.memory_space<vmem>>)
    "tpu.region"() ({
      %run_scoped3A = tpu.sem_alloc : memref<!tpu.dma_semaphore, #tpu.memory_space<semaphore_mem>>
      %dma_start3A_129 = arith.constant 0 : i32
      %dma_start3A_130 = tpu.memref_slice %arg4[%add3A_4, %dma_start3A_129] : memref<262144x128xf32, #tpu.memory_space<hbm>> -> memref<512x128xf32, #tpu.memory_space<hbm>>
      %dma_start3A_131 = arith.constant 0 : i32
      %dma_start3A_132 = tpu.memref_slice %arg4[%add3A_4, %dma_start3A_131] : memref<262144x128xf32, #tpu.memory_space<hbm>> -> memref<512x128xf32, #tpu.memory_space<hbm>>
      tpu.enqueue_dma source(%arg6 : memref<512x128xf32, #tpu.memory_space<vmem>>) target(%dma_start3A_132 : memref<512x128xf32, #tpu.memory_space<hbm>>) target_semaphore(%run_scoped3A : memref<!tpu.dma_semaphore, #tpu.memory_space<semaphore_mem>>)
      %dma_wait3A_133 = arith.constant 0 : i32
      %dma_wait3A_134 = tpu.memref_slice %arg4[%add3A_4, %dma_wait3A_133] : memref<262144x128xf32, #tpu.memory_space<hbm>> -> memref<512x128xf32, #tpu.memory_space<hbm>>
      %dma_wait3A_135 = arith.constant 0 : i32
      %dma_wait3A_136 = tpu.memref_slice %arg4[%add3A_4, %dma_wait3A_135] : memref<262144x128xf32, #tpu.memory_space<hbm>> -> memref<512x128xf32, #tpu.memory_space<hbm>>
      tpu.wait_dma2 semaphore(%run_scoped3A : memref<!tpu.dma_semaphore, #tpu.memory_space<semaphore_mem>>) src(%arg6 : memref<512x128xf32, #tpu.memory_space<vmem>>) dst(%dma_wait3A_136 : memref<512x128xf32, #tpu.memory_space<hbm>>)
      tpu.yield
    }) : () -> ()
    %add3A_9 = arith.constant 512 : i32
    %add3A_10 = arith.addi %mul3A_2, %add3A_9 : i32
    "tpu.region"() ({
      %run_scoped3A = tpu.sem_alloc : memref<!tpu.dma_semaphore, #tpu.memory_space<semaphore_mem>>
      %dma_start3A_129 = tpu.memref_slice %arg3[%add3A_10] : memref<262144xi32, #tpu.memory_space<hbm>> -> memref<512xi32, #tpu.memory_space<hbm>>
      %dma_start3A_130 = tpu.memref_slice %arg3[%add3A_10] : memref<262144xi32, #tpu.memory_space<hbm>> -> memref<512xi32, #tpu.memory_space<hbm>>
      tpu.enqueue_dma source(%dma_start3A_130 : memref<512xi32, #tpu.memory_space<hbm>>) target(%arg5 : memref<512xi32, #tpu.memory_space<vmem>>) target_semaphore(%run_scoped3A : memref<!tpu.dma_semaphore, #tpu.memory_space<semaphore_mem>>)
      %dma_wait3A_131 = tpu.memref_slice %arg3[%add3A_10] : memref<262144xi32, #tpu.memory_space<hbm>> -> memref<512xi32, #tpu.memory_space<hbm>>
      %dma_wait3A_132 = tpu.memref_slice %arg3[%add3A_10] : memref<262144xi32, #tpu.memory_space<hbm>> -> memref<512xi32, #tpu.memory_space<hbm>>
      tpu.wait_dma2 semaphore(%run_scoped3A : memref<!tpu.dma_semaphore, #tpu.memory_space<semaphore_mem>>) src(%dma_wait3A_132 : memref<512xi32, #tpu.memory_space<hbm>>) dst(%arg5 : memref<512xi32, #tpu.memory_space<vmem>>)
      tpu.yield
    }) : () -> ()
    %dma_start3A_11 = arith.constant 0 : i32
    %dma_start3A_12 = arith.constant 0 : i32
    %dma_start3A_13 = tpu.memref_slice %arg2[%dma_start3A_11, %dma_start3A_12] : memref<6553600x128xf32, #tpu.memory_space<hbm>> -> memref<6553600x128xf32, #tpu.memory_space<hbm>>
    tpu.enqueue_indirect_dma source(%dma_start3A_13 : memref<6553600x128xf32, #tpu.memory_space<hbm>>) target(%arg6 : memref<512x128xf32, #tpu.memory_space<vmem>>) offsets(%arg5 : memref<512xi32, #tpu.memory_space<vmem>>) semaphore(%arg7 : memref<!tpu.dma_semaphore, #tpu.memory_space<semaphore_mem>>)
    %dma_wait3A_14 = arith.constant 0 : i32
    %dma_wait3A_15 = arith.constant 0 : i32
    %dma_wait3A_16 = tpu.memref_slice %arg2[%dma_wait3A_14, %dma_wait3A_15] : memref<6553600x128xf32, #tpu.memory_space<hbm>> -> memref<6553600x128xf32, #tpu.memory_space<hbm>>
    tpu.wait_indirect_dma semaphore(%arg7 : memref<!tpu.dma_semaphore, #tpu.memory_space<semaphore_mem>>) src(%dma_wait3A_16 : memref<6553600x128xf32, #tpu.memory_space<hbm>>) dst(%arg6 : memref<512x128xf32, #tpu.memory_space<vmem>>)
    "tpu.region"() ({
      %run_scoped3A = tpu.sem_alloc : memref<!tpu.dma_semaphore, #tpu.memory_space<semaphore_mem>>
      %dma_start3A_129 = arith.constant 0 : i32
      %dma_start3A_130 = tpu.memref_slice %arg4[%add3A_10, %dma_start3A_129] : memref<262144x128xf32, #tpu.memory_space<hbm>> -> memref<512x128xf32, #tpu.memory_space<hbm>>
      %dma_start3A_131 = arith.constant 0 : i32
      %dma_start3A_132 = tpu.memref_slice %arg4[%add3A_10, %dma_start3A_131] : memref<262144x128xf32, #tpu.memory_space<hbm>> -> memref<512x128xf32, #tpu.memory_space<hbm>>
      tpu.enqueue_dma source(%arg6 : memref<512x128xf32, #tpu.memory_space<vmem>>) target(%dma_start3A_132 : memref<512x128xf32, #tpu.memory_space<hbm>>) target_semaphore(%run_scoped3A : memref<!tpu.dma_semaphore, #tpu.memory_space<semaphore_mem>>)
      %dma_wait3A_133 = arith.constant 0 : i32
      %dma_wait3A_134 = tpu.memref_slice %arg4[%add3A_10, %dma_wait3A_133] : memref<262144x128xf32, #tpu.memory_space<hbm>> -> memref<512x128xf32, #tpu.memory_space<hbm>>
      %dma_wait3A_135 = arith.constant 0 : i32
      %dma_wait3A_136 = tpu.memref_slice %arg4[%add3A_10, %dma_wait3A_135] : memref<262144x128xf32, #tpu.memory_space<hbm>> -> memref<512x128xf32, #tpu.memory_space<hbm>>
      tpu.wait_dma2 semaphore(%run_scoped3A : memref<!tpu.dma_semaphore, #tpu.memory_space<semaphore_mem>>) src(%arg6 : memref<512x128xf32, #tpu.memory_space<vmem>>) dst(%dma_wait3A_136 : memref<512x128xf32, #tpu.memory_space<hbm>>)
      tpu.yield
    }) : () -> ()
    %add3A_17 = arith.constant 1024 : i32
    %add3A_18 = arith.addi %mul3A_2, %add3A_17 : i32
    "tpu.region"() ({
      %run_scoped3A = tpu.sem_alloc : memref<!tpu.dma_semaphore, #tpu.memory_space<semaphore_mem>>
      %dma_start3A_129 = tpu.memref_slice %arg3[%add3A_18] : memref<262144xi32, #tpu.memory_space<hbm>> -> memref<512xi32, #tpu.memory_space<hbm>>
      %dma_start3A_130 = tpu.memref_slice %arg3[%add3A_18] : memref<262144xi32, #tpu.memory_space<hbm>> -> memref<512xi32, #tpu.memory_space<hbm>>
      tpu.enqueue_dma source(%dma_start3A_130 : memref<512xi32, #tpu.memory_space<hbm>>) target(%arg5 : memref<512xi32, #tpu.memory_space<vmem>>) target_semaphore(%run_scoped3A : memref<!tpu.dma_semaphore, #tpu.memory_space<semaphore_mem>>)
      %dma_wait3A_131 = tpu.memref_slice %arg3[%add3A_18] : memref<262144xi32, #tpu.memory_space<hbm>> -> memref<512xi32, #tpu.memory_space<hbm>>
      %dma_wait3A_132 = tpu.memref_slice %arg3[%add3A_18] : memref<262144xi32, #tpu.memory_space<hbm>> -> memref<512xi32, #tpu.memory_space<hbm>>
      tpu.wait_dma2 semaphore(%run_scoped3A : memref<!tpu.dma_semaphore, #tpu.memory_space<semaphore_mem>>) src(%dma_wait3A_132 : memref<512xi32, #tpu.memory_space<hbm>>) dst(%arg5 : memref<512xi32, #tpu.memory_space<vmem>>)
      tpu.yield
    }) : () -> ()
    %dma_start3A_19 = arith.constant 0 : i32
    %dma_start3A_20 = arith.constant 0 : i32
    %dma_start3A_21 = tpu.memref_slice %arg2[%dma_start3A_19, %dma_start3A_20] : memref<6553600x128xf32, #tpu.memory_space<hbm>> -> memref<6553600x128xf32, #tpu.memory_space<hbm>>
    tpu.enqueue_indirect_dma source(%dma_start3A_21 : memref<6553600x128xf32, #tpu.memory_space<hbm>>) target(%arg6 : memref<512x128xf32, #tpu.memory_space<vmem>>) offsets(%arg5 : memref<512xi32, #tpu.memory_space<vmem>>) semaphore(%arg7 : memref<!tpu.dma_semaphore, #tpu.memory_space<semaphore_mem>>)
    %dma_wait3A_22 = arith.constant 0 : i32
    %dma_wait3A_23 = arith.constant 0 : i32
    %dma_wait3A_24 = tpu.memref_slice %arg2[%dma_wait3A_22, %dma_wait3A_23] : memref<6553600x128xf32, #tpu.memory_space<hbm>> -> memref<6553600x128xf32, #tpu.memory_space<hbm>>
    tpu.wait_indirect_dma semaphore(%arg7 : memref<!tpu.dma_semaphore, #tpu.memory_space<semaphore_mem>>) src(%dma_wait3A_24 : memref<6553600x128xf32, #tpu.memory_space<hbm>>) dst(%arg6 : memref<512x128xf32, #tpu.memory_space<vmem>>)
    "tpu.region"() ({
      %run_scoped3A = tpu.sem_alloc : memref<!tpu.dma_semaphore, #tpu.memory_space<semaphore_mem>>
      %dma_start3A_129 = arith.constant 0 : i32
      %dma_start3A_130 = tpu.memref_slice %arg4[%add3A_18, %dma_start3A_129] : memref<262144x128xf32, #tpu.memory_space<hbm>> -> memref<512x128xf32, #tpu.memory_space<hbm>>
      %dma_start3A_131 = arith.constant 0 : i32
      %dma_start3A_132 = tpu.memref_slice %arg4[%add3A_18, %dma_start3A_131] : memref<262144x128xf32, #tpu.memory_space<hbm>> -> memref<512x128xf32, #tpu.memory_space<hbm>>
      tpu.enqueue_dma source(%arg6 : memref<512x128xf32, #tpu.memory_space<vmem>>) target(%dma_start3A_132 : memref<512x128xf32, #tpu.memory_space<hbm>>) target_semaphore(%run_scoped3A : memref<!tpu.dma_semaphore, #tpu.memory_space<semaphore_mem>>)
      %dma_wait3A_133 = arith.constant 0 : i32
      %dma_wait3A_134 = tpu.memref_slice %arg4[%add3A_18, %dma_wait3A_133] : memref<262144x128xf32, #tpu.memory_space<hbm>> -> memref<512x128xf32, #tpu.memory_space<hbm>>
      %dma_wait3A_135 = arith.constant 0 : i32
      %dma_wait3A_136 = tpu.memref_slice %arg4[%add3A_18, %dma_wait3A_135] : memref<262144x128xf32, #tpu.memory_space<hbm>> -> memref<512x128xf32, #tpu.memory_space<hbm>>
      tpu.wait_dma2 semaphore(%run_scoped3A : memref<!tpu.dma_semaphore, #tpu.memory_space<semaphore_mem>>) src(%arg6 : memref<512x128xf32, #tpu.memory_space<vmem>>) dst(%dma_wait3A_136 : memref<512x128xf32, #tpu.memory_space<hbm>>)
      tpu.yield
    }) : () -> ()
    %add3A_25 = arith.constant 1536 : i32
    %add3A_26 = arith.addi %mul3A_2, %add3A_25 : i32
    "tpu.region"() ({
      %run_scoped3A = tpu.sem_alloc : memref<!tpu.dma_semaphore, #tpu.memory_space<semaphore_mem>>
      %dma_start3A_129 = tpu.memref_slice %arg3[%add3A_26] : memref<262144xi32, #tpu.memory_space<hbm>> -> memref<512xi32, #tpu.memory_space<hbm>>
      %dma_start3A_130 = tpu.memref_slice %arg3[%add3A_26] : memref<262144xi32, #tpu.memory_space<hbm>> -> memref<512xi32, #tpu.memory_space<hbm>>
      tpu.enqueue_dma source(%dma_start3A_130 : memref<512xi32, #tpu.memory_space<hbm>>) target(%arg5 : memref<512xi32, #tpu.memory_space<vmem>>) target_semaphore(%run_scoped3A : memref<!tpu.dma_semaphore, #tpu.memory_space<semaphore_mem>>)
      %dma_wait3A_131 = tpu.memref_slice %arg3[%add3A_26] : memref<262144xi32, #tpu.memory_space<hbm>> -> memref<512xi32, #tpu.memory_space<hbm>>
      %dma_wait3A_132 = tpu.memref_slice %arg3[%add3A_26] : memref<262144xi32, #tpu.memory_space<hbm>> -> memref<512xi32, #tpu.memory_space<hbm>>
      tpu.wait_dma2 semaphore(%run_scoped3A : memref<!tpu.dma_semaphore, #tpu.memory_space<semaphore_mem>>) src(%dma_wait3A_132 : memref<512xi32, #tpu.memory_space<hbm>>) dst(%arg5 : memref<512xi32, #tpu.memory_space<vmem>>)
      tpu.yield
    }) : () -> ()
    %dma_start3A_27 = arith.constant 0 : i32
    %dma_start3A_28 = arith.constant 0 : i32
    %dma_start3A_29 = tpu.memref_slice %arg2[%dma_start3A_27, %dma_start3A_28] : memref<6553600x128xf32, #tpu.memory_space<hbm>> -> memref<6553600x128xf32, #tpu.memory_space<hbm>>
    tpu.enqueue_indirect_dma source(%dma_start3A_29 : memref<6553600x128xf32, #tpu.memory_space<hbm>>) target(%arg6 : memref<512x128xf32, #tpu.memory_space<vmem>>) offsets(%arg5 : memref<512xi32, #tpu.memory_space<vmem>>) semaphore(%arg7 : memref<!tpu.dma_semaphore, #tpu.memory_space<semaphore_mem>>)
    %dma_wait3A_30 = arith.constant 0 : i32
    %dma_wait3A_31 = arith.constant 0 : i32
    %dma_wait3A_32 = tpu.memref_slice %arg2[%dma_wait3A_30, %dma_wait3A_31] : memref<6553600x128xf32, #tpu.memory_space<hbm>> -> memref<6553600x128xf32, #tpu.memory_space<hbm>>
    tpu.wait_indirect_dma semaphore(%arg7 : memref<!tpu.dma_semaphore, #tpu.memory_space<semaphore_mem>>) src(%dma_wait3A_32 : memref<6553600x128xf32, #tpu.memory_space<hbm>>) dst(%arg6 : memref<512x128xf32, #tpu.memory_space<vmem>>)
    "tpu.region"() ({
      %run_scoped3A = tpu.sem_alloc : memref<!tpu.dma_semaphore, #tpu.memory_space<semaphore_mem>>
      %dma_start3A_129 = arith.constant 0 : i32
      %dma_start3A_130 = tpu.memref_slice %arg4[%add3A_26, %dma_start3A_129] : memref<262144x128xf32, #tpu.memory_space<hbm>> -> memref<512x128xf32, #tpu.memory_space<hbm>>
      %dma_start3A_131 = arith.constant 0 : i32
      %dma_start3A_132 = tpu.memref_slice %arg4[%add3A_26, %dma_start3A_131] : memref<262144x128xf32, #tpu.memory_space<hbm>> -> memref<512x128xf32, #tpu.memory_space<hbm>>
      tpu.enqueue_dma source(%arg6 : memref<512x128xf32, #tpu.memory_space<vmem>>) target(%dma_start3A_132 : memref<512x128xf32, #tpu.memory_space<hbm>>) target_semaphore(%run_scoped3A : memref<!tpu.dma_semaphore, #tpu.memory_space<semaphore_mem>>)
      %dma_wait3A_133 = arith.constant 0 : i32
      %dma_wait3A_134 = tpu.memref_slice %arg4[%add3A_26, %dma_wait3A_133] : memref<262144x128xf32, #tpu.memory_space<hbm>> -> memref<512x128xf32, #tpu.memory_space<hbm>>
      %dma_wait3A_135 = arith.constant 0 : i32
      %dma_wait3A_136 = tpu.memref_slice %arg4[%add3A_26, %dma_wait3A_135] : memref<262144x128xf32, #tpu.memory_space<hbm>> -> memref<512x128xf32, #tpu.memory_space<hbm>>
      tpu.wait_dma2 semaphore(%run_scoped3A : memref<!tpu.dma_semaphore, #tpu.memory_space<semaphore_mem>>) src(%arg6 : memref<512x128xf32, #tpu.memory_space<vmem>>) dst(%dma_wait3A_136 : memref<512x128xf32, #tpu.memory_space<hbm>>)
      tpu.yield
    }) : () -> ()
    %add3A_33 = arith.constant 2048 : i32
    %add3A_34 = arith.addi %mul3A_2, %add3A_33 : i32
    "tpu.region"() ({
      %run_scoped3A = tpu.sem_alloc : memref<!tpu.dma_semaphore, #tpu.memory_space<semaphore_mem>>
      %dma_start3A_129 = tpu.memref_slice %arg3[%add3A_34] : memref<262144xi32, #tpu.memory_space<hbm>> -> memref<512xi32, #tpu.memory_space<hbm>>
      %dma_start3A_130 = tpu.memref_slice %arg3[%add3A_34] : memref<262144xi32, #tpu.memory_space<hbm>> -> memref<512xi32, #tpu.memory_space<hbm>>
      tpu.enqueue_dma source(%dma_start3A_130 : memref<512xi32, #tpu.memory_space<hbm>>) target(%arg5 : memref<512xi32, #tpu.memory_space<vmem>>) target_semaphore(%run_scoped3A : memref<!tpu.dma_semaphore, #tpu.memory_space<semaphore_mem>>)
      %dma_wait3A_131 = tpu.memref_slice %arg3[%add3A_34] : memref<262144xi32, #tpu.memory_space<hbm>> -> memref<512xi32, #tpu.memory_space<hbm>>
      %dma_wait3A_132 = tpu.memref_slice %arg3[%add3A_34] : memref<262144xi32, #tpu.memory_space<hbm>> -> memref<512xi32, #tpu.memory_space<hbm>>
      tpu.wait_dma2 semaphore(%run_scoped3A : memref<!tpu.dma_semaphore, #tpu.memory_space<semaphore_mem>>) src(%dma_wait3A_132 : memref<512xi32, #tpu.memory_space<hbm>>) dst(%arg5 : memref<512xi32, #tpu.memory_space<vmem>>)
      tpu.yield
    }) : () -> ()
    %dma_start3A_35 = arith.constant 0 : i32
    %dma_start3A_36 = arith.constant 0 : i32
    %dma_start3A_37 = tpu.memref_slice %arg2[%dma_start3A_35, %dma_start3A_36] : memref<6553600x128xf32, #tpu.memory_space<hbm>> -> memref<6553600x128xf32, #tpu.memory_space<hbm>>
    tpu.enqueue_indirect_dma source(%dma_start3A_37 : memref<6553600x128xf32, #tpu.memory_space<hbm>>) target(%arg6 : memref<512x128xf32, #tpu.memory_space<vmem>>) offsets(%arg5 : memref<512xi32, #tpu.memory_space<vmem>>) semaphore(%arg7 : memref<!tpu.dma_semaphore, #tpu.memory_space<semaphore_mem>>)
    %dma_wait3A_38 = arith.constant 0 : i32
    %dma_wait3A_39 = arith.constant 0 : i32
    %dma_wait3A_40 = tpu.memref_slice %arg2[%dma_wait3A_38, %dma_wait3A_39] : memref<6553600x128xf32, #tpu.memory_space<hbm>> -> memref<6553600x128xf32, #tpu.memory_space<hbm>>
    tpu.wait_indirect_dma semaphore(%arg7 : memref<!tpu.dma_semaphore, #tpu.memory_space<semaphore_mem>>) src(%dma_wait3A_40 : memref<6553600x128xf32, #tpu.memory_space<hbm>>) dst(%arg6 : memref<512x128xf32, #tpu.memory_space<vmem>>)
    "tpu.region"() ({
      %run_scoped3A = tpu.sem_alloc : memref<!tpu.dma_semaphore, #tpu.memory_space<semaphore_mem>>
      %dma_start3A_129 = arith.constant 0 : i32
      %dma_start3A_130 = tpu.memref_slice %arg4[%add3A_34, %dma_start3A_129] : memref<262144x128xf32, #tpu.memory_space<hbm>> -> memref<512x128xf32, #tpu.memory_space<hbm>>
      %dma_start3A_131 = arith.constant 0 : i32
      %dma_start3A_132 = tpu.memref_slice %arg4[%add3A_34, %dma_start3A_131] : memref<262144x128xf32, #tpu.memory_space<hbm>> -> memref<512x128xf32, #tpu.memory_space<hbm>>
      tpu.enqueue_dma source(%arg6 : memref<512x128xf32, #tpu.memory_space<vmem>>) target(%dma_start3A_132 : memref<512x128xf32, #tpu.memory_space<hbm>>) target_semaphore(%run_scoped3A : memref<!tpu.dma_semaphore, #tpu.memory_space<semaphore_mem>>)
      %dma_wait3A_133 = arith.constant 0 : i32
      %dma_wait3A_134 = tpu.memref_slice %arg4[%add3A_34, %dma_wait3A_133] : memref<262144x128xf32, #tpu.memory_space<hbm>> -> memref<512x128xf32, #tpu.memory_space<hbm>>
      %dma_wait3A_135 = arith.constant 0 : i32
      %dma_wait3A_136 = tpu.memref_slice %arg4[%add3A_34, %dma_wait3A_135] : memref<262144x128xf32, #tpu.memory_space<hbm>> -> memref<512x128xf32, #tpu.memory_space<hbm>>
      tpu.wait_dma2 semaphore(%run_scoped3A : memref<!tpu.dma_semaphore, #tpu.memory_space<semaphore_mem>>) src(%arg6 : memref<512x128xf32, #tpu.memory_space<vmem>>) dst(%dma_wait3A_136 : memref<512x128xf32, #tpu.memory_space<hbm>>)
      tpu.yield
    }) : () -> ()
    %add3A_41 = arith.constant 2560 : i32
    %add3A_42 = arith.addi %mul3A_2, %add3A_41 : i32
    "tpu.region"() ({
      %run_scoped3A = tpu.sem_alloc : memref<!tpu.dma_semaphore, #tpu.memory_space<semaphore_mem>>
      %dma_start3A_129 = tpu.memref_slice %arg3[%add3A_42] : memref<262144xi32, #tpu.memory_space<hbm>> -> memref<512xi32, #tpu.memory_space<hbm>>
      %dma_start3A_130 = tpu.memref_slice %arg3[%add3A_42] : memref<262144xi32, #tpu.memory_space<hbm>> -> memref<512xi32, #tpu.memory_space<hbm>>
      tpu.enqueue_dma source(%dma_start3A_130 : memref<512xi32, #tpu.memory_space<hbm>>) target(%arg5 : memref<512xi32, #tpu.memory_space<vmem>>) target_semaphore(%run_scoped3A : memref<!tpu.dma_semaphore, #tpu.memory_space<semaphore_mem>>)
      %dma_wait3A_131 = tpu.memref_slice %arg3[%add3A_42] : memref<262144xi32, #tpu.memory_space<hbm>> -> memref<512xi32, #tpu.memory_space<hbm>>
      %dma_wait3A_132 = tpu.memref_slice %arg3[%add3A_42] : memref<262144xi32, #tpu.memory_space<hbm>> -> memref<512xi32, #tpu.memory_space<hbm>>
      tpu.wait_dma2 semaphore(%run_scoped3A : memref<!tpu.dma_semaphore, #tpu.memory_space<semaphore_mem>>) src(%dma_wait3A_132 : memref<512xi32, #tpu.memory_space<hbm>>) dst(%arg5 : memref<512xi32, #tpu.memory_space<vmem>>)
      tpu.yield
    }) : () -> ()
    %dma_start3A_43 = arith.constant 0 : i32
    %dma_start3A_44 = arith.constant 0 : i32
    %dma_start3A_45 = tpu.memref_slice %arg2[%dma_start3A_43, %dma_start3A_44] : memref<6553600x128xf32, #tpu.memory_space<hbm>> -> memref<6553600x128xf32, #tpu.memory_space<hbm>>
    tpu.enqueue_indirect_dma source(%dma_start3A_45 : memref<6553600x128xf32, #tpu.memory_space<hbm>>) target(%arg6 : memref<512x128xf32, #tpu.memory_space<vmem>>) offsets(%arg5 : memref<512xi32, #tpu.memory_space<vmem>>) semaphore(%arg7 : memref<!tpu.dma_semaphore, #tpu.memory_space<semaphore_mem>>)
    %dma_wait3A_46 = arith.constant 0 : i32
    %dma_wait3A_47 = arith.constant 0 : i32
    %dma_wait3A_48 = tpu.memref_slice %arg2[%dma_wait3A_46, %dma_wait3A_47] : memref<6553600x128xf32, #tpu.memory_space<hbm>> -> memref<6553600x128xf32, #tpu.memory_space<hbm>>
    tpu.wait_indirect_dma semaphore(%arg7 : memref<!tpu.dma_semaphore, #tpu.memory_space<semaphore_mem>>) src(%dma_wait3A_48 : memref<6553600x128xf32, #tpu.memory_space<hbm>>) dst(%arg6 : memref<512x128xf32, #tpu.memory_space<vmem>>)
    "tpu.region"() ({
      %run_scoped3A = tpu.sem_alloc : memref<!tpu.dma_semaphore, #tpu.memory_space<semaphore_mem>>
      %dma_start3A_129 = arith.constant 0 : i32
      %dma_start3A_130 = tpu.memref_slice %arg4[%add3A_42, %dma_start3A_129] : memref<262144x128xf32, #tpu.memory_space<hbm>> -> memref<512x128xf32, #tpu.memory_space<hbm>>
      %dma_start3A_131 = arith.constant 0 : i32
      %dma_start3A_132 = tpu.memref_slice %arg4[%add3A_42, %dma_start3A_131] : memref<262144x128xf32, #tpu.memory_space<hbm>> -> memref<512x128xf32, #tpu.memory_space<hbm>>
      tpu.enqueue_dma source(%arg6 : memref<512x128xf32, #tpu.memory_space<vmem>>) target(%dma_start3A_132 : memref<512x128xf32, #tpu.memory_space<hbm>>) target_semaphore(%run_scoped3A : memref<!tpu.dma_semaphore, #tpu.memory_space<semaphore_mem>>)
      %dma_wait3A_133 = arith.constant 0 : i32
      %dma_wait3A_134 = tpu.memref_slice %arg4[%add3A_42, %dma_wait3A_133] : memref<262144x128xf32, #tpu.memory_space<hbm>> -> memref<512x128xf32, #tpu.memory_space<hbm>>
      %dma_wait3A_135 = arith.constant 0 : i32
      %dma_wait3A_136 = tpu.memref_slice %arg4[%add3A_42, %dma_wait3A_135] : memref<262144x128xf32, #tpu.memory_space<hbm>> -> memref<512x128xf32, #tpu.memory_space<hbm>>
      tpu.wait_dma2 semaphore(%run_scoped3A : memref<!tpu.dma_semaphore, #tpu.memory_space<semaphore_mem>>) src(%arg6 : memref<512x128xf32, #tpu.memory_space<vmem>>) dst(%dma_wait3A_136 : memref<512x128xf32, #tpu.memory_space<hbm>>)
      tpu.yield
    }) : () -> ()
    %add3A_49 = arith.constant 3072 : i32
    %add3A_50 = arith.addi %mul3A_2, %add3A_49 : i32
    "tpu.region"() ({
      %run_scoped3A = tpu.sem_alloc : memref<!tpu.dma_semaphore, #tpu.memory_space<semaphore_mem>>
      %dma_start3A_129 = tpu.memref_slice %arg3[%add3A_50] : memref<262144xi32, #tpu.memory_space<hbm>> -> memref<512xi32, #tpu.memory_space<hbm>>
      %dma_start3A_130 = tpu.memref_slice %arg3[%add3A_50] : memref<262144xi32, #tpu.memory_space<hbm>> -> memref<512xi32, #tpu.memory_space<hbm>>
      tpu.enqueue_dma source(%dma_start3A_130 : memref<512xi32, #tpu.memory_space<hbm>>) target(%arg5 : memref<512xi32, #tpu.memory_space<vmem>>) target_semaphore(%run_scoped3A : memref<!tpu.dma_semaphore, #tpu.memory_space<semaphore_mem>>)
      %dma_wait3A_131 = tpu.memref_slice %arg3[%add3A_50] : memref<262144xi32, #tpu.memory_space<hbm>> -> memref<512xi32, #tpu.memory_space<hbm>>
      %dma_wait3A_132 = tpu.memref_slice %arg3[%add3A_50] : memref<262144xi32, #tpu.memory_space<hbm>> -> memref<512xi32, #tpu.memory_space<hbm>>
      tpu.wait_dma2 semaphore(%run_scoped3A : memref<!tpu.dma_semaphore, #tpu.memory_space<semaphore_mem>>) src(%dma_wait3A_132 : memref<512xi32, #tpu.memory_space<hbm>>) dst(%arg5 : memref<512xi32, #tpu.memory_space<vmem>>)
      tpu.yield
    }) : () -> ()
    %dma_start3A_51 = arith.constant 0 : i32
    %dma_start3A_52 = arith.constant 0 : i32
    %dma_start3A_53 = tpu.memref_slice %arg2[%dma_start3A_51, %dma_start3A_52] : memref<6553600x128xf32, #tpu.memory_space<hbm>> -> memref<6553600x128xf32, #tpu.memory_space<hbm>>
    tpu.enqueue_indirect_dma source(%dma_start3A_53 : memref<6553600x128xf32, #tpu.memory_space<hbm>>) target(%arg6 : memref<512x128xf32, #tpu.memory_space<vmem>>) offsets(%arg5 : memref<512xi32, #tpu.memory_space<vmem>>) semaphore(%arg7 : memref<!tpu.dma_semaphore, #tpu.memory_space<semaphore_mem>>)
    %dma_wait3A_54 = arith.constant 0 : i32
    %dma_wait3A_55 = arith.constant 0 : i32
    %dma_wait3A_56 = tpu.memref_slice %arg2[%dma_wait3A_54, %dma_wait3A_55] : memref<6553600x128xf32, #tpu.memory_space<hbm>> -> memref<6553600x128xf32, #tpu.memory_space<hbm>>
    tpu.wait_indirect_dma semaphore(%arg7 : memref<!tpu.dma_semaphore, #tpu.memory_space<semaphore_mem>>) src(%dma_wait3A_56 : memref<6553600x128xf32, #tpu.memory_space<hbm>>) dst(%arg6 : memref<512x128xf32, #tpu.memory_space<vmem>>)
    "tpu.region"() ({
      %run_scoped3A = tpu.sem_alloc : memref<!tpu.dma_semaphore, #tpu.memory_space<semaphore_mem>>
      %dma_start3A_129 = arith.constant 0 : i32
      %dma_start3A_130 = tpu.memref_slice %arg4[%add3A_50, %dma_start3A_129] : memref<262144x128xf32, #tpu.memory_space<hbm>> -> memref<512x128xf32, #tpu.memory_space<hbm>>
      %dma_start3A_131 = arith.constant 0 : i32
      %dma_start3A_132 = tpu.memref_slice %arg4[%add3A_50, %dma_start3A_131] : memref<262144x128xf32, #tpu.memory_space<hbm>> -> memref<512x128xf32, #tpu.memory_space<hbm>>
      tpu.enqueue_dma source(%arg6 : memref<512x128xf32, #tpu.memory_space<vmem>>) target(%dma_start3A_132 : memref<512x128xf32, #tpu.memory_space<hbm>>) target_semaphore(%run_scoped3A : memref<!tpu.dma_semaphore, #tpu.memory_space<semaphore_mem>>)
      %dma_wait3A_133 = arith.constant 0 : i32
      %dma_wait3A_134 = tpu.memref_slice %arg4[%add3A_50, %dma_wait3A_133] : memref<262144x128xf32, #tpu.memory_space<hbm>> -> memref<512x128xf32, #tpu.memory_space<hbm>>
      %dma_wait3A_135 = arith.constant 0 : i32
      %dma_wait3A_136 = tpu.memref_slice %arg4[%add3A_50, %dma_wait3A_135] : memref<262144x128xf32, #tpu.memory_space<hbm>> -> memref<512x128xf32, #tpu.memory_space<hbm>>
      tpu.wait_dma2 semaphore(%run_scoped3A : memref<!tpu.dma_semaphore, #tpu.memory_space<semaphore_mem>>) src(%arg6 : memref<512x128xf32, #tpu.memory_space<vmem>>) dst(%dma_wait3A_136 : memref<512x128xf32, #tpu.memory_space<hbm>>)
      tpu.yield
    }) : () -> ()
    %add3A_57 = arith.constant 3584 : i32
    %add3A_58 = arith.addi %mul3A_2, %add3A_57 : i32
    "tpu.region"() ({
      %run_scoped3A = tpu.sem_alloc : memref<!tpu.dma_semaphore, #tpu.memory_space<semaphore_mem>>
      %dma_start3A_129 = tpu.memref_slice %arg3[%add3A_58] : memref<262144xi32, #tpu.memory_space<hbm>> -> memref<512xi32, #tpu.memory_space<hbm>>
      %dma_start3A_130 = tpu.memref_slice %arg3[%add3A_58] : memref<262144xi32, #tpu.memory_space<hbm>> -> memref<512xi32, #tpu.memory_space<hbm>>
      tpu.enqueue_dma source(%dma_start3A_130 : memref<512xi32, #tpu.memory_space<hbm>>) target(%arg5 : memref<512xi32, #tpu.memory_space<vmem>>) target_semaphore(%run_scoped3A : memref<!tpu.dma_semaphore, #tpu.memory_space<semaphore_mem>>)
      %dma_wait3A_131 = tpu.memref_slice %arg3[%add3A_58] : memref<262144xi32, #tpu.memory_space<hbm>> -> memref<512xi32, #tpu.memory_space<hbm>>
      %dma_wait3A_132 = tpu.memref_slice %arg3[%add3A_58] : memref<262144xi32, #tpu.memory_space<hbm>> -> memref<512xi32, #tpu.memory_space<hbm>>
      tpu.wait_dma2 semaphore(%run_scoped3A : memref<!tpu.dma_semaphore, #tpu.memory_space<semaphore_mem>>) src(%dma_wait3A_132 : memref<512xi32, #tpu.memory_space<hbm>>) dst(%arg5 : memref<512xi32, #tpu.memory_space<vmem>>)
      tpu.yield
    }) : () -> ()
    %dma_start3A_59 = arith.constant 0 : i32
    %dma_start3A_60 = arith.constant 0 : i32
    %dma_start3A_61 = tpu.memref_slice %arg2[%dma_start3A_59, %dma_start3A_60] : memref<6553600x128xf32, #tpu.memory_space<hbm>> -> memref<6553600x128xf32, #tpu.memory_space<hbm>>
    tpu.enqueue_indirect_dma source(%dma_start3A_61 : memref<6553600x128xf32, #tpu.memory_space<hbm>>) target(%arg6 : memref<512x128xf32, #tpu.memory_space<vmem>>) offsets(%arg5 : memref<512xi32, #tpu.memory_space<vmem>>) semaphore(%arg7 : memref<!tpu.dma_semaphore, #tpu.memory_space<semaphore_mem>>)
    %dma_wait3A_62 = arith.constant 0 : i32
    %dma_wait3A_63 = arith.constant 0 : i32
    %dma_wait3A_64 = tpu.memref_slice %arg2[%dma_wait3A_62, %dma_wait3A_63] : memref<6553600x128xf32, #tpu.memory_space<hbm>> -> memref<6553600x128xf32, #tpu.memory_space<hbm>>
    tpu.wait_indirect_dma semaphore(%arg7 : memref<!tpu.dma_semaphore, #tpu.memory_space<semaphore_mem>>) src(%dma_wait3A_64 : memref<6553600x128xf32, #tpu.memory_space<hbm>>) dst(%arg6 : memref<512x128xf32, #tpu.memory_space<vmem>>)
    "tpu.region"() ({
      %run_scoped3A = tpu.sem_alloc : memref<!tpu.dma_semaphore, #tpu.memory_space<semaphore_mem>>
      %dma_start3A_129 = arith.constant 0 : i32
      %dma_start3A_130 = tpu.memref_slice %arg4[%add3A_58, %dma_start3A_129] : memref<262144x128xf32, #tpu.memory_space<hbm>> -> memref<512x128xf32, #tpu.memory_space<hbm>>
      %dma_start3A_131 = arith.constant 0 : i32
      %dma_start3A_132 = tpu.memref_slice %arg4[%add3A_58, %dma_start3A_131] : memref<262144x128xf32, #tpu.memory_space<hbm>> -> memref<512x128xf32, #tpu.memory_space<hbm>>
      tpu.enqueue_dma source(%arg6 : memref<512x128xf32, #tpu.memory_space<vmem>>) target(%dma_start3A_132 : memref<512x128xf32, #tpu.memory_space<hbm>>) target_semaphore(%run_scoped3A : memref<!tpu.dma_semaphore, #tpu.memory_space<semaphore_mem>>)
      %dma_wait3A_133 = arith.constant 0 : i32
      %dma_wait3A_134 = tpu.memref_slice %arg4[%add3A_58, %dma_wait3A_133] : memref<262144x128xf32, #tpu.memory_space<hbm>> -> memref<512x128xf32, #tpu.memory_space<hbm>>
      %dma_wait3A_135 = arith.constant 0 : i32
      %dma_wait3A_136 = tpu.memref_slice %arg4[%add3A_58, %dma_wait3A_135] : memref<262144x128xf32, #tpu.memory_space<hbm>> -> memref<512x128xf32, #tpu.memory_space<hbm>>
      tpu.wait_dma2 semaphore(%run_scoped3A : memref<!tpu.dma_semaphore, #tpu.memory_space<semaphore_mem>>) src(%arg6 : memref<512x128xf32, #tpu.memory_space<vmem>>) dst(%dma_wait3A_136 : memref<512x128xf32, #tpu.memory_space<hbm>>)
      tpu.yield
    }) : () -> ()
    %add3A_65 = arith.constant 4096 : i32
    %add3A_66 = arith.addi %mul3A_2, %add3A_65 : i32
    "tpu.region"() ({
      %run_scoped3A = tpu.sem_alloc : memref<!tpu.dma_semaphore, #tpu.memory_space<semaphore_mem>>
      %dma_start3A_129 = tpu.memref_slice %arg3[%add3A_66] : memref<262144xi32, #tpu.memory_space<hbm>> -> memref<512xi32, #tpu.memory_space<hbm>>
      %dma_start3A_130 = tpu.memref_slice %arg3[%add3A_66] : memref<262144xi32, #tpu.memory_space<hbm>> -> memref<512xi32, #tpu.memory_space<hbm>>
      tpu.enqueue_dma source(%dma_start3A_130 : memref<512xi32, #tpu.memory_space<hbm>>) target(%arg5 : memref<512xi32, #tpu.memory_space<vmem>>) target_semaphore(%run_scoped3A : memref<!tpu.dma_semaphore, #tpu.memory_space<semaphore_mem>>)
      %dma_wait3A_131 = tpu.memref_slice %arg3[%add3A_66] : memref<262144xi32, #tpu.memory_space<hbm>> -> memref<512xi32, #tpu.memory_space<hbm>>
      %dma_wait3A_132 = tpu.memref_slice %arg3[%add3A_66] : memref<262144xi32, #tpu.memory_space<hbm>> -> memref<512xi32, #tpu.memory_space<hbm>>
      tpu.wait_dma2 semaphore(%run_scoped3A : memref<!tpu.dma_semaphore, #tpu.memory_space<semaphore_mem>>) src(%dma_wait3A_132 : memref<512xi32, #tpu.memory_space<hbm>>) dst(%arg5 : memref<512xi32, #tpu.memory_space<vmem>>)
      tpu.yield
    }) : () -> ()
    %dma_start3A_67 = arith.constant 0 : i32
    %dma_start3A_68 = arith.constant 0 : i32
    %dma_start3A_69 = tpu.memref_slice %arg2[%dma_start3A_67, %dma_start3A_68] : memref<6553600x128xf32, #tpu.memory_space<hbm>> -> memref<6553600x128xf32, #tpu.memory_space<hbm>>
    tpu.enqueue_indirect_dma source(%dma_start3A_69 : memref<6553600x128xf32, #tpu.memory_space<hbm>>) target(%arg6 : memref<512x128xf32, #tpu.memory_space<vmem>>) offsets(%arg5 : memref<512xi32, #tpu.memory_space<vmem>>) semaphore(%arg7 : memref<!tpu.dma_semaphore, #tpu.memory_space<semaphore_mem>>)
    %dma_wait3A_70 = arith.constant 0 : i32
    %dma_wait3A_71 = arith.constant 0 : i32
    %dma_wait3A_72 = tpu.memref_slice %arg2[%dma_wait3A_70, %dma_wait3A_71] : memref<6553600x128xf32, #tpu.memory_space<hbm>> -> memref<6553600x128xf32, #tpu.memory_space<hbm>>
    tpu.wait_indirect_dma semaphore(%arg7 : memref<!tpu.dma_semaphore, #tpu.memory_space<semaphore_mem>>) src(%dma_wait3A_72 : memref<6553600x128xf32, #tpu.memory_space<hbm>>) dst(%arg6 : memref<512x128xf32, #tpu.memory_space<vmem>>)
    "tpu.region"() ({
      %run_scoped3A = tpu.sem_alloc : memref<!tpu.dma_semaphore, #tpu.memory_space<semaphore_mem>>
      %dma_start3A_129 = arith.constant 0 : i32
      %dma_start3A_130 = tpu.memref_slice %arg4[%add3A_66, %dma_start3A_129] : memref<262144x128xf32, #tpu.memory_space<hbm>> -> memref<512x128xf32, #tpu.memory_space<hbm>>
      %dma_start3A_131 = arith.constant 0 : i32
      %dma_start3A_132 = tpu.memref_slice %arg4[%add3A_66, %dma_start3A_131] : memref<262144x128xf32, #tpu.memory_space<hbm>> -> memref<512x128xf32, #tpu.memory_space<hbm>>
      tpu.enqueue_dma source(%arg6 : memref<512x128xf32, #tpu.memory_space<vmem>>) target(%dma_start3A_132 : memref<512x128xf32, #tpu.memory_space<hbm>>) target_semaphore(%run_scoped3A : memref<!tpu.dma_semaphore, #tpu.memory_space<semaphore_mem>>)
      %dma_wait3A_133 = arith.constant 0 : i32
      %dma_wait3A_134 = tpu.memref_slice %arg4[%add3A_66, %dma_wait3A_133] : memref<262144x128xf32, #tpu.memory_space<hbm>> -> memref<512x128xf32, #tpu.memory_space<hbm>>
      %dma_wait3A_135 = arith.constant 0 : i32
      %dma_wait3A_136 = tpu.memref_slice %arg4[%add3A_66, %dma_wait3A_135] : memref<262144x128xf32, #tpu.memory_space<hbm>> -> memref<512x128xf32, #tpu.memory_space<hbm>>
      tpu.wait_dma2 semaphore(%run_scoped3A : memref<!tpu.dma_semaphore, #tpu.memory_space<semaphore_mem>>) src(%arg6 : memref<512x128xf32, #tpu.memory_space<vmem>>) dst(%dma_wait3A_136 : memref<512x128xf32, #tpu.memory_space<hbm>>)
      tpu.yield
    }) : () -> ()
    %add3A_73 = arith.constant 4608 : i32
    %add3A_74 = arith.addi %mul3A_2, %add3A_73 : i32
    "tpu.region"() ({
      %run_scoped3A = tpu.sem_alloc : memref<!tpu.dma_semaphore, #tpu.memory_space<semaphore_mem>>
      %dma_start3A_129 = tpu.memref_slice %arg3[%add3A_74] : memref<262144xi32, #tpu.memory_space<hbm>> -> memref<512xi32, #tpu.memory_space<hbm>>
      %dma_start3A_130 = tpu.memref_slice %arg3[%add3A_74] : memref<262144xi32, #tpu.memory_space<hbm>> -> memref<512xi32, #tpu.memory_space<hbm>>
      tpu.enqueue_dma source(%dma_start3A_130 : memref<512xi32, #tpu.memory_space<hbm>>) target(%arg5 : memref<512xi32, #tpu.memory_space<vmem>>) target_semaphore(%run_scoped3A : memref<!tpu.dma_semaphore, #tpu.memory_space<semaphore_mem>>)
      %dma_wait3A_131 = tpu.memref_slice %arg3[%add3A_74] : memref<262144xi32, #tpu.memory_space<hbm>> -> memref<512xi32, #tpu.memory_space<hbm>>
      %dma_wait3A_132 = tpu.memref_slice %arg3[%add3A_74] : memref<262144xi32, #tpu.memory_space<hbm>> -> memref<512xi32, #tpu.memory_space<hbm>>
      tpu.wait_dma2 semaphore(%run_scoped3A : memref<!tpu.dma_semaphore, #tpu.memory_space<semaphore_mem>>) src(%dma_wait3A_132 : memref<512xi32, #tpu.memory_space<hbm>>) dst(%arg5 : memref<512xi32, #tpu.memory_space<vmem>>)
      tpu.yield
    }) : () -> ()
    %dma_start3A_75 = arith.constant 0 : i32
    %dma_start3A_76 = arith.constant 0 : i32
    %dma_start3A_77 = tpu.memref_slice %arg2[%dma_start3A_75, %dma_start3A_76] : memref<6553600x128xf32, #tpu.memory_space<hbm>> -> memref<6553600x128xf32, #tpu.memory_space<hbm>>
    tpu.enqueue_indirect_dma source(%dma_start3A_77 : memref<6553600x128xf32, #tpu.memory_space<hbm>>) target(%arg6 : memref<512x128xf32, #tpu.memory_space<vmem>>) offsets(%arg5 : memref<512xi32, #tpu.memory_space<vmem>>) semaphore(%arg7 : memref<!tpu.dma_semaphore, #tpu.memory_space<semaphore_mem>>)
    %dma_wait3A_78 = arith.constant 0 : i32
    %dma_wait3A_79 = arith.constant 0 : i32
    %dma_wait3A_80 = tpu.memref_slice %arg2[%dma_wait3A_78, %dma_wait3A_79] : memref<6553600x128xf32, #tpu.memory_space<hbm>> -> memref<6553600x128xf32, #tpu.memory_space<hbm>>
    tpu.wait_indirect_dma semaphore(%arg7 : memref<!tpu.dma_semaphore, #tpu.memory_space<semaphore_mem>>) src(%dma_wait3A_80 : memref<6553600x128xf32, #tpu.memory_space<hbm>>) dst(%arg6 : memref<512x128xf32, #tpu.memory_space<vmem>>)
    "tpu.region"() ({
      %run_scoped3A = tpu.sem_alloc : memref<!tpu.dma_semaphore, #tpu.memory_space<semaphore_mem>>
      %dma_start3A_129 = arith.constant 0 : i32
      %dma_start3A_130 = tpu.memref_slice %arg4[%add3A_74, %dma_start3A_129] : memref<262144x128xf32, #tpu.memory_space<hbm>> -> memref<512x128xf32, #tpu.memory_space<hbm>>
      %dma_start3A_131 = arith.constant 0 : i32
      %dma_start3A_132 = tpu.memref_slice %arg4[%add3A_74, %dma_start3A_131] : memref<262144x128xf32, #tpu.memory_space<hbm>> -> memref<512x128xf32, #tpu.memory_space<hbm>>
      tpu.enqueue_dma source(%arg6 : memref<512x128xf32, #tpu.memory_space<vmem>>) target(%dma_start3A_132 : memref<512x128xf32, #tpu.memory_space<hbm>>) target_semaphore(%run_scoped3A : memref<!tpu.dma_semaphore, #tpu.memory_space<semaphore_mem>>)
      %dma_wait3A_133 = arith.constant 0 : i32
      %dma_wait3A_134 = tpu.memref_slice %arg4[%add3A_74, %dma_wait3A_133] : memref<262144x128xf32, #tpu.memory_space<hbm>> -> memref<512x128xf32, #tpu.memory_space<hbm>>
      %dma_wait3A_135 = arith.constant 0 : i32
      %dma_wait3A_136 = tpu.memref_slice %arg4[%add3A_74, %dma_wait3A_135] : memref<262144x128xf32, #tpu.memory_space<hbm>> -> memref<512x128xf32, #tpu.memory_space<hbm>>
      tpu.wait_dma2 semaphore(%run_scoped3A : memref<!tpu.dma_semaphore, #tpu.memory_space<semaphore_mem>>) src(%arg6 : memref<512x128xf32, #tpu.memory_space<vmem>>) dst(%dma_wait3A_136 : memref<512x128xf32, #tpu.memory_space<hbm>>)
      tpu.yield
    }) : () -> ()
    %add3A_81 = arith.constant 5120 : i32
    %add3A_82 = arith.addi %mul3A_2, %add3A_81 : i32
    "tpu.region"() ({
      %run_scoped3A = tpu.sem_alloc : memref<!tpu.dma_semaphore, #tpu.memory_space<semaphore_mem>>
      %dma_start3A_129 = tpu.memref_slice %arg3[%add3A_82] : memref<262144xi32, #tpu.memory_space<hbm>> -> memref<512xi32, #tpu.memory_space<hbm>>
      %dma_start3A_130 = tpu.memref_slice %arg3[%add3A_82] : memref<262144xi32, #tpu.memory_space<hbm>> -> memref<512xi32, #tpu.memory_space<hbm>>
      tpu.enqueue_dma source(%dma_start3A_130 : memref<512xi32, #tpu.memory_space<hbm>>) target(%arg5 : memref<512xi32, #tpu.memory_space<vmem>>) target_semaphore(%run_scoped3A : memref<!tpu.dma_semaphore, #tpu.memory_space<semaphore_mem>>)
      %dma_wait3A_131 = tpu.memref_slice %arg3[%add3A_82] : memref<262144xi32, #tpu.memory_space<hbm>> -> memref<512xi32, #tpu.memory_space<hbm>>
      %dma_wait3A_132 = tpu.memref_slice %arg3[%add3A_82] : memref<262144xi32, #tpu.memory_space<hbm>> -> memref<512xi32, #tpu.memory_space<hbm>>
      tpu.wait_dma2 semaphore(%run_scoped3A : memref<!tpu.dma_semaphore, #tpu.memory_space<semaphore_mem>>) src(%dma_wait3A_132 : memref<512xi32, #tpu.memory_space<hbm>>) dst(%arg5 : memref<512xi32, #tpu.memory_space<vmem>>)
      tpu.yield
    }) : () -> ()
    %dma_start3A_83 = arith.constant 0 : i32
    %dma_start3A_84 = arith.constant 0 : i32
    %dma_start3A_85 = tpu.memref_slice %arg2[%dma_start3A_83, %dma_start3A_84] : memref<6553600x128xf32, #tpu.memory_space<hbm>> -> memref<6553600x128xf32, #tpu.memory_space<hbm>>
    tpu.enqueue_indirect_dma source(%dma_start3A_85 : memref<6553600x128xf32, #tpu.memory_space<hbm>>) target(%arg6 : memref<512x128xf32, #tpu.memory_space<vmem>>) offsets(%arg5 : memref<512xi32, #tpu.memory_space<vmem>>) semaphore(%arg7 : memref<!tpu.dma_semaphore, #tpu.memory_space<semaphore_mem>>)
    %dma_wait3A_86 = arith.constant 0 : i32
    %dma_wait3A_87 = arith.constant 0 : i32
    %dma_wait3A_88 = tpu.memref_slice %arg2[%dma_wait3A_86, %dma_wait3A_87] : memref<6553600x128xf32, #tpu.memory_space<hbm>> -> memref<6553600x128xf32, #tpu.memory_space<hbm>>
    tpu.wait_indirect_dma semaphore(%arg7 : memref<!tpu.dma_semaphore, #tpu.memory_space<semaphore_mem>>) src(%dma_wait3A_88 : memref<6553600x128xf32, #tpu.memory_space<hbm>>) dst(%arg6 : memref<512x128xf32, #tpu.memory_space<vmem>>)
    "tpu.region"() ({
      %run_scoped3A = tpu.sem_alloc : memref<!tpu.dma_semaphore, #tpu.memory_space<semaphore_mem>>
      %dma_start3A_129 = arith.constant 0 : i32
      %dma_start3A_130 = tpu.memref_slice %arg4[%add3A_82, %dma_start3A_129] : memref<262144x128xf32, #tpu.memory_space<hbm>> -> memref<512x128xf32, #tpu.memory_space<hbm>>
      %dma_start3A_131 = arith.constant 0 : i32
      %dma_start3A_132 = tpu.memref_slice %arg4[%add3A_82, %dma_start3A_131] : memref<262144x128xf32, #tpu.memory_space<hbm>> -> memref<512x128xf32, #tpu.memory_space<hbm>>
      tpu.enqueue_dma source(%arg6 : memref<512x128xf32, #tpu.memory_space<vmem>>) target(%dma_start3A_132 : memref<512x128xf32, #tpu.memory_space<hbm>>) target_semaphore(%run_scoped3A : memref<!tpu.dma_semaphore, #tpu.memory_space<semaphore_mem>>)
      %dma_wait3A_133 = arith.constant 0 : i32
      %dma_wait3A_134 = tpu.memref_slice %arg4[%add3A_82, %dma_wait3A_133] : memref<262144x128xf32, #tpu.memory_space<hbm>> -> memref<512x128xf32, #tpu.memory_space<hbm>>
      %dma_wait3A_135 = arith.constant 0 : i32
      %dma_wait3A_136 = tpu.memref_slice %arg4[%add3A_82, %dma_wait3A_135] : memref<262144x128xf32, #tpu.memory_space<hbm>> -> memref<512x128xf32, #tpu.memory_space<hbm>>
      tpu.wait_dma2 semaphore(%run_scoped3A : memref<!tpu.dma_semaphore, #tpu.memory_space<semaphore_mem>>) src(%arg6 : memref<512x128xf32, #tpu.memory_space<vmem>>) dst(%dma_wait3A_136 : memref<512x128xf32, #tpu.memory_space<hbm>>)
      tpu.yield
    }) : () -> ()
    %add3A_89 = arith.constant 5632 : i32
    %add3A_90 = arith.addi %mul3A_2, %add3A_89 : i32
    "tpu.region"() ({
      %run_scoped3A = tpu.sem_alloc : memref<!tpu.dma_semaphore, #tpu.memory_space<semaphore_mem>>
      %dma_start3A_129 = tpu.memref_slice %arg3[%add3A_90] : memref<262144xi32, #tpu.memory_space<hbm>> -> memref<512xi32, #tpu.memory_space<hbm>>
      %dma_start3A_130 = tpu.memref_slice %arg3[%add3A_90] : memref<262144xi32, #tpu.memory_space<hbm>> -> memref<512xi32, #tpu.memory_space<hbm>>
      tpu.enqueue_dma source(%dma_start3A_130 : memref<512xi32, #tpu.memory_space<hbm>>) target(%arg5 : memref<512xi32, #tpu.memory_space<vmem>>) target_semaphore(%run_scoped3A : memref<!tpu.dma_semaphore, #tpu.memory_space<semaphore_mem>>)
      %dma_wait3A_131 = tpu.memref_slice %arg3[%add3A_90] : memref<262144xi32, #tpu.memory_space<hbm>> -> memref<512xi32, #tpu.memory_space<hbm>>
      %dma_wait3A_132 = tpu.memref_slice %arg3[%add3A_90] : memref<262144xi32, #tpu.memory_space<hbm>> -> memref<512xi32, #tpu.memory_space<hbm>>
      tpu.wait_dma2 semaphore(%run_scoped3A : memref<!tpu.dma_semaphore, #tpu.memory_space<semaphore_mem>>) src(%dma_wait3A_132 : memref<512xi32, #tpu.memory_space<hbm>>) dst(%arg5 : memref<512xi32, #tpu.memory_space<vmem>>)
      tpu.yield
    }) : () -> ()
    %dma_start3A_91 = arith.constant 0 : i32
    %dma_start3A_92 = arith.constant 0 : i32
    %dma_start3A_93 = tpu.memref_slice %arg2[%dma_start3A_91, %dma_start3A_92] : memref<6553600x128xf32, #tpu.memory_space<hbm>> -> memref<6553600x128xf32, #tpu.memory_space<hbm>>
    tpu.enqueue_indirect_dma source(%dma_start3A_93 : memref<6553600x128xf32, #tpu.memory_space<hbm>>) target(%arg6 : memref<512x128xf32, #tpu.memory_space<vmem>>) offsets(%arg5 : memref<512xi32, #tpu.memory_space<vmem>>) semaphore(%arg7 : memref<!tpu.dma_semaphore, #tpu.memory_space<semaphore_mem>>)
    %dma_wait3A_94 = arith.constant 0 : i32
    %dma_wait3A_95 = arith.constant 0 : i32
    %dma_wait3A_96 = tpu.memref_slice %arg2[%dma_wait3A_94, %dma_wait3A_95] : memref<6553600x128xf32, #tpu.memory_space<hbm>> -> memref<6553600x128xf32, #tpu.memory_space<hbm>>
    tpu.wait_indirect_dma semaphore(%arg7 : memref<!tpu.dma_semaphore, #tpu.memory_space<semaphore_mem>>) src(%dma_wait3A_96 : memref<6553600x128xf32, #tpu.memory_space<hbm>>) dst(%arg6 : memref<512x128xf32, #tpu.memory_space<vmem>>)
    "tpu.region"() ({
      %run_scoped3A = tpu.sem_alloc : memref<!tpu.dma_semaphore, #tpu.memory_space<semaphore_mem>>
      %dma_start3A_129 = arith.constant 0 : i32
      %dma_start3A_130 = tpu.memref_slice %arg4[%add3A_90, %dma_start3A_129] : memref<262144x128xf32, #tpu.memory_space<hbm>> -> memref<512x128xf32, #tpu.memory_space<hbm>>
      %dma_start3A_131 = arith.constant 0 : i32
      %dma_start3A_132 = tpu.memref_slice %arg4[%add3A_90, %dma_start3A_131] : memref<262144x128xf32, #tpu.memory_space<hbm>> -> memref<512x128xf32, #tpu.memory_space<hbm>>
      tpu.enqueue_dma source(%arg6 : memref<512x128xf32, #tpu.memory_space<vmem>>) target(%dma_start3A_132 : memref<512x128xf32, #tpu.memory_space<hbm>>) target_semaphore(%run_scoped3A : memref<!tpu.dma_semaphore, #tpu.memory_space<semaphore_mem>>)
      %dma_wait3A_133 = arith.constant 0 : i32
      %dma_wait3A_134 = tpu.memref_slice %arg4[%add3A_90, %dma_wait3A_133] : memref<262144x128xf32, #tpu.memory_space<hbm>> -> memref<512x128xf32, #tpu.memory_space<hbm>>
      %dma_wait3A_135 = arith.constant 0 : i32
      %dma_wait3A_136 = tpu.memref_slice %arg4[%add3A_90, %dma_wait3A_135] : memref<262144x128xf32, #tpu.memory_space<hbm>> -> memref<512x128xf32, #tpu.memory_space<hbm>>
      tpu.wait_dma2 semaphore(%run_scoped3A : memref<!tpu.dma_semaphore, #tpu.memory_space<semaphore_mem>>) src(%arg6 : memref<512x128xf32, #tpu.memory_space<vmem>>) dst(%dma_wait3A_136 : memref<512x128xf32, #tpu.memory_space<hbm>>)
      tpu.yield
    }) : () -> ()
    %add3A_97 = arith.constant 6144 : i32
    %add3A_98 = arith.addi %mul3A_2, %add3A_97 : i32
    "tpu.region"() ({
      %run_scoped3A = tpu.sem_alloc : memref<!tpu.dma_semaphore, #tpu.memory_space<semaphore_mem>>
      %dma_start3A_129 = tpu.memref_slice %arg3[%add3A_98] : memref<262144xi32, #tpu.memory_space<hbm>> -> memref<512xi32, #tpu.memory_space<hbm>>
      %dma_start3A_130 = tpu.memref_slice %arg3[%add3A_98] : memref<262144xi32, #tpu.memory_space<hbm>> -> memref<512xi32, #tpu.memory_space<hbm>>
      tpu.enqueue_dma source(%dma_start3A_130 : memref<512xi32, #tpu.memory_space<hbm>>) target(%arg5 : memref<512xi32, #tpu.memory_space<vmem>>) target_semaphore(%run_scoped3A : memref<!tpu.dma_semaphore, #tpu.memory_space<semaphore_mem>>)
      %dma_wait3A_131 = tpu.memref_slice %arg3[%add3A_98] : memref<262144xi32, #tpu.memory_space<hbm>> -> memref<512xi32, #tpu.memory_space<hbm>>
      %dma_wait3A_132 = tpu.memref_slice %arg3[%add3A_98] : memref<262144xi32, #tpu.memory_space<hbm>> -> memref<512xi32, #tpu.memory_space<hbm>>
      tpu.wait_dma2 semaphore(%run_scoped3A : memref<!tpu.dma_semaphore, #tpu.memory_space<semaphore_mem>>) src(%dma_wait3A_132 : memref<512xi32, #tpu.memory_space<hbm>>) dst(%arg5 : memref<512xi32, #tpu.memory_space<vmem>>)
      tpu.yield
    }) : () -> ()
    %dma_start3A_99 = arith.constant 0 : i32
    %dma_start3A_100 = arith.constant 0 : i32
    %dma_start3A_101 = tpu.memref_slice %arg2[%dma_start3A_99, %dma_start3A_100] : memref<6553600x128xf32, #tpu.memory_space<hbm>> -> memref<6553600x128xf32, #tpu.memory_space<hbm>>
    tpu.enqueue_indirect_dma source(%dma_start3A_101 : memref<6553600x128xf32, #tpu.memory_space<hbm>>) target(%arg6 : memref<512x128xf32, #tpu.memory_space<vmem>>) offsets(%arg5 : memref<512xi32, #tpu.memory_space<vmem>>) semaphore(%arg7 : memref<!tpu.dma_semaphore, #tpu.memory_space<semaphore_mem>>)
    %dma_wait3A_102 = arith.constant 0 : i32
    %dma_wait3A_103 = arith.constant 0 : i32
    %dma_wait3A_104 = tpu.memref_slice %arg2[%dma_wait3A_102, %dma_wait3A_103] : memref<6553600x128xf32, #tpu.memory_space<hbm>> -> memref<6553600x128xf32, #tpu.memory_space<hbm>>
    tpu.wait_indirect_dma semaphore(%arg7 : memref<!tpu.dma_semaphore, #tpu.memory_space<semaphore_mem>>) src(%dma_wait3A_104 : memref<6553600x128xf32, #tpu.memory_space<hbm>>) dst(%arg6 : memref<512x128xf32, #tpu.memory_space<vmem>>)
    "tpu.region"() ({
      %run_scoped3A = tpu.sem_alloc : memref<!tpu.dma_semaphore, #tpu.memory_space<semaphore_mem>>
      %dma_start3A_129 = arith.constant 0 : i32
      %dma_start3A_130 = tpu.memref_slice %arg4[%add3A_98, %dma_start3A_129] : memref<262144x128xf32, #tpu.memory_space<hbm>> -> memref<512x128xf32, #tpu.memory_space<hbm>>
      %dma_start3A_131 = arith.constant 0 : i32
      %dma_start3A_132 = tpu.memref_slice %arg4[%add3A_98, %dma_start3A_131] : memref<262144x128xf32, #tpu.memory_space<hbm>> -> memref<512x128xf32, #tpu.memory_space<hbm>>
      tpu.enqueue_dma source(%arg6 : memref<512x128xf32, #tpu.memory_space<vmem>>) target(%dma_start3A_132 : memref<512x128xf32, #tpu.memory_space<hbm>>) target_semaphore(%run_scoped3A : memref<!tpu.dma_semaphore, #tpu.memory_space<semaphore_mem>>)
      %dma_wait3A_133 = arith.constant 0 : i32
      %dma_wait3A_134 = tpu.memref_slice %arg4[%add3A_98, %dma_wait3A_133] : memref<262144x128xf32, #tpu.memory_space<hbm>> -> memref<512x128xf32, #tpu.memory_space<hbm>>
      %dma_wait3A_135 = arith.constant 0 : i32
      %dma_wait3A_136 = tpu.memref_slice %arg4[%add3A_98, %dma_wait3A_135] : memref<262144x128xf32, #tpu.memory_space<hbm>> -> memref<512x128xf32, #tpu.memory_space<hbm>>
      tpu.wait_dma2 semaphore(%run_scoped3A : memref<!tpu.dma_semaphore, #tpu.memory_space<semaphore_mem>>) src(%arg6 : memref<512x128xf32, #tpu.memory_space<vmem>>) dst(%dma_wait3A_136 : memref<512x128xf32, #tpu.memory_space<hbm>>)
      tpu.yield
    }) : () -> ()
    %add3A_105 = arith.constant 6656 : i32
    %add3A_106 = arith.addi %mul3A_2, %add3A_105 : i32
    "tpu.region"() ({
      %run_scoped3A = tpu.sem_alloc : memref<!tpu.dma_semaphore, #tpu.memory_space<semaphore_mem>>
      %dma_start3A_129 = tpu.memref_slice %arg3[%add3A_106] : memref<262144xi32, #tpu.memory_space<hbm>> -> memref<512xi32, #tpu.memory_space<hbm>>
      %dma_start3A_130 = tpu.memref_slice %arg3[%add3A_106] : memref<262144xi32, #tpu.memory_space<hbm>> -> memref<512xi32, #tpu.memory_space<hbm>>
      tpu.enqueue_dma source(%dma_start3A_130 : memref<512xi32, #tpu.memory_space<hbm>>) target(%arg5 : memref<512xi32, #tpu.memory_space<vmem>>) target_semaphore(%run_scoped3A : memref<!tpu.dma_semaphore, #tpu.memory_space<semaphore_mem>>)
      %dma_wait3A_131 = tpu.memref_slice %arg3[%add3A_106] : memref<262144xi32, #tpu.memory_space<hbm>> -> memref<512xi32, #tpu.memory_space<hbm>>
      %dma_wait3A_132 = tpu.memref_slice %arg3[%add3A_106] : memref<262144xi32, #tpu.memory_space<hbm>> -> memref<512xi32, #tpu.memory_space<hbm>>
      tpu.wait_dma2 semaphore(%run_scoped3A : memref<!tpu.dma_semaphore, #tpu.memory_space<semaphore_mem>>) src(%dma_wait3A_132 : memref<512xi32, #tpu.memory_space<hbm>>) dst(%arg5 : memref<512xi32, #tpu.memory_space<vmem>>)
      tpu.yield
    }) : () -> ()
    %dma_start3A_107 = arith.constant 0 : i32
    %dma_start3A_108 = arith.constant 0 : i32
    %dma_start3A_109 = tpu.memref_slice %arg2[%dma_start3A_107, %dma_start3A_108] : memref<6553600x128xf32, #tpu.memory_space<hbm>> -> memref<6553600x128xf32, #tpu.memory_space<hbm>>
    tpu.enqueue_indirect_dma source(%dma_start3A_109 : memref<6553600x128xf32, #tpu.memory_space<hbm>>) target(%arg6 : memref<512x128xf32, #tpu.memory_space<vmem>>) offsets(%arg5 : memref<512xi32, #tpu.memory_space<vmem>>) semaphore(%arg7 : memref<!tpu.dma_semaphore, #tpu.memory_space<semaphore_mem>>)
    %dma_wait3A_110 = arith.constant 0 : i32
    %dma_wait3A_111 = arith.constant 0 : i32
    %dma_wait3A_112 = tpu.memref_slice %arg2[%dma_wait3A_110, %dma_wait3A_111] : memref<6553600x128xf32, #tpu.memory_space<hbm>> -> memref<6553600x128xf32, #tpu.memory_space<hbm>>
    tpu.wait_indirect_dma semaphore(%arg7 : memref<!tpu.dma_semaphore, #tpu.memory_space<semaphore_mem>>) src(%dma_wait3A_112 : memref<6553600x128xf32, #tpu.memory_space<hbm>>) dst(%arg6 : memref<512x128xf32, #tpu.memory_space<vmem>>)
    "tpu.region"() ({
      %run_scoped3A = tpu.sem_alloc : memref<!tpu.dma_semaphore, #tpu.memory_space<semaphore_mem>>
      %dma_start3A_129 = arith.constant 0 : i32
      %dma_start3A_130 = tpu.memref_slice %arg4[%add3A_106, %dma_start3A_129] : memref<262144x128xf32, #tpu.memory_space<hbm>> -> memref<512x128xf32, #tpu.memory_space<hbm>>
      %dma_start3A_131 = arith.constant 0 : i32
      %dma_start3A_132 = tpu.memref_slice %arg4[%add3A_106, %dma_start3A_131] : memref<262144x128xf32, #tpu.memory_space<hbm>> -> memref<512x128xf32, #tpu.memory_space<hbm>>
      tpu.enqueue_dma source(%arg6 : memref<512x128xf32, #tpu.memory_space<vmem>>) target(%dma_start3A_132 : memref<512x128xf32, #tpu.memory_space<hbm>>) target_semaphore(%run_scoped3A : memref<!tpu.dma_semaphore, #tpu.memory_space<semaphore_mem>>)
      %dma_wait3A_133 = arith.constant 0 : i32
      %dma_wait3A_134 = tpu.memref_slice %arg4[%add3A_106, %dma_wait3A_133] : memref<262144x128xf32, #tpu.memory_space<hbm>> -> memref<512x128xf32, #tpu.memory_space<hbm>>
      %dma_wait3A_135 = arith.constant 0 : i32
      %dma_wait3A_136 = tpu.memref_slice %arg4[%add3A_106, %dma_wait3A_135] : memref<262144x128xf32, #tpu.memory_space<hbm>> -> memref<512x128xf32, #tpu.memory_space<hbm>>
      tpu.wait_dma2 semaphore(%run_scoped3A : memref<!tpu.dma_semaphore, #tpu.memory_space<semaphore_mem>>) src(%arg6 : memref<512x128xf32, #tpu.memory_space<vmem>>) dst(%dma_wait3A_136 : memref<512x128xf32, #tpu.memory_space<hbm>>)
      tpu.yield
    }) : () -> ()
    %add3A_113 = arith.constant 7168 : i32
    %add3A_114 = arith.addi %mul3A_2, %add3A_113 : i32
    "tpu.region"() ({
      %run_scoped3A = tpu.sem_alloc : memref<!tpu.dma_semaphore, #tpu.memory_space<semaphore_mem>>
      %dma_start3A_129 = tpu.memref_slice %arg3[%add3A_114] : memref<262144xi32, #tpu.memory_space<hbm>> -> memref<512xi32, #tpu.memory_space<hbm>>
      %dma_start3A_130 = tpu.memref_slice %arg3[%add3A_114] : memref<262144xi32, #tpu.memory_space<hbm>> -> memref<512xi32, #tpu.memory_space<hbm>>
      tpu.enqueue_dma source(%dma_start3A_130 : memref<512xi32, #tpu.memory_space<hbm>>) target(%arg5 : memref<512xi32, #tpu.memory_space<vmem>>) target_semaphore(%run_scoped3A : memref<!tpu.dma_semaphore, #tpu.memory_space<semaphore_mem>>)
      %dma_wait3A_131 = tpu.memref_slice %arg3[%add3A_114] : memref<262144xi32, #tpu.memory_space<hbm>> -> memref<512xi32, #tpu.memory_space<hbm>>
      %dma_wait3A_132 = tpu.memref_slice %arg3[%add3A_114] : memref<262144xi32, #tpu.memory_space<hbm>> -> memref<512xi32, #tpu.memory_space<hbm>>
      tpu.wait_dma2 semaphore(%run_scoped3A : memref<!tpu.dma_semaphore, #tpu.memory_space<semaphore_mem>>) src(%dma_wait3A_132 : memref<512xi32, #tpu.memory_space<hbm>>) dst(%arg5 : memref<512xi32, #tpu.memory_space<vmem>>)
      tpu.yield
    }) : () -> ()
    %dma_start3A_115 = arith.constant 0 : i32
    %dma_start3A_116 = arith.constant 0 : i32
    %dma_start3A_117 = tpu.memref_slice %arg2[%dma_start3A_115, %dma_start3A_116] : memref<6553600x128xf32, #tpu.memory_space<hbm>> -> memref<6553600x128xf32, #tpu.memory_space<hbm>>
    tpu.enqueue_indirect_dma source(%dma_start3A_117 : memref<6553600x128xf32, #tpu.memory_space<hbm>>) target(%arg6 : memref<512x128xf32, #tpu.memory_space<vmem>>) offsets(%arg5 : memref<512xi32, #tpu.memory_space<vmem>>) semaphore(%arg7 : memref<!tpu.dma_semaphore, #tpu.memory_space<semaphore_mem>>)
    %dma_wait3A_118 = arith.constant 0 : i32
    %dma_wait3A_119 = arith.constant 0 : i32
    %dma_wait3A_120 = tpu.memref_slice %arg2[%dma_wait3A_118, %dma_wait3A_119] : memref<6553600x128xf32, #tpu.memory_space<hbm>> -> memref<6553600x128xf32, #tpu.memory_space<hbm>>
    tpu.wait_indirect_dma semaphore(%arg7 : memref<!tpu.dma_semaphore, #tpu.memory_space<semaphore_mem>>) src(%dma_wait3A_120 : memref<6553600x128xf32, #tpu.memory_space<hbm>>) dst(%arg6 : memref<512x128xf32, #tpu.memory_space<vmem>>)
    "tpu.region"() ({
      %run_scoped3A = tpu.sem_alloc : memref<!tpu.dma_semaphore, #tpu.memory_space<semaphore_mem>>
      %dma_start3A_129 = arith.constant 0 : i32
      %dma_start3A_130 = tpu.memref_slice %arg4[%add3A_114, %dma_start3A_129] : memref<262144x128xf32, #tpu.memory_space<hbm>> -> memref<512x128xf32, #tpu.memory_space<hbm>>
      %dma_start3A_131 = arith.constant 0 : i32
      %dma_start3A_132 = tpu.memref_slice %arg4[%add3A_114, %dma_start3A_131] : memref<262144x128xf32, #tpu.memory_space<hbm>> -> memref<512x128xf32, #tpu.memory_space<hbm>>
      tpu.enqueue_dma source(%arg6 : memref<512x128xf32, #tpu.memory_space<vmem>>) target(%dma_start3A_132 : memref<512x128xf32, #tpu.memory_space<hbm>>) target_semaphore(%run_scoped3A : memref<!tpu.dma_semaphore, #tpu.memory_space<semaphore_mem>>)
      %dma_wait3A_133 = arith.constant 0 : i32
      %dma_wait3A_134 = tpu.memref_slice %arg4[%add3A_114, %dma_wait3A_133] : memref<262144x128xf32, #tpu.memory_space<hbm>> -> memref<512x128xf32, #tpu.memory_space<hbm>>
      %dma_wait3A_135 = arith.constant 0 : i32
      %dma_wait3A_136 = tpu.memref_slice %arg4[%add3A_114, %dma_wait3A_135] : memref<262144x128xf32, #tpu.memory_space<hbm>> -> memref<512x128xf32, #tpu.memory_space<hbm>>
      tpu.wait_dma2 semaphore(%run_scoped3A : memref<!tpu.dma_semaphore, #tpu.memory_space<semaphore_mem>>) src(%arg6 : memref<512x128xf32, #tpu.memory_space<vmem>>) dst(%dma_wait3A_136 : memref<512x128xf32, #tpu.memory_space<hbm>>)
      tpu.yield
    }) : () -> ()
    %add3A_121 = arith.constant 7680 : i32
    %add3A_122 = arith.addi %mul3A_2, %add3A_121 : i32
    "tpu.region"() ({
      %run_scoped3A = tpu.sem_alloc : memref<!tpu.dma_semaphore, #tpu.memory_space<semaphore_mem>>
      %dma_start3A_129 = tpu.memref_slice %arg3[%add3A_122] : memref<262144xi32, #tpu.memory_space<hbm>> -> memref<512xi32, #tpu.memory_space<hbm>>
      %dma_start3A_130 = tpu.memref_slice %arg3[%add3A_122] : memref<262144xi32, #tpu.memory_space<hbm>> -> memref<512xi32, #tpu.memory_space<hbm>>
      tpu.enqueue_dma source(%dma_start3A_130 : memref<512xi32, #tpu.memory_space<hbm>>) target(%arg5 : memref<512xi32, #tpu.memory_space<vmem>>) target_semaphore(%run_scoped3A : memref<!tpu.dma_semaphore, #tpu.memory_space<semaphore_mem>>)
      %dma_wait3A_131 = tpu.memref_slice %arg3[%add3A_122] : memref<262144xi32, #tpu.memory_space<hbm>> -> memref<512xi32, #tpu.memory_space<hbm>>
      %dma_wait3A_132 = tpu.memref_slice %arg3[%add3A_122] : memref<262144xi32, #tpu.memory_space<hbm>> -> memref<512xi32, #tpu.memory_space<hbm>>
      tpu.wait_dma2 semaphore(%run_scoped3A : memref<!tpu.dma_semaphore, #tpu.memory_space<semaphore_mem>>) src(%dma_wait3A_132 : memref<512xi32, #tpu.memory_space<hbm>>) dst(%arg5 : memref<512xi32, #tpu.memory_space<vmem>>)
      tpu.yield
    }) : () -> ()
    %dma_start3A_123 = arith.constant 0 : i32
    %dma_start3A_124 = arith.constant 0 : i32
    %dma_start3A_125 = tpu.memref_slice %arg2[%dma_start3A_123, %dma_start3A_124] : memref<6553600x128xf32, #tpu.memory_space<hbm>> -> memref<6553600x128xf32, #tpu.memory_space<hbm>>
    tpu.enqueue_indirect_dma source(%dma_start3A_125 : memref<6553600x128xf32, #tpu.memory_space<hbm>>) target(%arg6 : memref<512x128xf32, #tpu.memory_space<vmem>>) offsets(%arg5 : memref<512xi32, #tpu.memory_space<vmem>>) semaphore(%arg7 : memref<!tpu.dma_semaphore, #tpu.memory_space<semaphore_mem>>)
    %dma_wait3A_126 = arith.constant 0 : i32
    %dma_wait3A_127 = arith.constant 0 : i32
    %dma_wait3A_128 = tpu.memref_slice %arg2[%dma_wait3A_126, %dma_wait3A_127] : memref<6553600x128xf32, #tpu.memory_space<hbm>> -> memref<6553600x128xf32, #tpu.memory_space<hbm>>
    tpu.wait_indirect_dma semaphore(%arg7 : memref<!tpu.dma_semaphore, #tpu.memory_space<semaphore_mem>>) src(%dma_wait3A_128 : memref<6553600x128xf32, #tpu.memory_space<hbm>>) dst(%arg6 : memref<512x128xf32, #tpu.memory_space<vmem>>)
    "tpu.region"() ({
      %run_scoped3A = tpu.sem_alloc : memref<!tpu.dma_semaphore, #tpu.memory_space<semaphore_mem>>
      %dma_start3A_129 = arith.constant 0 : i32
      %dma_start3A_130 = tpu.memref_slice %arg4[%add3A_122, %dma_start3A_129] : memref<262144x128xf32, #tpu.memory_space<hbm>> -> memref<512x128xf32, #tpu.memory_space<hbm>>
      %dma_start3A_131 = arith.constant 0 : i32
      %dma_start3A_132 = tpu.memref_slice %arg4[%add3A_122, %dma_start3A_131] : memref<262144x128xf32, #tpu.memory_space<hbm>> -> memref<512x128xf32, #tpu.memory_space<hbm>>
      tpu.enqueue_dma source(%arg6 : memref<512x128xf32, #tpu.memory_space<vmem>>) target(%dma_start3A_132 : memref<512x128xf32, #tpu.memory_space<hbm>>) target_semaphore(%run_scoped3A : memref<!tpu.dma_semaphore, #tpu.memory_space<semaphore_mem>>)
      %dma_wait3A_133 = arith.constant 0 : i32
      %dma_wait3A_134 = tpu.memref_slice %arg4[%add3A_122, %dma_wait3A_133] : memref<262144x128xf32, #tpu.memory_space<hbm>> -> memref<512x128xf32, #tpu.memory_space<hbm>>
      %dma_wait3A_135 = arith.constant 0 : i32
      %dma_wait3A_136 = tpu.memref_slice %arg4[%add3A_122, %dma_wait3A_135] : memref<262144x128xf32, #tpu.memory_space<hbm>> -> memref<512x128xf32, #tpu.memory_space<hbm>>
      tpu.wait_dma2 semaphore(%run_scoped3A : memref<!tpu.dma_semaphore, #tpu.memory_space<semaphore_mem>>) src(%arg6 : memref<512x128xf32, #tpu.memory_space<vmem>>) dst(%dma_wait3A_136 : memref<512x128xf32, #tpu.memory_space<hbm>>)
      tpu.yield
    }) : () -> ()
    return
  }
}

#map = affine_map<(d0, d1) -> (0, 0)>
#map1 = affine_map<(d0, d1) -> (0)>
module attributes {stable_mosaic.version = 14 : i64} {
  func.func @k(%arg0: i32, %arg1: i32, %arg2: memref<100000x128xf32, #tpu.memory_space<hbm>>, %arg3: memref<262144xi32, #tpu.memory_space<hbm>>, %arg4: memref<262144x128xf32, #tpu.memory_space<hbm>>, %arg5: memref<512xi32, #tpu.memory_space<vmem>>, %arg6: memref<512x128xf32, #tpu.memory_space<vmem>>, %arg7: memref<!tpu.dma_semaphore, #tpu.memory_space<semaphore_mem>>) attributes {dimension_semantics = [#tpu.dimension_semantics<core_parallel>, #tpu.dimension_semantics<subcore_parallel>], iteration_bounds = array<i64: 2, 16>, scalar_prefetch = 0 : i64, scratch_operands = 3 : i64, tpu.core_type = #tpu.core_type<sc_vector_subcore>, window_params = [{transform_indices = #map}, {transform_indices = #map1}, {transform_indices = #map}]} {
    %mul3A = arith.constant 2 : i32
    %mul3A_0 = arith.muli %arg1, %mul3A : i32
    %add3A = arith.addi %mul3A_0, %arg0 : i32
    %mul3A_1 = arith.constant 8192 : i32
    %mul3A_2 = arith.muli %add3A, %mul3A_1 : i32
    %add3A_3 = arith.constant 0 : i32
    %add3A_4 = arith.addi %mul3A_2, %add3A_3 : i32
    "tpu.region"() ({
      %run_scoped3A = tpu.sem_alloc : memref<!tpu.dma_semaphore, #tpu.memory_space<semaphore_mem>>
      %dma_start3A_129 = tpu.memref_slice %arg3[%add3A_4] : memref<262144xi32, #tpu.memory_space<hbm>> -> memref<512xi32, #tpu.memory_space<hbm>>
      %dma_start3A_130 = tpu.memref_slice %arg3[%add3A_4] : memref<262144xi32, #tpu.memory_space<hbm>> -> memref<512xi32, #tpu.memory_space<hbm>>
      tpu.enqueue_dma source(%dma_start3A_130 : memref<512xi32, #tpu.memory_space<hbm>>) target(%arg5 : memref<512xi32, #tpu.memory_space<vmem>>) target_semaphore(%run_scoped3A : memref<!tpu.dma_semaphore, #tpu.memory_space<semaphore_mem>>)
      %dma_wait3A_131 = tpu.memref_slice %arg3[%add3A_4] : memref<262144xi32, #tpu.memory_space<hbm>> -> memref<512xi32, #tpu.memory_space<hbm>>
      %dma_wait3A_132 = tpu.memref_slice %arg3[%add3A_4] : memref<262144xi32, #tpu.memory_space<hbm>> -> memref<512xi32, #tpu.memory_space<hbm>>
      tpu.wait_dma2 semaphore(%run_scoped3A : memref<!tpu.dma_semaphore, #tpu.memory_space<semaphore_mem>>) src(%dma_wait3A_132 : memref<512xi32, #tpu.memory_space<hbm>>) dst(%arg5 : memref<512xi32, #tpu.memory_space<vmem>>)
      tpu.yield
    }) : () -> ()
    %dma_start3A = arith.constant 0 : i32
    %dma_start3A_5 = arith.constant 0 : i32
    %dma_start3A_6 = tpu.memref_slice %arg2[%dma_start3A, %dma_start3A_5] : memref<100000x128xf32, #tpu.memory_space<hbm>> -> memref<100000x128xf32, #tpu.memory_space<hbm>>
    tpu.enqueue_indirect_dma source(%dma_start3A_6 : memref<100000x128xf32, #tpu.memory_space<hbm>>) target(%arg6 : memref<512x128xf32, #tpu.memory_space<vmem>>) offsets(%arg5 : memref<512xi32, #tpu.memory_space<vmem>>) semaphore(%arg7 : memref<!tpu.dma_semaphore, #tpu.memory_space<semaphore_mem>>)
    %dma_wait3A = arith.constant 0 : i32
    %dma_wait3A_7 = arith.constant 0 : i32
    %dma_wait3A_8 = tpu.memref_slice %arg2[%dma_wait3A, %dma_wait3A_7] : memref<100000x128xf32, #tpu.memory_space<hbm>> -> memref<100000x128xf32, #tpu.memory_space<hbm>>
    tpu.wait_indirect_dma semaphore(%arg7 : memref<!tpu.dma_semaphore, #tpu.memory_space<semaphore_mem>>) src(%dma_wait3A_8 : memref<100000x128xf32, #tpu.memory_space<hbm>>) dst(%arg6 : memref<512x128xf32, #tpu.memory_space<vmem>>)
    "tpu.region"() ({
      %run_scoped3A = tpu.sem_alloc : memref<!tpu.dma_semaphore, #tpu.memory_space<semaphore_mem>>
      %dma_start3A_129 = arith.constant 0 : i32
      %dma_start3A_130 = tpu.memref_slice %arg4[%add3A_4, %dma_start3A_129] : memref<262144x128xf32, #tpu.memory_space<hbm>> -> memref<512x128xf32, #tpu.memory_space<hbm>>
      %dma_start3A_131 = arith.constant 0 : i32
      %dma_start3A_132 = tpu.memref_slice %arg4[%add3A_4, %dma_start3A_131] : memref<262144x128xf32, #tpu.memory_space<hbm>> -> memref<512x128xf32, #tpu.memory_space<hbm>>
      tpu.enqueue_dma source(%arg6 : memref<512x128xf32, #tpu.memory_space<vmem>>) target(%dma_start3A_132 : memref<512x128xf32, #tpu.memory_space<hbm>>) target_semaphore(%run_scoped3A : memref<!tpu.dma_semaphore, #tpu.memory_space<semaphore_mem>>)
      %dma_wait3A_133 = arith.constant 0 : i32
      %dma_wait3A_134 = tpu.memref_slice %arg4[%add3A_4, %dma_wait3A_133] : memref<262144x128xf32, #tpu.memory_space<hbm>> -> memref<512x128xf32, #tpu.memory_space<hbm>>
      %dma_wait3A_135 = arith.constant 0 : i32
      %dma_wait3A_136 = tpu.memref_slice %arg4[%add3A_4, %dma_wait3A_135] : memref<262144x128xf32, #tpu.memory_space<hbm>> -> memref<512x128xf32, #tpu.memory_space<hbm>>
      tpu.wait_dma2 semaphore(%run_scoped3A : memref<!tpu.dma_semaphore, #tpu.memory_space<semaphore_mem>>) src(%arg6 : memref<512x128xf32, #tpu.memory_space<vmem>>) dst(%dma_wait3A_136 : memref<512x128xf32, #tpu.memory_space<hbm>>)
      tpu.yield
    }) : () -> ()
    %add3A_9 = arith.constant 512 : i32
    %add3A_10 = arith.addi %mul3A_2, %add3A_9 : i32
    "tpu.region"() ({
      %run_scoped3A = tpu.sem_alloc : memref<!tpu.dma_semaphore, #tpu.memory_space<semaphore_mem>>
      %dma_start3A_129 = tpu.memref_slice %arg3[%add3A_10] : memref<262144xi32, #tpu.memory_space<hbm>> -> memref<512xi32, #tpu.memory_space<hbm>>
      %dma_start3A_130 = tpu.memref_slice %arg3[%add3A_10] : memref<262144xi32, #tpu.memory_space<hbm>> -> memref<512xi32, #tpu.memory_space<hbm>>
      tpu.enqueue_dma source(%dma_start3A_130 : memref<512xi32, #tpu.memory_space<hbm>>) target(%arg5 : memref<512xi32, #tpu.memory_space<vmem>>) target_semaphore(%run_scoped3A : memref<!tpu.dma_semaphore, #tpu.memory_space<semaphore_mem>>)
      %dma_wait3A_131 = tpu.memref_slice %arg3[%add3A_10] : memref<262144xi32, #tpu.memory_space<hbm>> -> memref<512xi32, #tpu.memory_space<hbm>>
      %dma_wait3A_132 = tpu.memref_slice %arg3[%add3A_10] : memref<262144xi32, #tpu.memory_space<hbm>> -> memref<512xi32, #tpu.memory_space<hbm>>
      tpu.wait_dma2 semaphore(%run_scoped3A : memref<!tpu.dma_semaphore, #tpu.memory_space<semaphore_mem>>) src(%dma_wait3A_132 : memref<512xi32, #tpu.memory_space<hbm>>) dst(%arg5 : memref<512xi32, #tpu.memory_space<vmem>>)
      tpu.yield
    }) : () -> ()
    %dma_start3A_11 = arith.constant 0 : i32
    %dma_start3A_12 = arith.constant 0 : i32
    %dma_start3A_13 = tpu.memref_slice %arg2[%dma_start3A_11, %dma_start3A_12] : memref<100000x128xf32, #tpu.memory_space<hbm>> -> memref<100000x128xf32, #tpu.memory_space<hbm>>
    tpu.enqueue_indirect_dma source(%dma_start3A_13 : memref<100000x128xf32, #tpu.memory_space<hbm>>) target(%arg6 : memref<512x128xf32, #tpu.memory_space<vmem>>) offsets(%arg5 : memref<512xi32, #tpu.memory_space<vmem>>) semaphore(%arg7 : memref<!tpu.dma_semaphore, #tpu.memory_space<semaphore_mem>>)
    %dma_wait3A_14 = arith.constant 0 : i32
    %dma_wait3A_15 = arith.constant 0 : i32
    %dma_wait3A_16 = tpu.memref_slice %arg2[%dma_wait3A_14, %dma_wait3A_15] : memref<100000x128xf32, #tpu.memory_space<hbm>> -> memref<100000x128xf32, #tpu.memory_space<hbm>>
    tpu.wait_indirect_dma semaphore(%arg7 : memref<!tpu.dma_semaphore, #tpu.memory_space<semaphore_mem>>) src(%dma_wait3A_16 : memref<100000x128xf32, #tpu.memory_space<hbm>>) dst(%arg6 : memref<512x128xf32, #tpu.memory_space<vmem>>)
    "tpu.region"() ({
      %run_scoped3A = tpu.sem_alloc : memref<!tpu.dma_semaphore, #tpu.memory_space<semaphore_mem>>
      %dma_start3A_129 = arith.constant 0 : i32
      %dma_start3A_130 = tpu.memref_slice %arg4[%add3A_10, %dma_start3A_129] : memref<262144x128xf32, #tpu.memory_space<hbm>> -> memref<512x128xf32, #tpu.memory_space<hbm>>
      %dma_start3A_131 = arith.constant 0 : i32
      %dma_start3A_132 = tpu.memref_slice %arg4[%add3A_10, %dma_start3A_131] : memref<262144x128xf32, #tpu.memory_space<hbm>> -> memref<512x128xf32, #tpu.memory_space<hbm>>
      tpu.enqueue_dma source(%arg6 : memref<512x128xf32, #tpu.memory_space<vmem>>) target(%dma_start3A_132 : memref<512x128xf32, #tpu.memory_space<hbm>>) target_semaphore(%run_scoped3A : memref<!tpu.dma_semaphore, #tpu.memory_space<semaphore_mem>>)
      %dma_wait3A_133 = arith.constant 0 : i32
      %dma_wait3A_134 = tpu.memref_slice %arg4[%add3A_10, %dma_wait3A_133] : memref<262144x128xf32, #tpu.memory_space<hbm>> -> memref<512x128xf32, #tpu.memory_space<hbm>>
      %dma_wait3A_135 = arith.constant 0 : i32
      %dma_wait3A_136 = tpu.memref_slice %arg4[%add3A_10, %dma_wait3A_135] : memref<262144x128xf32, #tpu.memory_space<hbm>> -> memref<512x128xf32, #tpu.memory_space<hbm>>
      tpu.wait_dma2 semaphore(%run_scoped3A : memref<!tpu.dma_semaphore, #tpu.memory_space<semaphore_mem>>) src(%arg6 : memref<512x128xf32, #tpu.memory_space<vmem>>) dst(%dma_wait3A_136 : memref<512x128xf32, #tpu.memory_space<hbm>>)
      tpu.yield
    }) : () -> ()
    %add3A_17 = arith.constant 1024 : i32
    %add3A_18 = arith.addi %mul3A_2, %add3A_17 : i32
    "tpu.region"() ({
      %run_scoped3A = tpu.sem_alloc : memref<!tpu.dma_semaphore, #tpu.memory_space<semaphore_mem>>
      %dma_start3A_129 = tpu.memref_slice %arg3[%add3A_18] : memref<262144xi32, #tpu.memory_space<hbm>> -> memref<512xi32, #tpu.memory_space<hbm>>
      %dma_start3A_130 = tpu.memref_slice %arg3[%add3A_18] : memref<262144xi32, #tpu.memory_space<hbm>> -> memref<512xi32, #tpu.memory_space<hbm>>
      tpu.enqueue_dma source(%dma_start3A_130 : memref<512xi32, #tpu.memory_space<hbm>>) target(%arg5 : memref<512xi32, #tpu.memory_space<vmem>>) target_semaphore(%run_scoped3A : memref<!tpu.dma_semaphore, #tpu.memory_space<semaphore_mem>>)
      %dma_wait3A_131 = tpu.memref_slice %arg3[%add3A_18] : memref<262144xi32, #tpu.memory_space<hbm>> -> memref<512xi32, #tpu.memory_space<hbm>>
      %dma_wait3A_132 = tpu.memref_slice %arg3[%add3A_18] : memref<262144xi32, #tpu.memory_space<hbm>> -> memref<512xi32, #tpu.memory_space<hbm>>
      tpu.wait_dma2 semaphore(%run_scoped3A : memref<!tpu.dma_semaphore, #tpu.memory_space<semaphore_mem>>) src(%dma_wait3A_132 : memref<512xi32, #tpu.memory_space<hbm>>) dst(%arg5 : memref<512xi32, #tpu.memory_space<vmem>>)
      tpu.yield
    }) : () -> ()
    %dma_start3A_19 = arith.constant 0 : i32
    %dma_start3A_20 = arith.constant 0 : i32
    %dma_start3A_21 = tpu.memref_slice %arg2[%dma_start3A_19, %dma_start3A_20] : memref<100000x128xf32, #tpu.memory_space<hbm>> -> memref<100000x128xf32, #tpu.memory_space<hbm>>
    tpu.enqueue_indirect_dma source(%dma_start3A_21 : memref<100000x128xf32, #tpu.memory_space<hbm>>) target(%arg6 : memref<512x128xf32, #tpu.memory_space<vmem>>) offsets(%arg5 : memref<512xi32, #tpu.memory_space<vmem>>) semaphore(%arg7 : memref<!tpu.dma_semaphore, #tpu.memory_space<semaphore_mem>>)
    %dma_wait3A_22 = arith.constant 0 : i32
    %dma_wait3A_23 = arith.constant 0 : i32
    %dma_wait3A_24 = tpu.memref_slice %arg2[%dma_wait3A_22, %dma_wait3A_23] : memref<100000x128xf32, #tpu.memory_space<hbm>> -> memref<100000x128xf32, #tpu.memory_space<hbm>>
    tpu.wait_indirect_dma semaphore(%arg7 : memref<!tpu.dma_semaphore, #tpu.memory_space<semaphore_mem>>) src(%dma_wait3A_24 : memref<100000x128xf32, #tpu.memory_space<hbm>>) dst(%arg6 : memref<512x128xf32, #tpu.memory_space<vmem>>)
    "tpu.region"() ({
      %run_scoped3A = tpu.sem_alloc : memref<!tpu.dma_semaphore, #tpu.memory_space<semaphore_mem>>
      %dma_start3A_129 = arith.constant 0 : i32
      %dma_start3A_130 = tpu.memref_slice %arg4[%add3A_18, %dma_start3A_129] : memref<262144x128xf32, #tpu.memory_space<hbm>> -> memref<512x128xf32, #tpu.memory_space<hbm>>
      %dma_start3A_131 = arith.constant 0 : i32
      %dma_start3A_132 = tpu.memref_slice %arg4[%add3A_18, %dma_start3A_131] : memref<262144x128xf32, #tpu.memory_space<hbm>> -> memref<512x128xf32, #tpu.memory_space<hbm>>
      tpu.enqueue_dma source(%arg6 : memref<512x128xf32, #tpu.memory_space<vmem>>) target(%dma_start3A_132 : memref<512x128xf32, #tpu.memory_space<hbm>>) target_semaphore(%run_scoped3A : memref<!tpu.dma_semaphore, #tpu.memory_space<semaphore_mem>>)
      %dma_wait3A_133 = arith.constant 0 : i32
      %dma_wait3A_134 = tpu.memref_slice %arg4[%add3A_18, %dma_wait3A_133] : memref<262144x128xf32, #tpu.memory_space<hbm>> -> memref<512x128xf32, #tpu.memory_space<hbm>>
      %dma_wait3A_135 = arith.constant 0 : i32
      %dma_wait3A_136 = tpu.memref_slice %arg4[%add3A_18, %dma_wait3A_135] : memref<262144x128xf32, #tpu.memory_space<hbm>> -> memref<512x128xf32, #tpu.memory_space<hbm>>
      tpu.wait_dma2 semaphore(%run_scoped3A : memref<!tpu.dma_semaphore, #tpu.memory_space<semaphore_mem>>) src(%arg6 : memref<512x128xf32, #tpu.memory_space<vmem>>) dst(%dma_wait3A_136 : memref<512x128xf32, #tpu.memory_space<hbm>>)
      tpu.yield
    }) : () -> ()
    %add3A_25 = arith.constant 1536 : i32
    %add3A_26 = arith.addi %mul3A_2, %add3A_25 : i32
    "tpu.region"() ({
      %run_scoped3A = tpu.sem_alloc : memref<!tpu.dma_semaphore, #tpu.memory_space<semaphore_mem>>
      %dma_start3A_129 = tpu.memref_slice %arg3[%add3A_26] : memref<262144xi32, #tpu.memory_space<hbm>> -> memref<512xi32, #tpu.memory_space<hbm>>
      %dma_start3A_130 = tpu.memref_slice %arg3[%add3A_26] : memref<262144xi32, #tpu.memory_space<hbm>> -> memref<512xi32, #tpu.memory_space<hbm>>
      tpu.enqueue_dma source(%dma_start3A_130 : memref<512xi32, #tpu.memory_space<hbm>>) target(%arg5 : memref<512xi32, #tpu.memory_space<vmem>>) target_semaphore(%run_scoped3A : memref<!tpu.dma_semaphore, #tpu.memory_space<semaphore_mem>>)
      %dma_wait3A_131 = tpu.memref_slice %arg3[%add3A_26] : memref<262144xi32, #tpu.memory_space<hbm>> -> memref<512xi32, #tpu.memory_space<hbm>>
      %dma_wait3A_132 = tpu.memref_slice %arg3[%add3A_26] : memref<262144xi32, #tpu.memory_space<hbm>> -> memref<512xi32, #tpu.memory_space<hbm>>
      tpu.wait_dma2 semaphore(%run_scoped3A : memref<!tpu.dma_semaphore, #tpu.memory_space<semaphore_mem>>) src(%dma_wait3A_132 : memref<512xi32, #tpu.memory_space<hbm>>) dst(%arg5 : memref<512xi32, #tpu.memory_space<vmem>>)
      tpu.yield
    }) : () -> ()
    %dma_start3A_27 = arith.constant 0 : i32
    %dma_start3A_28 = arith.constant 0 : i32
    %dma_start3A_29 = tpu.memref_slice %arg2[%dma_start3A_27, %dma_start3A_28] : memref<100000x128xf32, #tpu.memory_space<hbm>> -> memref<100000x128xf32, #tpu.memory_space<hbm>>
    tpu.enqueue_indirect_dma source(%dma_start3A_29 : memref<100000x128xf32, #tpu.memory_space<hbm>>) target(%arg6 : memref<512x128xf32, #tpu.memory_space<vmem>>) offsets(%arg5 : memref<512xi32, #tpu.memory_space<vmem>>) semaphore(%arg7 : memref<!tpu.dma_semaphore, #tpu.memory_space<semaphore_mem>>)
    %dma_wait3A_30 = arith.constant 0 : i32
    %dma_wait3A_31 = arith.constant 0 : i32
    %dma_wait3A_32 = tpu.memref_slice %arg2[%dma_wait3A_30, %dma_wait3A_31] : memref<100000x128xf32, #tpu.memory_space<hbm>> -> memref<100000x128xf32, #tpu.memory_space<hbm>>
    tpu.wait_indirect_dma semaphore(%arg7 : memref<!tpu.dma_semaphore, #tpu.memory_space<semaphore_mem>>) src(%dma_wait3A_32 : memref<100000x128xf32, #tpu.memory_space<hbm>>) dst(%arg6 : memref<512x128xf32, #tpu.memory_space<vmem>>)
    "tpu.region"() ({
      %run_scoped3A = tpu.sem_alloc : memref<!tpu.dma_semaphore, #tpu.memory_space<semaphore_mem>>
      %dma_start3A_129 = arith.constant 0 : i32
      %dma_start3A_130 = tpu.memref_slice %arg4[%add3A_26, %dma_start3A_129] : memref<262144x128xf32, #tpu.memory_space<hbm>> -> memref<512x128xf32, #tpu.memory_space<hbm>>
      %dma_start3A_131 = arith.constant 0 : i32
      %dma_start3A_132 = tpu.memref_slice %arg4[%add3A_26, %dma_start3A_131] : memref<262144x128xf32, #tpu.memory_space<hbm>> -> memref<512x128xf32, #tpu.memory_space<hbm>>
      tpu.enqueue_dma source(%arg6 : memref<512x128xf32, #tpu.memory_space<vmem>>) target(%dma_start3A_132 : memref<512x128xf32, #tpu.memory_space<hbm>>) target_semaphore(%run_scoped3A : memref<!tpu.dma_semaphore, #tpu.memory_space<semaphore_mem>>)
      %dma_wait3A_133 = arith.constant 0 : i32
      %dma_wait3A_134 = tpu.memref_slice %arg4[%add3A_26, %dma_wait3A_133] : memref<262144x128xf32, #tpu.memory_space<hbm>> -> memref<512x128xf32, #tpu.memory_space<hbm>>
      %dma_wait3A_135 = arith.constant 0 : i32
      %dma_wait3A_136 = tpu.memref_slice %arg4[%add3A_26, %dma_wait3A_135] : memref<262144x128xf32, #tpu.memory_space<hbm>> -> memref<512x128xf32, #tpu.memory_space<hbm>>
      tpu.wait_dma2 semaphore(%run_scoped3A : memref<!tpu.dma_semaphore, #tpu.memory_space<semaphore_mem>>) src(%arg6 : memref<512x128xf32, #tpu.memory_space<vmem>>) dst(%dma_wait3A_136 : memref<512x128xf32, #tpu.memory_space<hbm>>)
      tpu.yield
    }) : () -> ()
    %add3A_33 = arith.constant 2048 : i32
    %add3A_34 = arith.addi %mul3A_2, %add3A_33 : i32
    "tpu.region"() ({
      %run_scoped3A = tpu.sem_alloc : memref<!tpu.dma_semaphore, #tpu.memory_space<semaphore_mem>>
      %dma_start3A_129 = tpu.memref_slice %arg3[%add3A_34] : memref<262144xi32, #tpu.memory_space<hbm>> -> memref<512xi32, #tpu.memory_space<hbm>>
      %dma_start3A_130 = tpu.memref_slice %arg3[%add3A_34] : memref<262144xi32, #tpu.memory_space<hbm>> -> memref<512xi32, #tpu.memory_space<hbm>>
      tpu.enqueue_dma source(%dma_start3A_130 : memref<512xi32, #tpu.memory_space<hbm>>) target(%arg5 : memref<512xi32, #tpu.memory_space<vmem>>) target_semaphore(%run_scoped3A : memref<!tpu.dma_semaphore, #tpu.memory_space<semaphore_mem>>)
      %dma_wait3A_131 = tpu.memref_slice %arg3[%add3A_34] : memref<262144xi32, #tpu.memory_space<hbm>> -> memref<512xi32, #tpu.memory_space<hbm>>
      %dma_wait3A_132 = tpu.memref_slice %arg3[%add3A_34] : memref<262144xi32, #tpu.memory_space<hbm>> -> memref<512xi32, #tpu.memory_space<hbm>>
      tpu.wait_dma2 semaphore(%run_scoped3A : memref<!tpu.dma_semaphore, #tpu.memory_space<semaphore_mem>>) src(%dma_wait3A_132 : memref<512xi32, #tpu.memory_space<hbm>>) dst(%arg5 : memref<512xi32, #tpu.memory_space<vmem>>)
      tpu.yield
    }) : () -> ()
    %dma_start3A_35 = arith.constant 0 : i32
    %dma_start3A_36 = arith.constant 0 : i32
    %dma_start3A_37 = tpu.memref_slice %arg2[%dma_start3A_35, %dma_start3A_36] : memref<100000x128xf32, #tpu.memory_space<hbm>> -> memref<100000x128xf32, #tpu.memory_space<hbm>>
    tpu.enqueue_indirect_dma source(%dma_start3A_37 : memref<100000x128xf32, #tpu.memory_space<hbm>>) target(%arg6 : memref<512x128xf32, #tpu.memory_space<vmem>>) offsets(%arg5 : memref<512xi32, #tpu.memory_space<vmem>>) semaphore(%arg7 : memref<!tpu.dma_semaphore, #tpu.memory_space<semaphore_mem>>)
    %dma_wait3A_38 = arith.constant 0 : i32
    %dma_wait3A_39 = arith.constant 0 : i32
    %dma_wait3A_40 = tpu.memref_slice %arg2[%dma_wait3A_38, %dma_wait3A_39] : memref<100000x128xf32, #tpu.memory_space<hbm>> -> memref<100000x128xf32, #tpu.memory_space<hbm>>
    tpu.wait_indirect_dma semaphore(%arg7 : memref<!tpu.dma_semaphore, #tpu.memory_space<semaphore_mem>>) src(%dma_wait3A_40 : memref<100000x128xf32, #tpu.memory_space<hbm>>) dst(%arg6 : memref<512x128xf32, #tpu.memory_space<vmem>>)
    "tpu.region"() ({
      %run_scoped3A = tpu.sem_alloc : memref<!tpu.dma_semaphore, #tpu.memory_space<semaphore_mem>>
      %dma_start3A_129 = arith.constant 0 : i32
      %dma_start3A_130 = tpu.memref_slice %arg4[%add3A_34, %dma_start3A_129] : memref<262144x128xf32, #tpu.memory_space<hbm>> -> memref<512x128xf32, #tpu.memory_space<hbm>>
      %dma_start3A_131 = arith.constant 0 : i32
      %dma_start3A_132 = tpu.memref_slice %arg4[%add3A_34, %dma_start3A_131] : memref<262144x128xf32, #tpu.memory_space<hbm>> -> memref<512x128xf32, #tpu.memory_space<hbm>>
      tpu.enqueue_dma source(%arg6 : memref<512x128xf32, #tpu.memory_space<vmem>>) target(%dma_start3A_132 : memref<512x128xf32, #tpu.memory_space<hbm>>) target_semaphore(%run_scoped3A : memref<!tpu.dma_semaphore, #tpu.memory_space<semaphore_mem>>)
      %dma_wait3A_133 = arith.constant 0 : i32
      %dma_wait3A_134 = tpu.memref_slice %arg4[%add3A_34, %dma_wait3A_133] : memref<262144x128xf32, #tpu.memory_space<hbm>> -> memref<512x128xf32, #tpu.memory_space<hbm>>
      %dma_wait3A_135 = arith.constant 0 : i32
      %dma_wait3A_136 = tpu.memref_slice %arg4[%add3A_34, %dma_wait3A_135] : memref<262144x128xf32, #tpu.memory_space<hbm>> -> memref<512x128xf32, #tpu.memory_space<hbm>>
      tpu.wait_dma2 semaphore(%run_scoped3A : memref<!tpu.dma_semaphore, #tpu.memory_space<semaphore_mem>>) src(%arg6 : memref<512x128xf32, #tpu.memory_space<vmem>>) dst(%dma_wait3A_136 : memref<512x128xf32, #tpu.memory_space<hbm>>)
      tpu.yield
    }) : () -> ()
    %add3A_41 = arith.constant 2560 : i32
    %add3A_42 = arith.addi %mul3A_2, %add3A_41 : i32
    "tpu.region"() ({
      %run_scoped3A = tpu.sem_alloc : memref<!tpu.dma_semaphore, #tpu.memory_space<semaphore_mem>>
      %dma_start3A_129 = tpu.memref_slice %arg3[%add3A_42] : memref<262144xi32, #tpu.memory_space<hbm>> -> memref<512xi32, #tpu.memory_space<hbm>>
      %dma_start3A_130 = tpu.memref_slice %arg3[%add3A_42] : memref<262144xi32, #tpu.memory_space<hbm>> -> memref<512xi32, #tpu.memory_space<hbm>>
      tpu.enqueue_dma source(%dma_start3A_130 : memref<512xi32, #tpu.memory_space<hbm>>) target(%arg5 : memref<512xi32, #tpu.memory_space<vmem>>) target_semaphore(%run_scoped3A : memref<!tpu.dma_semaphore, #tpu.memory_space<semaphore_mem>>)
      %dma_wait3A_131 = tpu.memref_slice %arg3[%add3A_42] : memref<262144xi32, #tpu.memory_space<hbm>> -> memref<512xi32, #tpu.memory_space<hbm>>
      %dma_wait3A_132 = tpu.memref_slice %arg3[%add3A_42] : memref<262144xi32, #tpu.memory_space<hbm>> -> memref<512xi32, #tpu.memory_space<hbm>>
      tpu.wait_dma2 semaphore(%run_scoped3A : memref<!tpu.dma_semaphore, #tpu.memory_space<semaphore_mem>>) src(%dma_wait3A_132 : memref<512xi32, #tpu.memory_space<hbm>>) dst(%arg5 : memref<512xi32, #tpu.memory_space<vmem>>)
      tpu.yield
    }) : () -> ()
    %dma_start3A_43 = arith.constant 0 : i32
    %dma_start3A_44 = arith.constant 0 : i32
    %dma_start3A_45 = tpu.memref_slice %arg2[%dma_start3A_43, %dma_start3A_44] : memref<100000x128xf32, #tpu.memory_space<hbm>> -> memref<100000x128xf32, #tpu.memory_space<hbm>>
    tpu.enqueue_indirect_dma source(%dma_start3A_45 : memref<100000x128xf32, #tpu.memory_space<hbm>>) target(%arg6 : memref<512x128xf32, #tpu.memory_space<vmem>>) offsets(%arg5 : memref<512xi32, #tpu.memory_space<vmem>>) semaphore(%arg7 : memref<!tpu.dma_semaphore, #tpu.memory_space<semaphore_mem>>)
    %dma_wait3A_46 = arith.constant 0 : i32
    %dma_wait3A_47 = arith.constant 0 : i32
    %dma_wait3A_48 = tpu.memref_slice %arg2[%dma_wait3A_46, %dma_wait3A_47] : memref<100000x128xf32, #tpu.memory_space<hbm>> -> memref<100000x128xf32, #tpu.memory_space<hbm>>
    tpu.wait_indirect_dma semaphore(%arg7 : memref<!tpu.dma_semaphore, #tpu.memory_space<semaphore_mem>>) src(%dma_wait3A_48 : memref<100000x128xf32, #tpu.memory_space<hbm>>) dst(%arg6 : memref<512x128xf32, #tpu.memory_space<vmem>>)
    "tpu.region"() ({
      %run_scoped3A = tpu.sem_alloc : memref<!tpu.dma_semaphore, #tpu.memory_space<semaphore_mem>>
      %dma_start3A_129 = arith.constant 0 : i32
      %dma_start3A_130 = tpu.memref_slice %arg4[%add3A_42, %dma_start3A_129] : memref<262144x128xf32, #tpu.memory_space<hbm>> -> memref<512x128xf32, #tpu.memory_space<hbm>>
      %dma_start3A_131 = arith.constant 0 : i32
      %dma_start3A_132 = tpu.memref_slice %arg4[%add3A_42, %dma_start3A_131] : memref<262144x128xf32, #tpu.memory_space<hbm>> -> memref<512x128xf32, #tpu.memory_space<hbm>>
      tpu.enqueue_dma source(%arg6 : memref<512x128xf32, #tpu.memory_space<vmem>>) target(%dma_start3A_132 : memref<512x128xf32, #tpu.memory_space<hbm>>) target_semaphore(%run_scoped3A : memref<!tpu.dma_semaphore, #tpu.memory_space<semaphore_mem>>)
      %dma_wait3A_133 = arith.constant 0 : i32
      %dma_wait3A_134 = tpu.memref_slice %arg4[%add3A_42, %dma_wait3A_133] : memref<262144x128xf32, #tpu.memory_space<hbm>> -> memref<512x128xf32, #tpu.memory_space<hbm>>
      %dma_wait3A_135 = arith.constant 0 : i32
      %dma_wait3A_136 = tpu.memref_slice %arg4[%add3A_42, %dma_wait3A_135] : memref<262144x128xf32, #tpu.memory_space<hbm>> -> memref<512x128xf32, #tpu.memory_space<hbm>>
      tpu.wait_dma2 semaphore(%run_scoped3A : memref<!tpu.dma_semaphore, #tpu.memory_space<semaphore_mem>>) src(%arg6 : memref<512x128xf32, #tpu.memory_space<vmem>>) dst(%dma_wait3A_136 : memref<512x128xf32, #tpu.memory_space<hbm>>)
      tpu.yield
    }) : () -> ()
    %add3A_49 = arith.constant 3072 : i32
    %add3A_50 = arith.addi %mul3A_2, %add3A_49 : i32
    "tpu.region"() ({
      %run_scoped3A = tpu.sem_alloc : memref<!tpu.dma_semaphore, #tpu.memory_space<semaphore_mem>>
      %dma_start3A_129 = tpu.memref_slice %arg3[%add3A_50] : memref<262144xi32, #tpu.memory_space<hbm>> -> memref<512xi32, #tpu.memory_space<hbm>>
      %dma_start3A_130 = tpu.memref_slice %arg3[%add3A_50] : memref<262144xi32, #tpu.memory_space<hbm>> -> memref<512xi32, #tpu.memory_space<hbm>>
      tpu.enqueue_dma source(%dma_start3A_130 : memref<512xi32, #tpu.memory_space<hbm>>) target(%arg5 : memref<512xi32, #tpu.memory_space<vmem>>) target_semaphore(%run_scoped3A : memref<!tpu.dma_semaphore, #tpu.memory_space<semaphore_mem>>)
      %dma_wait3A_131 = tpu.memref_slice %arg3[%add3A_50] : memref<262144xi32, #tpu.memory_space<hbm>> -> memref<512xi32, #tpu.memory_space<hbm>>
      %dma_wait3A_132 = tpu.memref_slice %arg3[%add3A_50] : memref<262144xi32, #tpu.memory_space<hbm>> -> memref<512xi32, #tpu.memory_space<hbm>>
      tpu.wait_dma2 semaphore(%run_scoped3A : memref<!tpu.dma_semaphore, #tpu.memory_space<semaphore_mem>>) src(%dma_wait3A_132 : memref<512xi32, #tpu.memory_space<hbm>>) dst(%arg5 : memref<512xi32, #tpu.memory_space<vmem>>)
      tpu.yield
    }) : () -> ()
    %dma_start3A_51 = arith.constant 0 : i32
    %dma_start3A_52 = arith.constant 0 : i32
    %dma_start3A_53 = tpu.memref_slice %arg2[%dma_start3A_51, %dma_start3A_52] : memref<100000x128xf32, #tpu.memory_space<hbm>> -> memref<100000x128xf32, #tpu.memory_space<hbm>>
    tpu.enqueue_indirect_dma source(%dma_start3A_53 : memref<100000x128xf32, #tpu.memory_space<hbm>>) target(%arg6 : memref<512x128xf32, #tpu.memory_space<vmem>>) offsets(%arg5 : memref<512xi32, #tpu.memory_space<vmem>>) semaphore(%arg7 : memref<!tpu.dma_semaphore, #tpu.memory_space<semaphore_mem>>)
    %dma_wait3A_54 = arith.constant 0 : i32
    %dma_wait3A_55 = arith.constant 0 : i32
    %dma_wait3A_56 = tpu.memref_slice %arg2[%dma_wait3A_54, %dma_wait3A_55] : memref<100000x128xf32, #tpu.memory_space<hbm>> -> memref<100000x128xf32, #tpu.memory_space<hbm>>
    tpu.wait_indirect_dma semaphore(%arg7 : memref<!tpu.dma_semaphore, #tpu.memory_space<semaphore_mem>>) src(%dma_wait3A_56 : memref<100000x128xf32, #tpu.memory_space<hbm>>) dst(%arg6 : memref<512x128xf32, #tpu.memory_space<vmem>>)
    "tpu.region"() ({
      %run_scoped3A = tpu.sem_alloc : memref<!tpu.dma_semaphore, #tpu.memory_space<semaphore_mem>>
      %dma_start3A_129 = arith.constant 0 : i32
      %dma_start3A_130 = tpu.memref_slice %arg4[%add3A_50, %dma_start3A_129] : memref<262144x128xf32, #tpu.memory_space<hbm>> -> memref<512x128xf32, #tpu.memory_space<hbm>>
      %dma_start3A_131 = arith.constant 0 : i32
      %dma_start3A_132 = tpu.memref_slice %arg4[%add3A_50, %dma_start3A_131] : memref<262144x128xf32, #tpu.memory_space<hbm>> -> memref<512x128xf32, #tpu.memory_space<hbm>>
      tpu.enqueue_dma source(%arg6 : memref<512x128xf32, #tpu.memory_space<vmem>>) target(%dma_start3A_132 : memref<512x128xf32, #tpu.memory_space<hbm>>) target_semaphore(%run_scoped3A : memref<!tpu.dma_semaphore, #tpu.memory_space<semaphore_mem>>)
      %dma_wait3A_133 = arith.constant 0 : i32
      %dma_wait3A_134 = tpu.memref_slice %arg4[%add3A_50, %dma_wait3A_133] : memref<262144x128xf32, #tpu.memory_space<hbm>> -> memref<512x128xf32, #tpu.memory_space<hbm>>
      %dma_wait3A_135 = arith.constant 0 : i32
      %dma_wait3A_136 = tpu.memref_slice %arg4[%add3A_50, %dma_wait3A_135] : memref<262144x128xf32, #tpu.memory_space<hbm>> -> memref<512x128xf32, #tpu.memory_space<hbm>>
      tpu.wait_dma2 semaphore(%run_scoped3A : memref<!tpu.dma_semaphore, #tpu.memory_space<semaphore_mem>>) src(%arg6 : memref<512x128xf32, #tpu.memory_space<vmem>>) dst(%dma_wait3A_136 : memref<512x128xf32, #tpu.memory_space<hbm>>)
      tpu.yield
    }) : () -> ()
    %add3A_57 = arith.constant 3584 : i32
    %add3A_58 = arith.addi %mul3A_2, %add3A_57 : i32
    "tpu.region"() ({
      %run_scoped3A = tpu.sem_alloc : memref<!tpu.dma_semaphore, #tpu.memory_space<semaphore_mem>>
      %dma_start3A_129 = tpu.memref_slice %arg3[%add3A_58] : memref<262144xi32, #tpu.memory_space<hbm>> -> memref<512xi32, #tpu.memory_space<hbm>>
      %dma_start3A_130 = tpu.memref_slice %arg3[%add3A_58] : memref<262144xi32, #tpu.memory_space<hbm>> -> memref<512xi32, #tpu.memory_space<hbm>>
      tpu.enqueue_dma source(%dma_start3A_130 : memref<512xi32, #tpu.memory_space<hbm>>) target(%arg5 : memref<512xi32, #tpu.memory_space<vmem>>) target_semaphore(%run_scoped3A : memref<!tpu.dma_semaphore, #tpu.memory_space<semaphore_mem>>)
      %dma_wait3A_131 = tpu.memref_slice %arg3[%add3A_58] : memref<262144xi32, #tpu.memory_space<hbm>> -> memref<512xi32, #tpu.memory_space<hbm>>
      %dma_wait3A_132 = tpu.memref_slice %arg3[%add3A_58] : memref<262144xi32, #tpu.memory_space<hbm>> -> memref<512xi32, #tpu.memory_space<hbm>>
      tpu.wait_dma2 semaphore(%run_scoped3A : memref<!tpu.dma_semaphore, #tpu.memory_space<semaphore_mem>>) src(%dma_wait3A_132 : memref<512xi32, #tpu.memory_space<hbm>>) dst(%arg5 : memref<512xi32, #tpu.memory_space<vmem>>)
      tpu.yield
    }) : () -> ()
    %dma_start3A_59 = arith.constant 0 : i32
    %dma_start3A_60 = arith.constant 0 : i32
    %dma_start3A_61 = tpu.memref_slice %arg2[%dma_start3A_59, %dma_start3A_60] : memref<100000x128xf32, #tpu.memory_space<hbm>> -> memref<100000x128xf32, #tpu.memory_space<hbm>>
    tpu.enqueue_indirect_dma source(%dma_start3A_61 : memref<100000x128xf32, #tpu.memory_space<hbm>>) target(%arg6 : memref<512x128xf32, #tpu.memory_space<vmem>>) offsets(%arg5 : memref<512xi32, #tpu.memory_space<vmem>>) semaphore(%arg7 : memref<!tpu.dma_semaphore, #tpu.memory_space<semaphore_mem>>)
    %dma_wait3A_62 = arith.constant 0 : i32
    %dma_wait3A_63 = arith.constant 0 : i32
    %dma_wait3A_64 = tpu.memref_slice %arg2[%dma_wait3A_62, %dma_wait3A_63] : memref<100000x128xf32, #tpu.memory_space<hbm>> -> memref<100000x128xf32, #tpu.memory_space<hbm>>
    tpu.wait_indirect_dma semaphore(%arg7 : memref<!tpu.dma_semaphore, #tpu.memory_space<semaphore_mem>>) src(%dma_wait3A_64 : memref<100000x128xf32, #tpu.memory_space<hbm>>) dst(%arg6 : memref<512x128xf32, #tpu.memory_space<vmem>>)
    "tpu.region"() ({
      %run_scoped3A = tpu.sem_alloc : memref<!tpu.dma_semaphore, #tpu.memory_space<semaphore_mem>>
      %dma_start3A_129 = arith.constant 0 : i32
      %dma_start3A_130 = tpu.memref_slice %arg4[%add3A_58, %dma_start3A_129] : memref<262144x128xf32, #tpu.memory_space<hbm>> -> memref<512x128xf32, #tpu.memory_space<hbm>>
      %dma_start3A_131 = arith.constant 0 : i32
      %dma_start3A_132 = tpu.memref_slice %arg4[%add3A_58, %dma_start3A_131] : memref<262144x128xf32, #tpu.memory_space<hbm>> -> memref<512x128xf32, #tpu.memory_space<hbm>>
      tpu.enqueue_dma source(%arg6 : memref<512x128xf32, #tpu.memory_space<vmem>>) target(%dma_start3A_132 : memref<512x128xf32, #tpu.memory_space<hbm>>) target_semaphore(%run_scoped3A : memref<!tpu.dma_semaphore, #tpu.memory_space<semaphore_mem>>)
      %dma_wait3A_133 = arith.constant 0 : i32
      %dma_wait3A_134 = tpu.memref_slice %arg4[%add3A_58, %dma_wait3A_133] : memref<262144x128xf32, #tpu.memory_space<hbm>> -> memref<512x128xf32, #tpu.memory_space<hbm>>
      %dma_wait3A_135 = arith.constant 0 : i32
      %dma_wait3A_136 = tpu.memref_slice %arg4[%add3A_58, %dma_wait3A_135] : memref<262144x128xf32, #tpu.memory_space<hbm>> -> memref<512x128xf32, #tpu.memory_space<hbm>>
      tpu.wait_dma2 semaphore(%run_scoped3A : memref<!tpu.dma_semaphore, #tpu.memory_space<semaphore_mem>>) src(%arg6 : memref<512x128xf32, #tpu.memory_space<vmem>>) dst(%dma_wait3A_136 : memref<512x128xf32, #tpu.memory_space<hbm>>)
      tpu.yield
    }) : () -> ()
    %add3A_65 = arith.constant 4096 : i32
    %add3A_66 = arith.addi %mul3A_2, %add3A_65 : i32
    "tpu.region"() ({
      %run_scoped3A = tpu.sem_alloc : memref<!tpu.dma_semaphore, #tpu.memory_space<semaphore_mem>>
      %dma_start3A_129 = tpu.memref_slice %arg3[%add3A_66] : memref<262144xi32, #tpu.memory_space<hbm>> -> memref<512xi32, #tpu.memory_space<hbm>>
      %dma_start3A_130 = tpu.memref_slice %arg3[%add3A_66] : memref<262144xi32, #tpu.memory_space<hbm>> -> memref<512xi32, #tpu.memory_space<hbm>>
      tpu.enqueue_dma source(%dma_start3A_130 : memref<512xi32, #tpu.memory_space<hbm>>) target(%arg5 : memref<512xi32, #tpu.memory_space<vmem>>) target_semaphore(%run_scoped3A : memref<!tpu.dma_semaphore, #tpu.memory_space<semaphore_mem>>)
      %dma_wait3A_131 = tpu.memref_slice %arg3[%add3A_66] : memref<262144xi32, #tpu.memory_space<hbm>> -> memref<512xi32, #tpu.memory_space<hbm>>
      %dma_wait3A_132 = tpu.memref_slice %arg3[%add3A_66] : memref<262144xi32, #tpu.memory_space<hbm>> -> memref<512xi32, #tpu.memory_space<hbm>>
      tpu.wait_dma2 semaphore(%run_scoped3A : memref<!tpu.dma_semaphore, #tpu.memory_space<semaphore_mem>>) src(%dma_wait3A_132 : memref<512xi32, #tpu.memory_space<hbm>>) dst(%arg5 : memref<512xi32, #tpu.memory_space<vmem>>)
      tpu.yield
    }) : () -> ()
    %dma_start3A_67 = arith.constant 0 : i32
    %dma_start3A_68 = arith.constant 0 : i32
    %dma_start3A_69 = tpu.memref_slice %arg2[%dma_start3A_67, %dma_start3A_68] : memref<100000x128xf32, #tpu.memory_space<hbm>> -> memref<100000x128xf32, #tpu.memory_space<hbm>>
    tpu.enqueue_indirect_dma source(%dma_start3A_69 : memref<100000x128xf32, #tpu.memory_space<hbm>>) target(%arg6 : memref<512x128xf32, #tpu.memory_space<vmem>>) offsets(%arg5 : memref<512xi32, #tpu.memory_space<vmem>>) semaphore(%arg7 : memref<!tpu.dma_semaphore, #tpu.memory_space<semaphore_mem>>)
    %dma_wait3A_70 = arith.constant 0 : i32
    %dma_wait3A_71 = arith.constant 0 : i32
    %dma_wait3A_72 = tpu.memref_slice %arg2[%dma_wait3A_70, %dma_wait3A_71] : memref<100000x128xf32, #tpu.memory_space<hbm>> -> memref<100000x128xf32, #tpu.memory_space<hbm>>
    tpu.wait_indirect_dma semaphore(%arg7 : memref<!tpu.dma_semaphore, #tpu.memory_space<semaphore_mem>>) src(%dma_wait3A_72 : memref<100000x128xf32, #tpu.memory_space<hbm>>) dst(%arg6 : memref<512x128xf32, #tpu.memory_space<vmem>>)
    "tpu.region"() ({
      %run_scoped3A = tpu.sem_alloc : memref<!tpu.dma_semaphore, #tpu.memory_space<semaphore_mem>>
      %dma_start3A_129 = arith.constant 0 : i32
      %dma_start3A_130 = tpu.memref_slice %arg4[%add3A_66, %dma_start3A_129] : memref<262144x128xf32, #tpu.memory_space<hbm>> -> memref<512x128xf32, #tpu.memory_space<hbm>>
      %dma_start3A_131 = arith.constant 0 : i32
      %dma_start3A_132 = tpu.memref_slice %arg4[%add3A_66, %dma_start3A_131] : memref<262144x128xf32, #tpu.memory_space<hbm>> -> memref<512x128xf32, #tpu.memory_space<hbm>>
      tpu.enqueue_dma source(%arg6 : memref<512x128xf32, #tpu.memory_space<vmem>>) target(%dma_start3A_132 : memref<512x128xf32, #tpu.memory_space<hbm>>) target_semaphore(%run_scoped3A : memref<!tpu.dma_semaphore, #tpu.memory_space<semaphore_mem>>)
      %dma_wait3A_133 = arith.constant 0 : i32
      %dma_wait3A_134 = tpu.memref_slice %arg4[%add3A_66, %dma_wait3A_133] : memref<262144x128xf32, #tpu.memory_space<hbm>> -> memref<512x128xf32, #tpu.memory_space<hbm>>
      %dma_wait3A_135 = arith.constant 0 : i32
      %dma_wait3A_136 = tpu.memref_slice %arg4[%add3A_66, %dma_wait3A_135] : memref<262144x128xf32, #tpu.memory_space<hbm>> -> memref<512x128xf32, #tpu.memory_space<hbm>>
      tpu.wait_dma2 semaphore(%run_scoped3A : memref<!tpu.dma_semaphore, #tpu.memory_space<semaphore_mem>>) src(%arg6 : memref<512x128xf32, #tpu.memory_space<vmem>>) dst(%dma_wait3A_136 : memref<512x128xf32, #tpu.memory_space<hbm>>)
      tpu.yield
    }) : () -> ()
    %add3A_73 = arith.constant 4608 : i32
    %add3A_74 = arith.addi %mul3A_2, %add3A_73 : i32
    "tpu.region"() ({
      %run_scoped3A = tpu.sem_alloc : memref<!tpu.dma_semaphore, #tpu.memory_space<semaphore_mem>>
      %dma_start3A_129 = tpu.memref_slice %arg3[%add3A_74] : memref<262144xi32, #tpu.memory_space<hbm>> -> memref<512xi32, #tpu.memory_space<hbm>>
      %dma_start3A_130 = tpu.memref_slice %arg3[%add3A_74] : memref<262144xi32, #tpu.memory_space<hbm>> -> memref<512xi32, #tpu.memory_space<hbm>>
      tpu.enqueue_dma source(%dma_start3A_130 : memref<512xi32, #tpu.memory_space<hbm>>) target(%arg5 : memref<512xi32, #tpu.memory_space<vmem>>) target_semaphore(%run_scoped3A : memref<!tpu.dma_semaphore, #tpu.memory_space<semaphore_mem>>)
      %dma_wait3A_131 = tpu.memref_slice %arg3[%add3A_74] : memref<262144xi32, #tpu.memory_space<hbm>> -> memref<512xi32, #tpu.memory_space<hbm>>
      %dma_wait3A_132 = tpu.memref_slice %arg3[%add3A_74] : memref<262144xi32, #tpu.memory_space<hbm>> -> memref<512xi32, #tpu.memory_space<hbm>>
      tpu.wait_dma2 semaphore(%run_scoped3A : memref<!tpu.dma_semaphore, #tpu.memory_space<semaphore_mem>>) src(%dma_wait3A_132 : memref<512xi32, #tpu.memory_space<hbm>>) dst(%arg5 : memref<512xi32, #tpu.memory_space<vmem>>)
      tpu.yield
    }) : () -> ()
    %dma_start3A_75 = arith.constant 0 : i32
    %dma_start3A_76 = arith.constant 0 : i32
    %dma_start3A_77 = tpu.memref_slice %arg2[%dma_start3A_75, %dma_start3A_76] : memref<100000x128xf32, #tpu.memory_space<hbm>> -> memref<100000x128xf32, #tpu.memory_space<hbm>>
    tpu.enqueue_indirect_dma source(%dma_start3A_77 : memref<100000x128xf32, #tpu.memory_space<hbm>>) target(%arg6 : memref<512x128xf32, #tpu.memory_space<vmem>>) offsets(%arg5 : memref<512xi32, #tpu.memory_space<vmem>>) semaphore(%arg7 : memref<!tpu.dma_semaphore, #tpu.memory_space<semaphore_mem>>)
    %dma_wait3A_78 = arith.constant 0 : i32
    %dma_wait3A_79 = arith.constant 0 : i32
    %dma_wait3A_80 = tpu.memref_slice %arg2[%dma_wait3A_78, %dma_wait3A_79] : memref<100000x128xf32, #tpu.memory_space<hbm>> -> memref<100000x128xf32, #tpu.memory_space<hbm>>
    tpu.wait_indirect_dma semaphore(%arg7 : memref<!tpu.dma_semaphore, #tpu.memory_space<semaphore_mem>>) src(%dma_wait3A_80 : memref<100000x128xf32, #tpu.memory_space<hbm>>) dst(%arg6 : memref<512x128xf32, #tpu.memory_space<vmem>>)
    "tpu.region"() ({
      %run_scoped3A = tpu.sem_alloc : memref<!tpu.dma_semaphore, #tpu.memory_space<semaphore_mem>>
      %dma_start3A_129 = arith.constant 0 : i32
      %dma_start3A_130 = tpu.memref_slice %arg4[%add3A_74, %dma_start3A_129] : memref<262144x128xf32, #tpu.memory_space<hbm>> -> memref<512x128xf32, #tpu.memory_space<hbm>>
      %dma_start3A_131 = arith.constant 0 : i32
      %dma_start3A_132 = tpu.memref_slice %arg4[%add3A_74, %dma_start3A_131] : memref<262144x128xf32, #tpu.memory_space<hbm>> -> memref<512x128xf32, #tpu.memory_space<hbm>>
      tpu.enqueue_dma source(%arg6 : memref<512x128xf32, #tpu.memory_space<vmem>>) target(%dma_start3A_132 : memref<512x128xf32, #tpu.memory_space<hbm>>) target_semaphore(%run_scoped3A : memref<!tpu.dma_semaphore, #tpu.memory_space<semaphore_mem>>)
      %dma_wait3A_133 = arith.constant 0 : i32
      %dma_wait3A_134 = tpu.memref_slice %arg4[%add3A_74, %dma_wait3A_133] : memref<262144x128xf32, #tpu.memory_space<hbm>> -> memref<512x128xf32, #tpu.memory_space<hbm>>
      %dma_wait3A_135 = arith.constant 0 : i32
      %dma_wait3A_136 = tpu.memref_slice %arg4[%add3A_74, %dma_wait3A_135] : memref<262144x128xf32, #tpu.memory_space<hbm>> -> memref<512x128xf32, #tpu.memory_space<hbm>>
      tpu.wait_dma2 semaphore(%run_scoped3A : memref<!tpu.dma_semaphore, #tpu.memory_space<semaphore_mem>>) src(%arg6 : memref<512x128xf32, #tpu.memory_space<vmem>>) dst(%dma_wait3A_136 : memref<512x128xf32, #tpu.memory_space<hbm>>)
      tpu.yield
    }) : () -> ()
    %add3A_81 = arith.constant 5120 : i32
    %add3A_82 = arith.addi %mul3A_2, %add3A_81 : i32
    "tpu.region"() ({
      %run_scoped3A = tpu.sem_alloc : memref<!tpu.dma_semaphore, #tpu.memory_space<semaphore_mem>>
      %dma_start3A_129 = tpu.memref_slice %arg3[%add3A_82] : memref<262144xi32, #tpu.memory_space<hbm>> -> memref<512xi32, #tpu.memory_space<hbm>>
      %dma_start3A_130 = tpu.memref_slice %arg3[%add3A_82] : memref<262144xi32, #tpu.memory_space<hbm>> -> memref<512xi32, #tpu.memory_space<hbm>>
      tpu.enqueue_dma source(%dma_start3A_130 : memref<512xi32, #tpu.memory_space<hbm>>) target(%arg5 : memref<512xi32, #tpu.memory_space<vmem>>) target_semaphore(%run_scoped3A : memref<!tpu.dma_semaphore, #tpu.memory_space<semaphore_mem>>)
      %dma_wait3A_131 = tpu.memref_slice %arg3[%add3A_82] : memref<262144xi32, #tpu.memory_space<hbm>> -> memref<512xi32, #tpu.memory_space<hbm>>
      %dma_wait3A_132 = tpu.memref_slice %arg3[%add3A_82] : memref<262144xi32, #tpu.memory_space<hbm>> -> memref<512xi32, #tpu.memory_space<hbm>>
      tpu.wait_dma2 semaphore(%run_scoped3A : memref<!tpu.dma_semaphore, #tpu.memory_space<semaphore_mem>>) src(%dma_wait3A_132 : memref<512xi32, #tpu.memory_space<hbm>>) dst(%arg5 : memref<512xi32, #tpu.memory_space<vmem>>)
      tpu.yield
    }) : () -> ()
    %dma_start3A_83 = arith.constant 0 : i32
    %dma_start3A_84 = arith.constant 0 : i32
    %dma_start3A_85 = tpu.memref_slice %arg2[%dma_start3A_83, %dma_start3A_84] : memref<100000x128xf32, #tpu.memory_space<hbm>> -> memref<100000x128xf32, #tpu.memory_space<hbm>>
    tpu.enqueue_indirect_dma source(%dma_start3A_85 : memref<100000x128xf32, #tpu.memory_space<hbm>>) target(%arg6 : memref<512x128xf32, #tpu.memory_space<vmem>>) offsets(%arg5 : memref<512xi32, #tpu.memory_space<vmem>>) semaphore(%arg7 : memref<!tpu.dma_semaphore, #tpu.memory_space<semaphore_mem>>)
    %dma_wait3A_86 = arith.constant 0 : i32
    %dma_wait3A_87 = arith.constant 0 : i32
    %dma_wait3A_88 = tpu.memref_slice %arg2[%dma_wait3A_86, %dma_wait3A_87] : memref<100000x128xf32, #tpu.memory_space<hbm>> -> memref<100000x128xf32, #tpu.memory_space<hbm>>
    tpu.wait_indirect_dma semaphore(%arg7 : memref<!tpu.dma_semaphore, #tpu.memory_space<semaphore_mem>>) src(%dma_wait3A_88 : memref<100000x128xf32, #tpu.memory_space<hbm>>) dst(%arg6 : memref<512x128xf32, #tpu.memory_space<vmem>>)
    "tpu.region"() ({
      %run_scoped3A = tpu.sem_alloc : memref<!tpu.dma_semaphore, #tpu.memory_space<semaphore_mem>>
      %dma_start3A_129 = arith.constant 0 : i32
      %dma_start3A_130 = tpu.memref_slice %arg4[%add3A_82, %dma_start3A_129] : memref<262144x128xf32, #tpu.memory_space<hbm>> -> memref<512x128xf32, #tpu.memory_space<hbm>>
      %dma_start3A_131 = arith.constant 0 : i32
      %dma_start3A_132 = tpu.memref_slice %arg4[%add3A_82, %dma_start3A_131] : memref<262144x128xf32, #tpu.memory_space<hbm>> -> memref<512x128xf32, #tpu.memory_space<hbm>>
      tpu.enqueue_dma source(%arg6 : memref<512x128xf32, #tpu.memory_space<vmem>>) target(%dma_start3A_132 : memref<512x128xf32, #tpu.memory_space<hbm>>) target_semaphore(%run_scoped3A : memref<!tpu.dma_semaphore, #tpu.memory_space<semaphore_mem>>)
      %dma_wait3A_133 = arith.constant 0 : i32
      %dma_wait3A_134 = tpu.memref_slice %arg4[%add3A_82, %dma_wait3A_133] : memref<262144x128xf32, #tpu.memory_space<hbm>> -> memref<512x128xf32, #tpu.memory_space<hbm>>
      %dma_wait3A_135 = arith.constant 0 : i32
      %dma_wait3A_136 = tpu.memref_slice %arg4[%add3A_82, %dma_wait3A_135] : memref<262144x128xf32, #tpu.memory_space<hbm>> -> memref<512x128xf32, #tpu.memory_space<hbm>>
      tpu.wait_dma2 semaphore(%run_scoped3A : memref<!tpu.dma_semaphore, #tpu.memory_space<semaphore_mem>>) src(%arg6 : memref<512x128xf32, #tpu.memory_space<vmem>>) dst(%dma_wait3A_136 : memref<512x128xf32, #tpu.memory_space<hbm>>)
      tpu.yield
    }) : () -> ()
    %add3A_89 = arith.constant 5632 : i32
    %add3A_90 = arith.addi %mul3A_2, %add3A_89 : i32
    "tpu.region"() ({
      %run_scoped3A = tpu.sem_alloc : memref<!tpu.dma_semaphore, #tpu.memory_space<semaphore_mem>>
      %dma_start3A_129 = tpu.memref_slice %arg3[%add3A_90] : memref<262144xi32, #tpu.memory_space<hbm>> -> memref<512xi32, #tpu.memory_space<hbm>>
      %dma_start3A_130 = tpu.memref_slice %arg3[%add3A_90] : memref<262144xi32, #tpu.memory_space<hbm>> -> memref<512xi32, #tpu.memory_space<hbm>>
      tpu.enqueue_dma source(%dma_start3A_130 : memref<512xi32, #tpu.memory_space<hbm>>) target(%arg5 : memref<512xi32, #tpu.memory_space<vmem>>) target_semaphore(%run_scoped3A : memref<!tpu.dma_semaphore, #tpu.memory_space<semaphore_mem>>)
      %dma_wait3A_131 = tpu.memref_slice %arg3[%add3A_90] : memref<262144xi32, #tpu.memory_space<hbm>> -> memref<512xi32, #tpu.memory_space<hbm>>
      %dma_wait3A_132 = tpu.memref_slice %arg3[%add3A_90] : memref<262144xi32, #tpu.memory_space<hbm>> -> memref<512xi32, #tpu.memory_space<hbm>>
      tpu.wait_dma2 semaphore(%run_scoped3A : memref<!tpu.dma_semaphore, #tpu.memory_space<semaphore_mem>>) src(%dma_wait3A_132 : memref<512xi32, #tpu.memory_space<hbm>>) dst(%arg5 : memref<512xi32, #tpu.memory_space<vmem>>)
      tpu.yield
    }) : () -> ()
    %dma_start3A_91 = arith.constant 0 : i32
    %dma_start3A_92 = arith.constant 0 : i32
    %dma_start3A_93 = tpu.memref_slice %arg2[%dma_start3A_91, %dma_start3A_92] : memref<100000x128xf32, #tpu.memory_space<hbm>> -> memref<100000x128xf32, #tpu.memory_space<hbm>>
    tpu.enqueue_indirect_dma source(%dma_start3A_93 : memref<100000x128xf32, #tpu.memory_space<hbm>>) target(%arg6 : memref<512x128xf32, #tpu.memory_space<vmem>>) offsets(%arg5 : memref<512xi32, #tpu.memory_space<vmem>>) semaphore(%arg7 : memref<!tpu.dma_semaphore, #tpu.memory_space<semaphore_mem>>)
    %dma_wait3A_94 = arith.constant 0 : i32
    %dma_wait3A_95 = arith.constant 0 : i32
    %dma_wait3A_96 = tpu.memref_slice %arg2[%dma_wait3A_94, %dma_wait3A_95] : memref<100000x128xf32, #tpu.memory_space<hbm>> -> memref<100000x128xf32, #tpu.memory_space<hbm>>
    tpu.wait_indirect_dma semaphore(%arg7 : memref<!tpu.dma_semaphore, #tpu.memory_space<semaphore_mem>>) src(%dma_wait3A_96 : memref<100000x128xf32, #tpu.memory_space<hbm>>) dst(%arg6 : memref<512x128xf32, #tpu.memory_space<vmem>>)
    "tpu.region"() ({
      %run_scoped3A = tpu.sem_alloc : memref<!tpu.dma_semaphore, #tpu.memory_space<semaphore_mem>>
      %dma_start3A_129 = arith.constant 0 : i32
      %dma_start3A_130 = tpu.memref_slice %arg4[%add3A_90, %dma_start3A_129] : memref<262144x128xf32, #tpu.memory_space<hbm>> -> memref<512x128xf32, #tpu.memory_space<hbm>>
      %dma_start3A_131 = arith.constant 0 : i32
      %dma_start3A_132 = tpu.memref_slice %arg4[%add3A_90, %dma_start3A_131] : memref<262144x128xf32, #tpu.memory_space<hbm>> -> memref<512x128xf32, #tpu.memory_space<hbm>>
      tpu.enqueue_dma source(%arg6 : memref<512x128xf32, #tpu.memory_space<vmem>>) target(%dma_start3A_132 : memref<512x128xf32, #tpu.memory_space<hbm>>) target_semaphore(%run_scoped3A : memref<!tpu.dma_semaphore, #tpu.memory_space<semaphore_mem>>)
      %dma_wait3A_133 = arith.constant 0 : i32
      %dma_wait3A_134 = tpu.memref_slice %arg4[%add3A_90, %dma_wait3A_133] : memref<262144x128xf32, #tpu.memory_space<hbm>> -> memref<512x128xf32, #tpu.memory_space<hbm>>
      %dma_wait3A_135 = arith.constant 0 : i32
      %dma_wait3A_136 = tpu.memref_slice %arg4[%add3A_90, %dma_wait3A_135] : memref<262144x128xf32, #tpu.memory_space<hbm>> -> memref<512x128xf32, #tpu.memory_space<hbm>>
      tpu.wait_dma2 semaphore(%run_scoped3A : memref<!tpu.dma_semaphore, #tpu.memory_space<semaphore_mem>>) src(%arg6 : memref<512x128xf32, #tpu.memory_space<vmem>>) dst(%dma_wait3A_136 : memref<512x128xf32, #tpu.memory_space<hbm>>)
      tpu.yield
    }) : () -> ()
    %add3A_97 = arith.constant 6144 : i32
    %add3A_98 = arith.addi %mul3A_2, %add3A_97 : i32
    "tpu.region"() ({
      %run_scoped3A = tpu.sem_alloc : memref<!tpu.dma_semaphore, #tpu.memory_space<semaphore_mem>>
      %dma_start3A_129 = tpu.memref_slice %arg3[%add3A_98] : memref<262144xi32, #tpu.memory_space<hbm>> -> memref<512xi32, #tpu.memory_space<hbm>>
      %dma_start3A_130 = tpu.memref_slice %arg3[%add3A_98] : memref<262144xi32, #tpu.memory_space<hbm>> -> memref<512xi32, #tpu.memory_space<hbm>>
      tpu.enqueue_dma source(%dma_start3A_130 : memref<512xi32, #tpu.memory_space<hbm>>) target(%arg5 : memref<512xi32, #tpu.memory_space<vmem>>) target_semaphore(%run_scoped3A : memref<!tpu.dma_semaphore, #tpu.memory_space<semaphore_mem>>)
      %dma_wait3A_131 = tpu.memref_slice %arg3[%add3A_98] : memref<262144xi32, #tpu.memory_space<hbm>> -> memref<512xi32, #tpu.memory_space<hbm>>
      %dma_wait3A_132 = tpu.memref_slice %arg3[%add3A_98] : memref<262144xi32, #tpu.memory_space<hbm>> -> memref<512xi32, #tpu.memory_space<hbm>>
      tpu.wait_dma2 semaphore(%run_scoped3A : memref<!tpu.dma_semaphore, #tpu.memory_space<semaphore_mem>>) src(%dma_wait3A_132 : memref<512xi32, #tpu.memory_space<hbm>>) dst(%arg5 : memref<512xi32, #tpu.memory_space<vmem>>)
      tpu.yield
    }) : () -> ()
    %dma_start3A_99 = arith.constant 0 : i32
    %dma_start3A_100 = arith.constant 0 : i32
    %dma_start3A_101 = tpu.memref_slice %arg2[%dma_start3A_99, %dma_start3A_100] : memref<100000x128xf32, #tpu.memory_space<hbm>> -> memref<100000x128xf32, #tpu.memory_space<hbm>>
    tpu.enqueue_indirect_dma source(%dma_start3A_101 : memref<100000x128xf32, #tpu.memory_space<hbm>>) target(%arg6 : memref<512x128xf32, #tpu.memory_space<vmem>>) offsets(%arg5 : memref<512xi32, #tpu.memory_space<vmem>>) semaphore(%arg7 : memref<!tpu.dma_semaphore, #tpu.memory_space<semaphore_mem>>)
    %dma_wait3A_102 = arith.constant 0 : i32
    %dma_wait3A_103 = arith.constant 0 : i32
    %dma_wait3A_104 = tpu.memref_slice %arg2[%dma_wait3A_102, %dma_wait3A_103] : memref<100000x128xf32, #tpu.memory_space<hbm>> -> memref<100000x128xf32, #tpu.memory_space<hbm>>
    tpu.wait_indirect_dma semaphore(%arg7 : memref<!tpu.dma_semaphore, #tpu.memory_space<semaphore_mem>>) src(%dma_wait3A_104 : memref<100000x128xf32, #tpu.memory_space<hbm>>) dst(%arg6 : memref<512x128xf32, #tpu.memory_space<vmem>>)
    "tpu.region"() ({
      %run_scoped3A = tpu.sem_alloc : memref<!tpu.dma_semaphore, #tpu.memory_space<semaphore_mem>>
      %dma_start3A_129 = arith.constant 0 : i32
      %dma_start3A_130 = tpu.memref_slice %arg4[%add3A_98, %dma_start3A_129] : memref<262144x128xf32, #tpu.memory_space<hbm>> -> memref<512x128xf32, #tpu.memory_space<hbm>>
      %dma_start3A_131 = arith.constant 0 : i32
      %dma_start3A_132 = tpu.memref_slice %arg4[%add3A_98, %dma_start3A_131] : memref<262144x128xf32, #tpu.memory_space<hbm>> -> memref<512x128xf32, #tpu.memory_space<hbm>>
      tpu.enqueue_dma source(%arg6 : memref<512x128xf32, #tpu.memory_space<vmem>>) target(%dma_start3A_132 : memref<512x128xf32, #tpu.memory_space<hbm>>) target_semaphore(%run_scoped3A : memref<!tpu.dma_semaphore, #tpu.memory_space<semaphore_mem>>)
      %dma_wait3A_133 = arith.constant 0 : i32
      %dma_wait3A_134 = tpu.memref_slice %arg4[%add3A_98, %dma_wait3A_133] : memref<262144x128xf32, #tpu.memory_space<hbm>> -> memref<512x128xf32, #tpu.memory_space<hbm>>
      %dma_wait3A_135 = arith.constant 0 : i32
      %dma_wait3A_136 = tpu.memref_slice %arg4[%add3A_98, %dma_wait3A_135] : memref<262144x128xf32, #tpu.memory_space<hbm>> -> memref<512x128xf32, #tpu.memory_space<hbm>>
      tpu.wait_dma2 semaphore(%run_scoped3A : memref<!tpu.dma_semaphore, #tpu.memory_space<semaphore_mem>>) src(%arg6 : memref<512x128xf32, #tpu.memory_space<vmem>>) dst(%dma_wait3A_136 : memref<512x128xf32, #tpu.memory_space<hbm>>)
      tpu.yield
    }) : () -> ()
    %add3A_105 = arith.constant 6656 : i32
    %add3A_106 = arith.addi %mul3A_2, %add3A_105 : i32
    "tpu.region"() ({
      %run_scoped3A = tpu.sem_alloc : memref<!tpu.dma_semaphore, #tpu.memory_space<semaphore_mem>>
      %dma_start3A_129 = tpu.memref_slice %arg3[%add3A_106] : memref<262144xi32, #tpu.memory_space<hbm>> -> memref<512xi32, #tpu.memory_space<hbm>>
      %dma_start3A_130 = tpu.memref_slice %arg3[%add3A_106] : memref<262144xi32, #tpu.memory_space<hbm>> -> memref<512xi32, #tpu.memory_space<hbm>>
      tpu.enqueue_dma source(%dma_start3A_130 : memref<512xi32, #tpu.memory_space<hbm>>) target(%arg5 : memref<512xi32, #tpu.memory_space<vmem>>) target_semaphore(%run_scoped3A : memref<!tpu.dma_semaphore, #tpu.memory_space<semaphore_mem>>)
      %dma_wait3A_131 = tpu.memref_slice %arg3[%add3A_106] : memref<262144xi32, #tpu.memory_space<hbm>> -> memref<512xi32, #tpu.memory_space<hbm>>
      %dma_wait3A_132 = tpu.memref_slice %arg3[%add3A_106] : memref<262144xi32, #tpu.memory_space<hbm>> -> memref<512xi32, #tpu.memory_space<hbm>>
      tpu.wait_dma2 semaphore(%run_scoped3A : memref<!tpu.dma_semaphore, #tpu.memory_space<semaphore_mem>>) src(%dma_wait3A_132 : memref<512xi32, #tpu.memory_space<hbm>>) dst(%arg5 : memref<512xi32, #tpu.memory_space<vmem>>)
      tpu.yield
    }) : () -> ()
    %dma_start3A_107 = arith.constant 0 : i32
    %dma_start3A_108 = arith.constant 0 : i32
    %dma_start3A_109 = tpu.memref_slice %arg2[%dma_start3A_107, %dma_start3A_108] : memref<100000x128xf32, #tpu.memory_space<hbm>> -> memref<100000x128xf32, #tpu.memory_space<hbm>>
    tpu.enqueue_indirect_dma source(%dma_start3A_109 : memref<100000x128xf32, #tpu.memory_space<hbm>>) target(%arg6 : memref<512x128xf32, #tpu.memory_space<vmem>>) offsets(%arg5 : memref<512xi32, #tpu.memory_space<vmem>>) semaphore(%arg7 : memref<!tpu.dma_semaphore, #tpu.memory_space<semaphore_mem>>)
    %dma_wait3A_110 = arith.constant 0 : i32
    %dma_wait3A_111 = arith.constant 0 : i32
    %dma_wait3A_112 = tpu.memref_slice %arg2[%dma_wait3A_110, %dma_wait3A_111] : memref<100000x128xf32, #tpu.memory_space<hbm>> -> memref<100000x128xf32, #tpu.memory_space<hbm>>
    tpu.wait_indirect_dma semaphore(%arg7 : memref<!tpu.dma_semaphore, #tpu.memory_space<semaphore_mem>>) src(%dma_wait3A_112 : memref<100000x128xf32, #tpu.memory_space<hbm>>) dst(%arg6 : memref<512x128xf32, #tpu.memory_space<vmem>>)
    "tpu.region"() ({
      %run_scoped3A = tpu.sem_alloc : memref<!tpu.dma_semaphore, #tpu.memory_space<semaphore_mem>>
      %dma_start3A_129 = arith.constant 0 : i32
      %dma_start3A_130 = tpu.memref_slice %arg4[%add3A_106, %dma_start3A_129] : memref<262144x128xf32, #tpu.memory_space<hbm>> -> memref<512x128xf32, #tpu.memory_space<hbm>>
      %dma_start3A_131 = arith.constant 0 : i32
      %dma_start3A_132 = tpu.memref_slice %arg4[%add3A_106, %dma_start3A_131] : memref<262144x128xf32, #tpu.memory_space<hbm>> -> memref<512x128xf32, #tpu.memory_space<hbm>>
      tpu.enqueue_dma source(%arg6 : memref<512x128xf32, #tpu.memory_space<vmem>>) target(%dma_start3A_132 : memref<512x128xf32, #tpu.memory_space<hbm>>) target_semaphore(%run_scoped3A : memref<!tpu.dma_semaphore, #tpu.memory_space<semaphore_mem>>)
      %dma_wait3A_133 = arith.constant 0 : i32
      %dma_wait3A_134 = tpu.memref_slice %arg4[%add3A_106, %dma_wait3A_133] : memref<262144x128xf32, #tpu.memory_space<hbm>> -> memref<512x128xf32, #tpu.memory_space<hbm>>
      %dma_wait3A_135 = arith.constant 0 : i32
      %dma_wait3A_136 = tpu.memref_slice %arg4[%add3A_106, %dma_wait3A_135] : memref<262144x128xf32, #tpu.memory_space<hbm>> -> memref<512x128xf32, #tpu.memory_space<hbm>>
      tpu.wait_dma2 semaphore(%run_scoped3A : memref<!tpu.dma_semaphore, #tpu.memory_space<semaphore_mem>>) src(%arg6 : memref<512x128xf32, #tpu.memory_space<vmem>>) dst(%dma_wait3A_136 : memref<512x128xf32, #tpu.memory_space<hbm>>)
      tpu.yield
    }) : () -> ()
    %add3A_113 = arith.constant 7168 : i32
    %add3A_114 = arith.addi %mul3A_2, %add3A_113 : i32
    "tpu.region"() ({
      %run_scoped3A = tpu.sem_alloc : memref<!tpu.dma_semaphore, #tpu.memory_space<semaphore_mem>>
      %dma_start3A_129 = tpu.memref_slice %arg3[%add3A_114] : memref<262144xi32, #tpu.memory_space<hbm>> -> memref<512xi32, #tpu.memory_space<hbm>>
      %dma_start3A_130 = tpu.memref_slice %arg3[%add3A_114] : memref<262144xi32, #tpu.memory_space<hbm>> -> memref<512xi32, #tpu.memory_space<hbm>>
      tpu.enqueue_dma source(%dma_start3A_130 : memref<512xi32, #tpu.memory_space<hbm>>) target(%arg5 : memref<512xi32, #tpu.memory_space<vmem>>) target_semaphore(%run_scoped3A : memref<!tpu.dma_semaphore, #tpu.memory_space<semaphore_mem>>)
      %dma_wait3A_131 = tpu.memref_slice %arg3[%add3A_114] : memref<262144xi32, #tpu.memory_space<hbm>> -> memref<512xi32, #tpu.memory_space<hbm>>
      %dma_wait3A_132 = tpu.memref_slice %arg3[%add3A_114] : memref<262144xi32, #tpu.memory_space<hbm>> -> memref<512xi32, #tpu.memory_space<hbm>>
      tpu.wait_dma2 semaphore(%run_scoped3A : memref<!tpu.dma_semaphore, #tpu.memory_space<semaphore_mem>>) src(%dma_wait3A_132 : memref<512xi32, #tpu.memory_space<hbm>>) dst(%arg5 : memref<512xi32, #tpu.memory_space<vmem>>)
      tpu.yield
    }) : () -> ()
    %dma_start3A_115 = arith.constant 0 : i32
    %dma_start3A_116 = arith.constant 0 : i32
    %dma_start3A_117 = tpu.memref_slice %arg2[%dma_start3A_115, %dma_start3A_116] : memref<100000x128xf32, #tpu.memory_space<hbm>> -> memref<100000x128xf32, #tpu.memory_space<hbm>>
    tpu.enqueue_indirect_dma source(%dma_start3A_117 : memref<100000x128xf32, #tpu.memory_space<hbm>>) target(%arg6 : memref<512x128xf32, #tpu.memory_space<vmem>>) offsets(%arg5 : memref<512xi32, #tpu.memory_space<vmem>>) semaphore(%arg7 : memref<!tpu.dma_semaphore, #tpu.memory_space<semaphore_mem>>)
    %dma_wait3A_118 = arith.constant 0 : i32
    %dma_wait3A_119 = arith.constant 0 : i32
    %dma_wait3A_120 = tpu.memref_slice %arg2[%dma_wait3A_118, %dma_wait3A_119] : memref<100000x128xf32, #tpu.memory_space<hbm>> -> memref<100000x128xf32, #tpu.memory_space<hbm>>
    tpu.wait_indirect_dma semaphore(%arg7 : memref<!tpu.dma_semaphore, #tpu.memory_space<semaphore_mem>>) src(%dma_wait3A_120 : memref<100000x128xf32, #tpu.memory_space<hbm>>) dst(%arg6 : memref<512x128xf32, #tpu.memory_space<vmem>>)
    "tpu.region"() ({
      %run_scoped3A = tpu.sem_alloc : memref<!tpu.dma_semaphore, #tpu.memory_space<semaphore_mem>>
      %dma_start3A_129 = arith.constant 0 : i32
      %dma_start3A_130 = tpu.memref_slice %arg4[%add3A_114, %dma_start3A_129] : memref<262144x128xf32, #tpu.memory_space<hbm>> -> memref<512x128xf32, #tpu.memory_space<hbm>>
      %dma_start3A_131 = arith.constant 0 : i32
      %dma_start3A_132 = tpu.memref_slice %arg4[%add3A_114, %dma_start3A_131] : memref<262144x128xf32, #tpu.memory_space<hbm>> -> memref<512x128xf32, #tpu.memory_space<hbm>>
      tpu.enqueue_dma source(%arg6 : memref<512x128xf32, #tpu.memory_space<vmem>>) target(%dma_start3A_132 : memref<512x128xf32, #tpu.memory_space<hbm>>) target_semaphore(%run_scoped3A : memref<!tpu.dma_semaphore, #tpu.memory_space<semaphore_mem>>)
      %dma_wait3A_133 = arith.constant 0 : i32
      %dma_wait3A_134 = tpu.memref_slice %arg4[%add3A_114, %dma_wait3A_133] : memref<262144x128xf32, #tpu.memory_space<hbm>> -> memref<512x128xf32, #tpu.memory_space<hbm>>
      %dma_wait3A_135 = arith.constant 0 : i32
      %dma_wait3A_136 = tpu.memref_slice %arg4[%add3A_114, %dma_wait3A_135] : memref<262144x128xf32, #tpu.memory_space<hbm>> -> memref<512x128xf32, #tpu.memory_space<hbm>>
      tpu.wait_dma2 semaphore(%run_scoped3A : memref<!tpu.dma_semaphore, #tpu.memory_space<semaphore_mem>>) src(%arg6 : memref<512x128xf32, #tpu.memory_space<vmem>>) dst(%dma_wait3A_136 : memref<512x128xf32, #tpu.memory_space<hbm>>)
      tpu.yield
    }) : () -> ()
    %add3A_121 = arith.constant 7680 : i32
    %add3A_122 = arith.addi %mul3A_2, %add3A_121 : i32
    "tpu.region"() ({
      %run_scoped3A = tpu.sem_alloc : memref<!tpu.dma_semaphore, #tpu.memory_space<semaphore_mem>>
      %dma_start3A_129 = tpu.memref_slice %arg3[%add3A_122] : memref<262144xi32, #tpu.memory_space<hbm>> -> memref<512xi32, #tpu.memory_space<hbm>>
      %dma_start3A_130 = tpu.memref_slice %arg3[%add3A_122] : memref<262144xi32, #tpu.memory_space<hbm>> -> memref<512xi32, #tpu.memory_space<hbm>>
      tpu.enqueue_dma source(%dma_start3A_130 : memref<512xi32, #tpu.memory_space<hbm>>) target(%arg5 : memref<512xi32, #tpu.memory_space<vmem>>) target_semaphore(%run_scoped3A : memref<!tpu.dma_semaphore, #tpu.memory_space<semaphore_mem>>)
      %dma_wait3A_131 = tpu.memref_slice %arg3[%add3A_122] : memref<262144xi32, #tpu.memory_space<hbm>> -> memref<512xi32, #tpu.memory_space<hbm>>
      %dma_wait3A_132 = tpu.memref_slice %arg3[%add3A_122] : memref<262144xi32, #tpu.memory_space<hbm>> -> memref<512xi32, #tpu.memory_space<hbm>>
      tpu.wait_dma2 semaphore(%run_scoped3A : memref<!tpu.dma_semaphore, #tpu.memory_space<semaphore_mem>>) src(%dma_wait3A_132 : memref<512xi32, #tpu.memory_space<hbm>>) dst(%arg5 : memref<512xi32, #tpu.memory_space<vmem>>)
      tpu.yield
    }) : () -> ()
    %dma_start3A_123 = arith.constant 0 : i32
    %dma_start3A_124 = arith.constant 0 : i32
    %dma_start3A_125 = tpu.memref_slice %arg2[%dma_start3A_123, %dma_start3A_124] : memref<100000x128xf32, #tpu.memory_space<hbm>> -> memref<100000x128xf32, #tpu.memory_space<hbm>>
    tpu.enqueue_indirect_dma source(%dma_start3A_125 : memref<100000x128xf32, #tpu.memory_space<hbm>>) target(%arg6 : memref<512x128xf32, #tpu.memory_space<vmem>>) offsets(%arg5 : memref<512xi32, #tpu.memory_space<vmem>>) semaphore(%arg7 : memref<!tpu.dma_semaphore, #tpu.memory_space<semaphore_mem>>)
    %dma_wait3A_126 = arith.constant 0 : i32
    %dma_wait3A_127 = arith.constant 0 : i32
    %dma_wait3A_128 = tpu.memref_slice %arg2[%dma_wait3A_126, %dma_wait3A_127] : memref<100000x128xf32, #tpu.memory_space<hbm>> -> memref<100000x128xf32, #tpu.memory_space<hbm>>
    tpu.wait_indirect_dma semaphore(%arg7 : memref<!tpu.dma_semaphore, #tpu.memory_space<semaphore_mem>>) src(%dma_wait3A_128 : memref<100000x128xf32, #tpu.memory_space<hbm>>) dst(%arg6 : memref<512x128xf32, #tpu.memory_space<vmem>>)
    "tpu.region"() ({
      %run_scoped3A = tpu.sem_alloc : memref<!tpu.dma_semaphore, #tpu.memory_space<semaphore_mem>>
      %dma_start3A_129 = arith.constant 0 : i32
      %dma_start3A_130 = tpu.memref_slice %arg4[%add3A_122, %dma_start3A_129] : memref<262144x128xf32, #tpu.memory_space<hbm>> -> memref<512x128xf32, #tpu.memory_space<hbm>>
      %dma_start3A_131 = arith.constant 0 : i32
      %dma_start3A_132 = tpu.memref_slice %arg4[%add3A_122, %dma_start3A_131] : memref<262144x128xf32, #tpu.memory_space<hbm>> -> memref<512x128xf32, #tpu.memory_space<hbm>>
      tpu.enqueue_dma source(%arg6 : memref<512x128xf32, #tpu.memory_space<vmem>>) target(%dma_start3A_132 : memref<512x128xf32, #tpu.memory_space<hbm>>) target_semaphore(%run_scoped3A : memref<!tpu.dma_semaphore, #tpu.memory_space<semaphore_mem>>)
      %dma_wait3A_133 = arith.constant 0 : i32
      %dma_wait3A_134 = tpu.memref_slice %arg4[%add3A_122, %dma_wait3A_133] : memref<262144x128xf32, #tpu.memory_space<hbm>> -> memref<512x128xf32, #tpu.memory_space<hbm>>
      %dma_wait3A_135 = arith.constant 0 : i32
      %dma_wait3A_136 = tpu.memref_slice %arg4[%add3A_122, %dma_wait3A_135] : memref<262144x128xf32, #tpu.memory_space<hbm>> -> memref<512x128xf32, #tpu.memory_space<hbm>>
      tpu.wait_dma2 semaphore(%run_scoped3A : memref<!tpu.dma_semaphore, #tpu.memory_space<semaphore_mem>>) src(%arg6 : memref<512x128xf32, #tpu.memory_space<vmem>>) dst(%dma_wait3A_136 : memref<512x128xf32, #tpu.memory_space<hbm>>)
      tpu.yield
    }) : () -> ()
    return
  }
}

module attributes {stable_mosaic.version = 14 : i64} {
  func.func @_keysn_kernel(%arg0: i32, %arg1: memref<4096x128xf32, #tpu.memory_space<vmem>>, %arg2: memref<4096x128xf32, #tpu.memory_space<vmem>>) attributes {dimension_semantics = [#tpu.dimension_semantics<arbitrary>], iteration_bounds = array<i64: 25>, scalar_prefetch = 0 : i64, scratch_operands = 0 : i64, tpu.core_type = #tpu.core_type<tc>, window_params = [{transform_indices = @transform_0, window_bounds = array<i64: 4096, 128>}, {transform_indices = @transform_1, window_bounds = array<i64: 4096, 128>}]} {
    %get3A = arith.constant 0 : index
    %get3A_0 = arith.constant 0 : index
    %get3A_1 = vector.load %arg1[%get3A, %get3A_0] : memref<4096x128xf32, #tpu.memory_space<vmem>>, vector<4096x128xf32>
    %mul3A = arith.mulf %get3A_1, %get3A_1 : vector<4096x128xf32>
    %reduce_sum3A = arith.constant dense<0.000000e+00> : vector<4096xf32>
    %reduce_sum3A_2 = vector.multi_reduction <add>, %mul3A, %reduce_sum3A [1] : vector<4096x128xf32> to vector<4096xf32>
    %broadcast_in_dim3A = vector.shape_cast %reduce_sum3A_2 : vector<4096xf32> to vector<4096x1xf32>
    %sqrt3A = math.sqrt %broadcast_in_dim3A : vector<4096x1xf32>
    %max3A = arith.constant 9.99999996E-13 : f32
    %max3A_3 = vector.broadcast %max3A : f32 to vector<4096x1xf32>
    %max3A_4 = arith.maximumf %sqrt3A, %max3A_3 : vector<4096x1xf32>
    %div3A = vector.broadcast %max3A_4 : vector<4096x1xf32> to vector<4096x128xf32>
    %div3A_5 = arith.divf %get3A_1, %div3A : vector<4096x128xf32>
    %swap3A = arith.constant 0 : index
    %swap3A_6 = arith.constant 0 : index
    %swap3A_7 = vector.load %arg2[%swap3A, %swap3A_6] : memref<4096x128xf32, #tpu.memory_space<vmem>>, vector<4096x128xf32>
    tpu.vector_store %arg2[%swap3A, %swap3A_6], %div3A_5 {strides = array<i32>} : memref<4096x128xf32, #tpu.memory_space<vmem>>, vector<4096x128xf32>,
    return
  }
  func.func @transform_0(%arg0: i32) -> (i32, i32) {
    %c0_i32 = arith.constant 0 : i32
    %c0_i32_0 = arith.constant 0 : i32
    return %arg0, %c0_i32 : i32, i32
  }
  func.func @transform_1(%arg0: i32) -> (i32, i32) {
    %c0_i32 = arith.constant 0 : i32
    %c0_i32_0 = arith.constant 0 : i32
    return %arg0, %c0_i32 : i32, i32
  }
}

module attributes {stable_mosaic.version = 14 : i64} {
  func.func @_score_kernel(%arg0: i32, %arg1: i32, %arg2: memref<256x128xf32, #tpu.memory_space<vmem>>, %arg3: memref<4096x128xf32, #tpu.memory_space<vmem>>, %arg4: memref<256x32x128xf32, #tpu.memory_space<vmem>>, %arg5: memref<256x128xf32, #tpu.memory_space<vmem>>) attributes {dimension_semantics = [#tpu.dimension_semantics<arbitrary>, #tpu.dimension_semantics<arbitrary>], iteration_bounds = array<i64: 25, 32>, scalar_prefetch = 0 : i64, scratch_operands = 0 : i64, tpu.core_type = #tpu.core_type<tc>, window_params = [{transform_indices = @transform_0, window_bounds = array<i64: 256, 128>}, {transform_indices = @transform_1, window_bounds = array<i64: 4096, 128>}, {transform_indices = @transform_2, window_bounds = array<i64: 256, 32, 128>}, {transform_indices = @transform_3, window_bounds = array<i64: 256, 128>}]} {
    %get3A = arith.constant 0 : index
    %get3A_0 = arith.constant 0 : index
    %get3A_1 = vector.load %arg2[%get3A, %get3A_0] : memref<256x128xf32, #tpu.memory_space<vmem>>, vector<256x128xf32>
    %get3A_2 = arith.constant 0 : index
    %get3A_3 = arith.constant 0 : index
    %get3A_4 = vector.load %arg3[%get3A_2, %get3A_3] : memref<4096x128xf32, #tpu.memory_space<vmem>>, vector<4096x128xf32>
    %dot_general3A = arith.constant dense<0.000000e+00> : vector<256x4096xf32>
    %dot_general3A_5 = tpu.matmul %get3A_1, %get3A_4, %dot_general3A {dimension_numbers = #tpu.dot_dimension_numbers<[1], [1], [0], [0], [0, 0, 1, 0], [], []>, transpose_lhs_hint = false} : vector<256x128xf32>, vector<4096x128xf32>, vector<256x4096xf32> -> vector<256x4096xf32>
    %mul3A = arith.constant 4096 : i32
    %mul3A_6 = arith.muli %arg0, %mul3A : i32
    %iota3A = tpu.iota {dimensions = array<i32: 1>} : vector<1x4096xi32>
    %add3A = vector.broadcast %mul3A_6 : i32 to vector<1x4096xi32>
    %add3A_7 = arith.addi %add3A, %iota3A : vector<1x4096xi32>
    %lt3A = arith.constant 100000 : i32
    %lt3A_8 = vector.broadcast %lt3A : i32 to vector<1x4096xi32>
    %lt3A_9 = arith.cmpi slt, %add3A_7, %lt3A_8 : vector<1x4096xi32>
    %jit3A = arith.constant -1.000000e+30 : f32
    %broadcast_in_dim3A = vector.shape_cast %lt3A_9 : vector<1x4096xi1> to vector<1x4096xi1>
    %broadcast_in_dim3A_10 = vector.broadcast %broadcast_in_dim3A : vector<1x4096xi1> to vector<256x4096xi1>
    %broadcast_in_dim3A_11 = vector.broadcast %jit3A : f32 to vector<256x4096xf32>
    %select_n3A = arith.select %broadcast_in_dim3A_10, %dot_general3A_5, %broadcast_in_dim3A_11 : vector<256x4096xi1>, vector<256x4096xf32>
    %reshape3A = vector.shape_cast %select_n3A : vector<256x4096xf32> to vector<256x32x128xf32>
    %swap3A = arith.constant 0 : index
    %swap3A_12 = arith.constant 0 : index
    %swap3A_13 = arith.constant 0 : index
    %swap3A_14 = vector.load %arg4[%swap3A, %swap3A_12, %swap3A_13] : memref<256x32x128xf32, #tpu.memory_space<vmem>>, vector<256x32x128xf32>
    tpu.vector_store %arg4[%swap3A, %swap3A_12, %swap3A_13], %reshape3A {strides = array<i32>} : memref<256x32x128xf32, #tpu.memory_space<vmem>>, vector<256x32x128xf32>,
    %reshape3A_15 = vector.shape_cast %select_n3A : vector<256x4096xf32> to vector<256x128x32xf32>
    %reduce_max3A = arith.constant dense<0xFF800000> : vector<256x128xf32>
    %reduce_max3A_16 = vector.multi_reduction <maximumf>, %reshape3A_15, %reduce_max3A [2] : vector<256x128x32xf32> to vector<256x128xf32>
    %swap3A_17 = arith.constant 0 : index
    %swap3A_18 = arith.constant 0 : index
    %swap3A_19 = vector.load %arg5[%swap3A_17, %swap3A_18] : memref<256x128xf32, #tpu.memory_space<vmem>>, vector<256x128xf32>
    tpu.vector_store %arg5[%swap3A_17, %swap3A_18], %reduce_max3A_16 {strides = array<i32>} : memref<256x128xf32, #tpu.memory_space<vmem>>, vector<256x128xf32>,
    return
  }
  func.func @transform_0(%arg0: i32, %arg1: i32) -> (i32, i32) {
    %c0_i32 = arith.constant 0 : i32
    %c0_i32_0 = arith.constant 0 : i32
    return %arg1, %c0_i32 : i32, i32
  }
  func.func @transform_1(%arg0: i32, %arg1: i32) -> (i32, i32) {
    %c0_i32 = arith.constant 0 : i32
    %c0_i32_0 = arith.constant 0 : i32
    return %arg0, %c0_i32 : i32, i32
  }
  func.func @transform_2(%arg0: i32, %arg1: i32) -> (i32, i32, i32) {
    %c0_i32 = arith.constant 0 : i32
    %c0_i32_0 = arith.constant 0 : i32
    return %arg1, %arg0, %c0_i32 : i32, i32, i32
  }
  func.func @transform_3(%arg0: i32, %arg1: i32) -> (i32, i32) {
    %c0_i32 = arith.constant 0 : i32
    return %arg1, %arg0 : i32, i32
  }
}

module attributes {stable_mosaic.version = 14 : i64} {
  func.func @_qn_kernel(%arg0: i32, %arg1: memref<4096x128xf32, #tpu.memory_space<vmem>>, %arg2: memref<1x128x128xf32, #tpu.memory_space<vmem>>, %arg3: memref<1x1x128xf32, #tpu.memory_space<vmem>>, %arg4: memref<1x4096x128xf32, #tpu.memory_space<vmem>>) attributes {dimension_semantics = [#tpu.dimension_semantics<arbitrary>], iteration_bounds = array<i64: 2>, scalar_prefetch = 0 : i64, scratch_operands = 0 : i64, tpu.core_type = #tpu.core_type<tc>, window_params = [{pipeline_mode = #tpu.pipeline_mode<synchronous>, transform_indices = @transform_0, window_bounds = array<i64: 4096, 128>}, {transform_indices = @transform_1, window_bounds = array<i64: 1, 128, 128>}, {transform_indices = @transform_2, window_bounds = array<i64: 1, 1, 128>}, {transform_indices = @transform_3, window_bounds = array<i64: 1, 4096, 128>}]} {
    %get3A = arith.constant 0 : index
    %get3A_0 = arith.constant 0 : index
    %get3A_1 = vector.load %arg1[%get3A, %get3A_0] : memref<4096x128xf32, #tpu.memory_space<vmem>>, vector<4096x128xf32>
    %get3A_2 = arith.constant 0 : index
    %get3A_3 = arith.constant 0 : index
    %get3A_4 = arith.constant 0 : index
    %get3A_5 = vector.load %arg2[%get3A_2, %get3A_3, %get3A_4] : memref<1x128x128xf32, #tpu.memory_space<vmem>>, vector<1x128x128xf32>
    %get3A_6 = vector.shape_cast %get3A_5 : vector<1x128x128xf32> to vector<128x128xf32>
    %dot_general3A = arith.constant dense<0.000000e+00> : vector<4096x128xf32>
    %dot_general3A_7 = tpu.matmul %get3A_1, %get3A_6, %dot_general3A {dimension_numbers = #tpu.dot_dimension_numbers<[1], [1], [0], [0], [0, 0, 1, 0], [], []>, transpose_lhs_hint = false} : vector<4096x128xf32>, vector<128x128xf32>, vector<4096x128xf32> -> vector<4096x128xf32>
    %get3A_8 = arith.constant 0 : index
    %get3A_9 = arith.constant 0 : index
    %get3A_10 = arith.constant 0 : index
    %get3A_11 = vector.load %arg3[%get3A_8, %get3A_9, %get3A_10] : memref<1x1x128xf32, #tpu.memory_space<vmem>>, vector<1x1x128xf32>
    %get3A_12 = vector.shape_cast %get3A_11 : vector<1x1x128xf32> to vector<1x128xf32>
    %add3A = vector.broadcast %get3A_12 : vector<1x128xf32> to vector<4096x128xf32>
    %add3A_13 = arith.addf %dot_general3A_7, %add3A : vector<4096x128xf32>
    %mul3A = arith.mulf %add3A_13, %add3A_13 : vector<4096x128xf32>
    %reduce_sum3A = arith.constant dense<0.000000e+00> : vector<4096xf32>
    %reduce_sum3A_14 = vector.multi_reduction <add>, %mul3A, %reduce_sum3A [1] : vector<4096x128xf32> to vector<4096xf32>
    %broadcast_in_dim3A = vector.shape_cast %reduce_sum3A_14 : vector<4096xf32> to vector<4096x1xf32>
    %sqrt3A = math.sqrt %broadcast_in_dim3A : vector<4096x1xf32>
    %max3A = arith.constant 9.99999996E-13 : f32
    %max3A_15 = vector.broadcast %max3A : f32 to vector<4096x1xf32>
    %max3A_16 = arith.maximumf %sqrt3A, %max3A_15 : vector<4096x1xf32>
    %div3A = vector.broadcast %max3A_16 : vector<4096x1xf32> to vector<4096x128xf32>
    %div3A_17 = arith.divf %add3A_13, %div3A : vector<4096x128xf32>
    %swap3A = arith.constant 0 : index
    %swap3A_18 = arith.constant 0 : index
    %swap3A_19 = arith.constant 0 : index
    %swap3A_20 = vector.load %arg4[%swap3A, %swap3A_18, %swap3A_19] : memref<1x4096x128xf32, #tpu.memory_space<vmem>>, vector<1x4096x128xf32>
    %swap3A_21 = vector.shape_cast %swap3A_20 : vector<1x4096x128xf32> to vector<4096x128xf32>
    %swap3A_22 = vector.shape_cast %div3A_17 : vector<4096x128xf32> to vector<1x4096x128xf32>
    tpu.vector_store %arg4[%swap3A, %swap3A_18, %swap3A_19], %swap3A_22 {strides = array<i32>} : memref<1x4096x128xf32, #tpu.memory_space<vmem>>, vector<1x4096x128xf32>,
    return
  }
  func.func @transform_0(%arg0: i32) -> (i32, i32) {
    %c0_i32 = arith.constant 0 : i32
    %c0_i32_0 = arith.constant 0 : i32
    %c0_i32_1 = arith.constant 0 : i32
    return %c0_i32, %c0_i32_0 : i32, i32
  }
  func.func @transform_1(%arg0: i32) -> (i32, i32, i32) {
    %c0_i32 = arith.constant 0 : i32
    %c0_i32_0 = arith.constant 0 : i32
    %c0_i32_1 = arith.constant 0 : i32
    return %arg0, %c0_i32, %c0_i32_0 : i32, i32, i32
  }
  func.func @transform_2(%arg0: i32) -> (i32, i32, i32) {
    %c0_i32 = arith.constant 0 : i32
    %c0_i32_0 = arith.constant 0 : i32
    %c0_i32_1 = arith.constant 0 : i32
    return %arg0, %c0_i32, %c0_i32_0 : i32, i32, i32
  }
  func.func @transform_3(%arg0: i32) -> (i32, i32, i32) {
    %c0_i32 = arith.constant 0 : i32
    %c0_i32_0 = arith.constant 0 : i32
    %c0_i32_1 = arith.constant 0 : i32
    return %arg0, %c0_i32, %c0_i32_0 : i32, i32, i32
  }
}

module attributes {stable_mosaic.version = 14 : i64} {
  func.func @_sel1_kernel(%arg0: i32, %arg1: memref<256x3200xf32, #tpu.memory_space<vmem>>, %arg2: memref<256x32xi32, #tpu.memory_space<vmem>>, %arg3: memref<256x32xi32, #tpu.memory_space<vmem>>) attributes {dimension_semantics = [#tpu.dimension_semantics<arbitrary>], iteration_bounds = array<i64: 32>, scalar_prefetch = 0 : i64, scratch_operands = 0 : i64, tpu.core_type = #tpu.core_type<tc>, window_params = [{transform_indices = @transform_0, window_bounds = array<i64: 256, 3200>}, {transform_indices = @transform_1, window_bounds = array<i64: 256, 32>}, {transform_indices = @transform_2, window_bounds = array<i64: 256, 32>}]} {
    %iota3A = tpu.iota {dimensions = array<i32: 1>} : vector<256x3200xi32>
    %iota3A_0 = tpu.iota {dimensions = array<i32: 1>} : vector<256x32xi32>
    %get3A = arith.constant 0 : index
    %get3A_1 = arith.constant 0 : index
    %get3A_2 = vector.load %arg1[%get3A, %get3A_1] : memref<256x3200xf32, #tpu.memory_space<vmem>>, vector<256x3200xf32>
    %broadcast_in_dim3A = arith.constant 0 : i32
    %broadcast_in_dim3A_3 = vector.broadcast %broadcast_in_dim3A : i32 to vector<256x32xi32>
    %scan3A = arith.constant 0 : i32
    %scan3A_4 = arith.constant 32 : i32
    %scan3A_5 = arith.addi %scan3A, %scan3A_4 : i32
    %scan3A_6 = arith.constant 1 : i32
    %scan3A_7:2 = scf.for %scan3A_44 = %scan3A to %scan3A_5 step %scan3A_6 iter_args(%scan3A_45 = %get3A_2, %scan3A_46 = %broadcast_in_dim3A_3) -> (vector<256x3200xf32>, vector<256x32xi32>)  : i32 {
      %argmax3A = tpu.reduce_index %scan3A_45 {axis = 1 : i32, kind = #tpu.reduction_kind<arg_max>} : vector<256x3200xf32> -> vector<256xi32>
      %eq3A = vector.broadcast %scan3A_44 : i32 to vector<256x32xi32>
      %eq3A_47 = arith.cmpi eq, %iota3A_0, %eq3A : vector<256x32xi32>
      %broadcast_in_dim3A_48 = vector.shape_cast %argmax3A : vector<256xi32> to vector<256x1xi32>
      %broadcast_in_dim3A_49 = vector.shape_cast %broadcast_in_dim3A_48 : vector<256x1xi32> to vector<256x1xi32>
      %broadcast_in_dim3A_50 = vector.broadcast %broadcast_in_dim3A_49 : vector<256x1xi32> to vector<256x32xi32>
      %select_n3A_51 = arith.select %eq3A_47, %broadcast_in_dim3A_50, %scan3A_46 : vector<256x32xi1>, vector<256x32xi32>
      %broadcast_in_dim3A_52 = vector.shape_cast %argmax3A : vector<256xi32> to vector<256x1xi32>
      %eq3A_53 = vector.broadcast %broadcast_in_dim3A_52 : vector<256x1xi32> to vector<256x3200xi32>
      %eq3A_54 = arith.cmpi eq, %iota3A, %eq3A_53 : vector<256x3200xi32>
      %jit3A_55 = arith.constant -1.000000e+30 : f32
      %broadcast_in_dim3A_56 = vector.broadcast %jit3A_55 : f32 to vector<256x3200xf32>
      %select_n3A_57 = arith.select %eq3A_54, %broadcast_in_dim3A_56, %scan3A_45 : vector<256x3200xi1>, vector<256x3200xf32>
      scf.yield %select_n3A_57, %select_n3A_51 : vector<256x3200xf32>, vector<256x32xi32>
    }
    %scan3A_8 = arith.constant 32 : i32
    %mul3A = arith.constant 256 : i32
    %mul3A_9 = arith.muli %arg0, %mul3A : i32
    %iota3A_10 = tpu.iota {dimensions = array<i32: 0>} : vector<256x32xi32>
    %add3A = vector.broadcast %mul3A_9 : i32 to vector<256x32xi32>
    %add3A_11 = arith.addi %add3A, %iota3A_10 : vector<256x32xi32>
    %swap3A = arith.constant 0 : index
    %swap3A_12 = arith.constant 0 : index
    %swap3A_13 = vector.load %arg3[%swap3A, %swap3A_12] : memref<256x32xi32, #tpu.memory_space<vmem>>, vector<256x32xi32>
    tpu.vector_store %arg3[%swap3A, %swap3A_12], %scan3A_7#1 {strides = array<i32>} : memref<256x32xi32, #tpu.memory_space<vmem>>, vector<256x32xi32>,
    %mul3A_14 = arith.constant 800 : i32
    %mul3A_15 = vector.broadcast %mul3A_14 : i32 to vector<256x32xi32>
    %mul3A_16 = arith.muli %add3A_11, %mul3A_15 : vector<256x32xi32>
    %jit3A = arith.constant 4 : i32
    %div3A = vector.broadcast %jit3A : i32 to vector<256x32xi32>
    %div3A_17 = arith.divsi %scan3A_7#1, %div3A : vector<256x32xi32>
    %sign3A = arith.constant 0 : i32
    %sign3A_18 = vector.broadcast %sign3A : i32 to vector<256x32xi32>
    %sign3A_19 = arith.cmpi sgt, %scan3A_7#1, %sign3A_18 : vector<256x32xi32>
    %sign3A_20 = arith.extui %sign3A_19 : vector<256x32xi1> to vector<256x32xi32>
    %sign3A_21 = arith.constant 0 : i32
    %sign3A_22 = vector.broadcast %sign3A_21 : i32 to vector<256x32xi32>
    %sign3A_23 = arith.cmpi slt, %scan3A_7#1, %sign3A_22 : vector<256x32xi32>
    %sign3A_24 = arith.extui %sign3A_23 : vector<256x32xi1> to vector<256x32xi32>
    %sign3A_25 = arith.subi %sign3A_20, %sign3A_24 : vector<256x32xi32>
    %sign3A_26 = arith.constant 0 : i32
    %sign3A_27 = arith.cmpi sgt, %jit3A, %sign3A_26 : i32
    %sign3A_28 = arith.extui %sign3A_27 : i1 to i32
    %sign3A_29 = arith.constant 0 : i32
    %sign3A_30 = arith.cmpi slt, %jit3A, %sign3A_29 : i32
    %sign3A_31 = arith.extui %sign3A_30 : i1 to i32
    %sign3A_32 = arith.subi %sign3A_28, %sign3A_31 : i32
    %ne3A = vector.broadcast %sign3A_32 : i32 to vector<256x32xi32>
    %ne3A_33 = arith.cmpi ne, %sign3A_25, %ne3A : vector<256x32xi32>
    %rem3A = vector.broadcast %jit3A : i32 to vector<256x32xi32>
    %rem3A_34 = arith.remsi %scan3A_7#1, %rem3A : vector<256x32xi32>
    %ne3A_35 = arith.constant 0 : i32
    %ne3A_36 = vector.broadcast %ne3A_35 : i32 to vector<256x32xi32>
    %ne3A_37 = arith.cmpi ne, %rem3A_34, %ne3A_36 : vector<256x32xi32>
    %and3A = arith.andi %ne3A_33, %ne3A_37 : vector<256x32xi1>
    %sub3A = arith.constant 1 : i32
    %sub3A_38 = vector.broadcast %sub3A : i32 to vector<256x32xi32>
    %sub3A_39 = arith.subi %div3A_17, %sub3A_38 : vector<256x32xi32>
    %select_n3A = arith.select %and3A, %sub3A_39, %div3A_17 : vector<256x32xi1>, vector<256x32xi32>
    %add3A_40 = arith.addi %mul3A_16, %select_n3A : vector<256x32xi32>
    %swap3A_41 = arith.constant 0 : index
    %swap3A_42 = arith.constant 0 : index
    %swap3A_43 = vector.load %arg2[%swap3A_41, %swap3A_42] : memref<256x32xi32, #tpu.memory_space<vmem>>, vector<256x32xi32>
    tpu.vector_store %arg2[%swap3A_41, %swap3A_42], %add3A_40 {strides = array<i32>} : memref<256x32xi32, #tpu.memory_space<vmem>>, vector<256x32xi32>,
    return
  }
  func.func @transform_0(%arg0: i32) -> (i32, i32) {
    %c0_i32 = arith.constant 0 : i32
    %c0_i32_0 = arith.constant 0 : i32
    return %arg0, %c0_i32 : i32, i32
  }
  func.func @transform_1(%arg0: i32) -> (i32, i32) {
    %c0_i32 = arith.constant 0 : i32
    %c0_i32_0 = arith.constant 0 : i32
    return %arg0, %c0_i32 : i32, i32
  }
  func.func @transform_2(%arg0: i32) -> (i32, i32) {
    %c0_i32 = arith.constant 0 : i32
    %c0_i32_0 = arith.constant 0 : i32
    return %arg0, %c0_i32 : i32, i32
  }
}

module attributes {stable_mosaic.version = 14 : i64} {
  func.func @_sel2_kernel(%arg0: i32, %arg1: memref<256x32x128xf32, #tpu.memory_space<vmem>>, %arg2: memref<256x32xi32, #tpu.memory_space<vmem>>, %arg3: memref<256x32xf32, #tpu.memory_space<vmem>>, %arg4: memref<256x32xi32, #tpu.memory_space<vmem>>) attributes {dimension_semantics = [#tpu.dimension_semantics<arbitrary>], iteration_bounds = array<i64: 32>, scalar_prefetch = 0 : i64, scratch_operands = 0 : i64, tpu.core_type = #tpu.core_type<tc>, window_params = [{transform_indices = @transform_0, window_bounds = array<i64: 256, 32, 128>}, {transform_indices = @transform_1, window_bounds = array<i64: 256, 32>}, {transform_indices = @transform_2, window_bounds = array<i64: 256, 32>}, {transform_indices = @transform_3, window_bounds = array<i64: 256, 32>}]} {
    %get3A = arith.constant 0 : index
    %get3A_0 = arith.constant 0 : index
    %get3A_1 = vector.load %arg2[%get3A, %get3A_0] : memref<256x32xi32, #tpu.memory_space<vmem>>, vector<256x32xi32>
    %jit3A = arith.constant 4 : i32
    %eq3A = arith.constant 0 : i32
    %eq3A_2 = arith.cmpi eq, %jit3A, %eq3A : i32
    %jit3A_3 = arith.constant 1 : i32
    %select_n3A = arith.select %eq3A_2, %jit3A_3, %jit3A : i32
    %rem3A = vector.broadcast %select_n3A : i32 to vector<256x32xi32>
    %rem3A_4 = arith.remsi %get3A_1, %rem3A : vector<256x32xi32>
    %ne3A = arith.constant 0 : i32
    %ne3A_5 = vector.broadcast %ne3A : i32 to vector<256x32xi32>
    %ne3A_6 = arith.cmpi ne, %rem3A_4, %ne3A_5 : vector<256x32xi32>
    %lt3A = arith.constant 0 : i32
    %lt3A_7 = vector.broadcast %lt3A : i32 to vector<256x32xi32>
    %lt3A_8 = arith.cmpi slt, %rem3A_4, %lt3A_7 : vector<256x32xi32>
    %lt3A_9 = arith.constant 0 : i32
    %lt3A_10 = arith.cmpi slt, %select_n3A, %lt3A_9 : i32
    %ne3A_11 = vector.broadcast %lt3A_10 : i1 to vector<256x32xi1>
    %ne3A_12 = vector.broadcast %ne3A_11 : vector<256x32xi1> to vector<256x32xi1>
    %ne3A_13 = arith.xori %lt3A_8, %ne3A_12 : vector<256x32xi1>
    %and3A = arith.andi %ne3A_13, %ne3A_6 : vector<256x32xi1>
    %add3A = vector.broadcast %select_n3A : i32 to vector<256x32xi32>
    %add3A_14 = arith.addi %rem3A_4, %add3A : vector<256x32xi32>
    %select_n3A_15 = arith.select %and3A, %add3A_14, %rem3A_4 : vector<256x32xi1>, vector<256x32xi32>
    %broadcast_in_dim3A = vector.shape_cast %select_n3A_15 : vector<256x32xi32> to vector<256x32x1xi32>
    %mul3A = arith.constant 32 : i32
    %mul3A_16 = vector.broadcast %mul3A : i32 to vector<256x32x1xi32>
    %mul3A_17 = arith.muli %broadcast_in_dim3A, %mul3A_16 : vector<256x32x1xi32>
    %iota3A = tpu.iota {dimensions = array<i32: 2>} : vector<256x32x32xi32>
    %add3A_18 = vector.broadcast %mul3A_17 : vector<256x32x1xi32> to vector<256x32x32xi32>
    %add3A_19 = arith.addi %add3A_18, %iota3A : vector<256x32x32xi32>
    %get3A_20 = arith.constant 0 : index
    %get3A_21 = arith.constant 0 : index
    %get3A_22 = arith.constant 0 : index
    %get3A_23 = vector.load %arg1[%get3A_20, %get3A_21, %get3A_22] : memref<256x32x128xf32, #tpu.memory_space<vmem>>, vector<256x32x128xf32>
    %lt3A_24 = arith.constant 0 : i32
    %lt3A_25 = vector.broadcast %lt3A_24 : i32 to vector<256x32x32xi32>
    %lt3A_26 = arith.cmpi slt, %add3A_19, %lt3A_25 : vector<256x32x32xi32>
    %add3A_27 = arith.constant 128 : i32
    %add3A_28 = vector.broadcast %add3A_27 : i32 to vector<256x32x32xi32>
    %add3A_29 = arith.addi %add3A_19, %add3A_28 : vector<256x32x32xi32>
    %select_n3A_30 = arith.select %lt3A_26, %add3A_29, %add3A_19 : vector<256x32x32xi1>, vector<256x32x32xi32>
    %reshape3A = vector.shape_cast %select_n3A_30 : vector<256x32x32xi32> to vector<256x32x32x1xi32>
    %gather3A = vector.shape_cast %reshape3A : vector<256x32x32x1xi32> to vector<256x32x32xi32>
    %gather3A_31 = tpu.dynamic_gather %get3A_23[%gather3A] in [2] : vector<256x32x128xf32>, vector<256x32x32xi32> -> vector<256x32x32xf32>
    %reshape3A_32 = vector.shape_cast %gather3A_31 : vector<256x32x32xf32> to vector<256x1024xf32>
    %iota3A_33 = tpu.iota {dimensions = array<i32: 1>} : vector<256x1024xi32>
    %iota3A_34 = tpu.iota {dimensions = array<i32: 1>} : vector<256x32xi32>
    %broadcast_in_dim3A_35 = arith.constant 0.000000e+00 : f32
    %broadcast_in_dim3A_36 = vector.broadcast %broadcast_in_dim3A_35 : f32 to vector<256x32xf32>
    %broadcast_in_dim3A_37 = arith.constant 0 : i32
    %broadcast_in_dim3A_38 = vector.broadcast %broadcast_in_dim3A_37 : i32 to vector<256x32xi32>
    %scan3A = arith.constant 0 : i32
    %scan3A_39 = arith.constant 32 : i32
    %scan3A_40 = arith.addi %scan3A, %scan3A_39 : i32
    %scan3A_41 = arith.constant 1 : i32
    %scan3A_42:3 = scf.for %scan3A_49 = %scan3A to %scan3A_40 step %scan3A_41 iter_args(%scan3A_50 = %reshape3A_32, %scan3A_51 = %broadcast_in_dim3A_36, %scan3A_52 = %broadcast_in_dim3A_38) -> (vector<256x1024xf32>, vector<256x32xf32>, vector<256x32xi32>)  : i32 {
      %reduce_max3A = arith.constant dense<0xFF800000> : vector<256xf32>
      %reduce_max3A_53 = vector.multi_reduction <maximumf>, %scan3A_50, %reduce_max3A [1] : vector<256x1024xf32> to vector<256xf32>
      %argmax3A = tpu.reduce_index %scan3A_50 {axis = 1 : i32, kind = #tpu.reduction_kind<arg_max>} : vector<256x1024xf32> -> vector<256xi32>
      %jit3A_54 = arith.constant 32 : i32
      %div3A = vector.broadcast %jit3A_54 : i32 to vector<256xi32>
      %div3A_55 = arith.divsi %argmax3A, %div3A : vector<256xi32>
      %sign3A = arith.constant 0 : i32
      %sign3A_56 = vector.broadcast %sign3A : i32 to vector<256xi32>
      %sign3A_57 = arith.cmpi sgt, %argmax3A, %sign3A_56 : vector<256xi32>
      %sign3A_58 = arith.extui %sign3A_57 : vector<256xi1> to vector<256xi32>
      %sign3A_59 = arith.constant 0 : i32
      %sign3A_60 = vector.broadcast %sign3A_59 : i32 to vector<256xi32>
      %sign3A_61 = arith.cmpi slt, %argmax3A, %sign3A_60 : vector<256xi32>
      %sign3A_62 = arith.extui %sign3A_61 : vector<256xi1> to vector<256xi32>
      %sign3A_63 = arith.subi %sign3A_58, %sign3A_62 : vector<256xi32>
      %sign3A_64 = arith.constant 0 : i32
      %sign3A_65 = arith.cmpi sgt, %jit3A_54, %sign3A_64 : i32
      %sign3A_66 = arith.extui %sign3A_65 : i1 to i32
      %sign3A_67 = arith.constant 0 : i32
      %sign3A_68 = arith.cmpi slt, %jit3A_54, %sign3A_67 : i32
      %sign3A_69 = arith.extui %sign3A_68 : i1 to i32
      %sign3A_70 = arith.subi %sign3A_66, %sign3A_69 : i32
      %ne3A_71 = vector.broadcast %sign3A_70 : i32 to vector<256xi32>
      %ne3A_72 = arith.cmpi ne, %sign3A_63, %ne3A_71 : vector<256xi32>
      %rem3A_73 = vector.broadcast %jit3A_54 : i32 to vector<256xi32>
      %rem3A_74 = arith.remsi %argmax3A, %rem3A_73 : vector<256xi32>
      %ne3A_75 = arith.constant 0 : i32
      %ne3A_76 = vector.broadcast %ne3A_75 : i32 to vector<256xi32>
      %ne3A_77 = arith.cmpi ne, %rem3A_74, %ne3A_76 : vector<256xi32>
      %and3A_78 = arith.andi %ne3A_72, %ne3A_77 : vector<256xi1>
      %sub3A = arith.constant 1 : i32
      %sub3A_79 = vector.broadcast %sub3A : i32 to vector<256xi32>
      %sub3A_80 = arith.subi %div3A_55, %sub3A_79 : vector<256xi32>
      %select_n3A_81 = arith.select %and3A_78, %sub3A_80, %div3A_55 : vector<256xi1>, vector<256xi32>
      %broadcast_in_dim3A_82 = vector.shape_cast %select_n3A_81 : vector<256xi32> to vector<256x1xi32>
      %lt3A_83 = arith.constant 0 : i32
      %lt3A_84 = vector.broadcast %lt3A_83 : i32 to vector<256x1xi32>
      %lt3A_85 = arith.cmpi slt, %broadcast_in_dim3A_82, %lt3A_84 : vector<256x1xi32>
      %add3A_86 = arith.constant 32 : i32
      %add3A_87 = vector.broadcast %add3A_86 : i32 to vector<256x1xi32>
      %add3A_88 = arith.addi %broadcast_in_dim3A_82, %add3A_87 : vector<256x1xi32>
      %select_n3A_89 = arith.select %lt3A_85, %add3A_88, %broadcast_in_dim3A_82 : vector<256x1xi1>, vector<256x1xi32>
      %reshape3A_90 = vector.shape_cast %select_n3A_89 : vector<256x1xi32> to vector<256x1x1xi32>
      %gather3A_91 = vector.shape_cast %reshape3A_90 : vector<256x1x1xi32> to vector<256x1xi32>
      %gather3A_92 = tpu.dynamic_gather %get3A_1[%gather3A_91] in [1] : vector<256x32xi32>, vector<256x1xi32> -> vector<256x1xi32>
      %squeeze3A = vector.shape_cast %gather3A_92 : vector<256x1xi32> to vector<256xi32>
      %mul3A_93 = arith.constant 32 : i32
      %mul3A_94 = vector.broadcast %mul3A_93 : i32 to vector<256xi32>
      %mul3A_95 = arith.muli %squeeze3A, %mul3A_94 : vector<256xi32>
      %jit3A_96 = arith.constant 32 : i32
      %eq3A_97 = arith.constant 0 : i32
      %eq3A_98 = arith.cmpi eq, %jit3A_96, %eq3A_97 : i32
      %jit3A_99 = arith.constant 1 : i32
      %select_n3A_100 = arith.select %eq3A_98, %jit3A_99, %jit3A_96 : i32
      %rem3A_101 = vector.broadcast %select_n3A_100 : i32 to vector<256xi32>
      %rem3A_102 = arith.remsi %argmax3A, %rem3A_101 : vector<256xi32>
      %ne3A_103 = arith.constant 0 : i32
      %ne3A_104 = vector.broadcast %ne3A_103 : i32 to vector<256xi32>
      %ne3A_105 = arith.cmpi ne, %rem3A_102, %ne3A_104 : vector<256xi32>
      %lt3A_106 = arith.constant 0 : i32
      %lt3A_107 = vector.broadcast %lt3A_106 : i32 to vector<256xi32>
      %lt3A_108 = arith.cmpi slt, %rem3A_102, %lt3A_107 : vector<256xi32>
      %lt3A_109 = arith.constant 0 : i32
      %lt3A_110 = arith.cmpi slt, %select_n3A_100, %lt3A_109 : i32
      %ne3A_111 = vector.broadcast %lt3A_110 : i1 to vector<256xi1>
      %ne3A_112 = vector.broadcast %ne3A_111 : vector<256xi1> to vector<256xi1>
      %ne3A_113 = arith.xori %lt3A_108, %ne3A_112 : vector<256xi1>
      %and3A_114 = arith.andi %ne3A_113, %ne3A_105 : vector<256xi1>
      %add3A_115 = vector.broadcast %select_n3A_100 : i32 to vector<256xi32>
      %add3A_116 = arith.addi %rem3A_102, %add3A_115 : vector<256xi32>
      %select_n3A_117 = arith.select %and3A_114, %add3A_116, %rem3A_102 : vector<256xi1>, vector<256xi32>
      %add3A_118 = arith.addi %mul3A_95, %select_n3A_117 : vector<256xi32>
      %eq3A_119 = vector.broadcast %scan3A_49 : i32 to vector<256x32xi32>
      %eq3A_120 = arith.cmpi eq, %iota3A_34, %eq3A_119 : vector<256x32xi32>
      %broadcast_in_dim3A_121 = vector.shape_cast %reduce_max3A_53 : vector<256xf32> to vector<256x1xf32>
      %broadcast_in_dim3A_122 = vector.shape_cast %broadcast_in_dim3A_121 : vector<256x1xf32> to vector<256x1xf32>
      %broadcast_in_dim3A_123 = vector.broadcast %broadcast_in_dim3A_122 : vector<256x1xf32> to vector<256x32xf32>
      %select_n3A_124 = arith.select %eq3A_120, %broadcast_in_dim3A_123, %scan3A_51 : vector<256x32xi1>, vector<256x32xf32>
      %eq3A_125 = vector.broadcast %scan3A_49 : i32 to vector<256x32xi32>
      %eq3A_126 = arith.cmpi eq, %iota3A_34, %eq3A_125 : vector<256x32xi32>
      %broadcast_in_dim3A_127 = vector.shape_cast %add3A_118 : vector<256xi32> to vector<256x1xi32>
      %broadcast_in_dim3A_128 = vector.shape_cast %broadcast_in_dim3A_127 : vector<256x1xi32> to vector<256x1xi32>
      %broadcast_in_dim3A_129 = vector.broadcast %broadcast_in_dim3A_128 : vector<256x1xi32> to vector<256x32xi32>
      %select_n3A_130 = arith.select %eq3A_126, %broadcast_in_dim3A_129, %scan3A_52 : vector<256x32xi1>, vector<256x32xi32>
      %broadcast_in_dim3A_131 = vector.shape_cast %argmax3A : vector<256xi32> to vector<256x1xi32>
      %eq3A_132 = vector.broadcast %broadcast_in_dim3A_131 : vector<256x1xi32> to vector<256x1024xi32>
      %eq3A_133 = arith.cmpi eq, %iota3A_33, %eq3A_132 : vector<256x1024xi32>
      %jit3A_134 = arith.constant -1.000000e+30 : f32
      %broadcast_in_dim3A_135 = vector.broadcast %jit3A_134 : f32 to vector<256x1024xf32>
      %select_n3A_136 = arith.select %eq3A_133, %broadcast_in_dim3A_135, %scan3A_50 : vector<256x1024xi1>, vector<256x1024xf32>
      scf.yield %select_n3A_136, %select_n3A_124, %select_n3A_130 : vector<256x1024xf32>, vector<256x32xf32>, vector<256x32xi32>
    }
    %scan3A_43 = arith.constant 32 : i32
    %swap3A = arith.constant 0 : index
    %swap3A_44 = arith.constant 0 : index
    %swap3A_45 = vector.load %arg3[%swap3A, %swap3A_44] : memref<256x32xf32, #tpu.memory_space<vmem>>, vector<256x32xf32>
    tpu.vector_store %arg3[%swap3A, %swap3A_44], %scan3A_42#1 {strides = array<i32>} : memref<256x32xf32, #tpu.memory_space<vmem>>, vector<256x32xf32>,
    %swap3A_46 = arith.constant 0 : index
    %swap3A_47 = arith.constant 0 : index
    %swap3A_48 = vector.load %arg4[%swap3A_46, %swap3A_47] : memref<256x32xi32, #tpu.memory_space<vmem>>, vector<256x32xi32>
    tpu.vector_store %arg4[%swap3A_46, %swap3A_47], %scan3A_42#2 {strides = array<i32>} : memref<256x32xi32, #tpu.memory_space<vmem>>, vector<256x32xi32>,
    return
  }
  func.func @transform_0(%arg0: i32) -> (i32, i32, i32) {
    %c0_i32 = arith.constant 0 : i32
    %c0_i32_0 = arith.constant 0 : i32
    %c0_i32_1 = arith.constant 0 : i32
    return %arg0, %c0_i32, %c0_i32_0 : i32, i32, i32
  }
  func.func @transform_1(%arg0: i32) -> (i32, i32) {
    %c0_i32 = arith.constant 0 : i32
    %c0_i32_0 = arith.constant 0 : i32
    return %arg0, %c0_i32 : i32, i32
  }
  func.func @transform_2(%arg0: i32) -> (i32, i32) {
    %c0_i32 = arith.constant 0 : i32
    %c0_i32_0 = arith.constant 0 : i32
    return %arg0, %c0_i32 : i32, i32
  }
  func.func @transform_3(%arg0: i32) -> (i32, i32) {
    %c0_i32 = arith.constant 0 : i32
    %c0_i32_0 = arith.constant 0 : i32
    return %arg0, %c0_i32 : i32, i32
  }
}

module attributes {stable_mosaic.version = 14 : i64} {
  func.func @_fin_kernel(%arg0: i32, %arg1: memref<256x32xf32, #tpu.memory_space<vmem>>, %arg2: memref<256x32xf32, #tpu.memory_space<vmem>>, %arg3: memref<256x32x128xf32, #tpu.memory_space<vmem>>, %arg4: memref<256x32x128xf32, #tpu.memory_space<vmem>>, %arg5: memref<128x128xf32, #tpu.memory_space<vmem>>, %arg6: memref<1x128xf32, #tpu.memory_space<vmem>>, %arg7: memref<128x128xf32, #tpu.memory_space<vmem>>, %arg8: memref<1x128xf32, #tpu.memory_space<vmem>>, %arg9: memref<1x128xf32, #tpu.memory_space<vmem>>, %arg10: memref<1x128xf32, #tpu.memory_space<vmem>>, %arg11: memref<256x128xf32, #tpu.memory_space<vmem>>) attributes {dimension_semantics = [#tpu.dimension_semantics<arbitrary>], iteration_bounds = array<i64: 16>, scalar_prefetch = 0 : i64, scratch_operands = 0 : i64, tpu.core_type = #tpu.core_type<tc>, window_params = [{transform_indices = @transform_0, window_bounds = array<i64: 256, 32>}, {transform_indices = @transform_1, window_bounds = array<i64: 256, 32>}, {transform_indices = @transform_2, window_bounds = array<i64: 256, 32, 128>}, {transform_indices = @transform_3, window_bounds = array<i64: 256, 32, 128>}, {pipeline_mode = #tpu.pipeline_mode<synchronous>, transform_indices = @transform_4, window_bounds = array<i64: 128, 128>}, {pipeline_mode = #tpu.pipeline_mode<synchronous>, transform_indices = @transform_5, window_bounds = array<i64: 1, 128>}, {pipeline_mode = #tpu.pipeline_mode<synchronous>, transform_indices = @transform_6, window_bounds = array<i64: 128, 128>}, {pipeline_mode = #tpu.pipeline_mode<synchronous>, transform_indices = @transform_7, window_bounds = array<i64: 1, 128>}, {pipeline_mode = #tpu.pipeline_mode<synchronous>, transform_indices = @transform_8, window_bounds = array<i64: 1, 128>}, {pipeline_mode = #tpu.pipeline_mode<synchronous>, transform_indices = @transform_9, window_bounds = array<i64: 1, 128>}, {transform_indices = @transform_10, window_bounds = array<i64: 256, 128>}]} {
    %get3A = arith.constant 0 : index
    %get3A_0 = arith.constant 0 : index
    %get3A_1 = vector.load %arg1[%get3A, %get3A_0] : memref<256x32xf32, #tpu.memory_space<vmem>>, vector<256x32xf32>
    %get3A_2 = arith.constant 0 : index
    %get3A_3 = arith.constant 0 : index
    %get3A_4 = arith.constant 0 : index
    %get3A_5 = vector.load %arg3[%get3A_2, %get3A_3, %get3A_4] : memref<256x32x128xf32, #tpu.memory_space<vmem>>, vector<256x32x128xf32>
    %div3A = arith.constant 7.000000e-02 : f32
    %div3A_6 = vector.broadcast %div3A : f32 to vector<256x32xf32>
    %div3A_7 = arith.divf %get3A_1, %div3A_6 : vector<256x32xf32>
    %reduce_max3A = arith.constant dense<0xFF800000> : vector<256xf32>
    %reduce_max3A_8 = vector.multi_reduction <maximumf>, %div3A_7, %reduce_max3A [1] : vector<256x32xf32> to vector<256xf32>
    %broadcast_in_dim3A = vector.shape_cast %reduce_max3A_8 : vector<256xf32> to vector<256x1xf32>
    %sub3A = vector.broadcast %broadcast_in_dim3A : vector<256x1xf32> to vector<256x32xf32>
    %sub3A_9 = arith.subf %div3A_7, %sub3A : vector<256x32xf32>
    %exp3A = math.exp %sub3A_9 : vector<256x32xf32>
    %reduce_sum3A = arith.constant dense<0.000000e+00> : vector<256xf32>
    %reduce_sum3A_10 = vector.multi_reduction <add>, %exp3A, %reduce_sum3A [1] : vector<256x32xf32> to vector<256xf32>
    %broadcast_in_dim3A_11 = vector.shape_cast %reduce_sum3A_10 : vector<256xf32> to vector<256x1xf32>
    %div3A_12 = vector.broadcast %broadcast_in_dim3A_11 : vector<256x1xf32> to vector<256x32xf32>
    %div3A_13 = arith.divf %exp3A, %div3A_12 : vector<256x32xf32>
    %broadcast_in_dim3A_14 = vector.shape_cast %div3A_13 : vector<256x32xf32> to vector<256x32x1xf32>
    %mul3A = vector.broadcast %broadcast_in_dim3A_14 : vector<256x32x1xf32> to vector<256x32x128xf32>
    %mul3A_15 = arith.mulf %get3A_5, %mul3A : vector<256x32x128xf32>
    %reduce_sum3A_16 = arith.constant dense<0.000000e+00> : vector<256x128xf32>
    %reduce_sum3A_17 = vector.multi_reduction <add>, %mul3A_15, %reduce_sum3A_16 [1] : vector<256x32x128xf32> to vector<256x128xf32>
    %get3A_18 = arith.constant 0 : index
    %get3A_19 = arith.constant 0 : index
    %get3A_20 = vector.load %arg2[%get3A_18, %get3A_19] : memref<256x32xf32, #tpu.memory_space<vmem>>, vector<256x32xf32>
    %get3A_21 = arith.constant 0 : index
    %get3A_22 = arith.constant 0 : index
    %get3A_23 = arith.constant 0 : index
    %get3A_24 = vector.load %arg4[%get3A_21, %get3A_22, %get3A_23] : memref<256x32x128xf32, #tpu.memory_space<vmem>>, vector<256x32x128xf32>
    %div3A_25 = arith.constant 7.000000e-02 : f32
    %div3A_26 = vector.broadcast %div3A_25 : f32 to vector<256x32xf32>
    %div3A_27 = arith.divf %get3A_20, %div3A_26 : vector<256x32xf32>
    %reduce_max3A_28 = arith.constant dense<0xFF800000> : vector<256xf32>
    %reduce_max3A_29 = vector.multi_reduction <maximumf>, %div3A_27, %reduce_max3A_28 [1] : vector<256x32xf32> to vector<256xf32>
    %broadcast_in_dim3A_30 = vector.shape_cast %reduce_max3A_29 : vector<256xf32> to vector<256x1xf32>
    %sub3A_31 = vector.broadcast %broadcast_in_dim3A_30 : vector<256x1xf32> to vector<256x32xf32>
    %sub3A_32 = arith.subf %div3A_27, %sub3A_31 : vector<256x32xf32>
    %exp3A_33 = math.exp %sub3A_32 : vector<256x32xf32>
    %reduce_sum3A_34 = arith.constant dense<0.000000e+00> : vector<256xf32>
    %reduce_sum3A_35 = vector.multi_reduction <add>, %exp3A_33, %reduce_sum3A_34 [1] : vector<256x32xf32> to vector<256xf32>
    %broadcast_in_dim3A_36 = vector.shape_cast %reduce_sum3A_35 : vector<256xf32> to vector<256x1xf32>
    %div3A_37 = vector.broadcast %broadcast_in_dim3A_36 : vector<256x1xf32> to vector<256x32xf32>
    %div3A_38 = arith.divf %exp3A_33, %div3A_37 : vector<256x32xf32>
    %broadcast_in_dim3A_39 = vector.shape_cast %div3A_38 : vector<256x32xf32> to vector<256x32x1xf32>
    %mul3A_40 = vector.broadcast %broadcast_in_dim3A_39 : vector<256x32x1xf32> to vector<256x32x128xf32>
    %mul3A_41 = arith.mulf %get3A_24, %mul3A_40 : vector<256x32x128xf32>
    %reduce_sum3A_42 = arith.constant dense<0.000000e+00> : vector<256x128xf32>
    %reduce_sum3A_43 = vector.multi_reduction <add>, %mul3A_41, %reduce_sum3A_42 [1] : vector<256x32x128xf32> to vector<256x128xf32>
    %get3A_44 = arith.constant 0 : index
    %get3A_45 = arith.constant 0 : index
    %get3A_46 = vector.load %arg5[%get3A_44, %get3A_45] : memref<128x128xf32, #tpu.memory_space<vmem>>, vector<128x128xf32>
    %dot_general3A = arith.constant dense<0.000000e+00> : vector<256x128xf32>
    %dot_general3A_47 = tpu.matmul %reduce_sum3A_17, %get3A_46, %dot_general3A {dimension_numbers = #tpu.dot_dimension_numbers<[1], [1], [0], [0], [0, 0, 1, 0], [], []>, transpose_lhs_hint = false} : vector<256x128xf32>, vector<128x128xf32>, vector<256x128xf32> -> vector<256x128xf32>
    %get3A_48 = arith.constant 0 : index
    %get3A_49 = arith.constant 0 : index
    %get3A_50 = vector.load %arg6[%get3A_48, %get3A_49] : memref<1x128xf32, #tpu.memory_space<vmem>>, vector<1x128xf32>
    %get3A_51 = vector.shape_cast %get3A_50 : vector<1x128xf32> to vector<128xf32>
    %broadcast_in_dim3A_52 = vector.shape_cast %get3A_51 : vector<128xf32> to vector<1x128xf32>
    %add3A = vector.broadcast %broadcast_in_dim3A_52 : vector<1x128xf32> to vector<256x128xf32>
    %add3A_53 = arith.addf %dot_general3A_47, %add3A : vector<256x128xf32>
    %get3A_54 = arith.constant 0 : index
    %get3A_55 = arith.constant 0 : index
    %get3A_56 = vector.load %arg7[%get3A_54, %get3A_55] : memref<128x128xf32, #tpu.memory_space<vmem>>, vector<128x128xf32>
    %dot_general3A_57 = arith.constant dense<0.000000e+00> : vector<256x128xf32>
    %dot_general3A_58 = tpu.matmul %reduce_sum3A_43, %get3A_56, %dot_general3A_57 {dimension_numbers = #tpu.dot_dimension_numbers<[1], [1], [0], [0], [0, 0, 1, 0], [], []>, transpose_lhs_hint = false} : vector<256x128xf32>, vector<128x128xf32>, vector<256x128xf32> -> vector<256x128xf32>
    %add3A_59 = arith.addf %add3A_53, %dot_general3A_58 : vector<256x128xf32>
    %get3A_60 = arith.constant 0 : index
    %get3A_61 = arith.constant 0 : index
    %get3A_62 = vector.load %arg8[%get3A_60, %get3A_61] : memref<1x128xf32, #tpu.memory_space<vmem>>, vector<1x128xf32>
    %get3A_63 = vector.shape_cast %get3A_62 : vector<1x128xf32> to vector<128xf32>
    %broadcast_in_dim3A_64 = vector.shape_cast %get3A_63 : vector<128xf32> to vector<1x128xf32>
    %add3A_65 = vector.broadcast %broadcast_in_dim3A_64 : vector<1x128xf32> to vector<256x128xf32>
    %add3A_66 = arith.addf %add3A_59, %add3A_65 : vector<256x128xf32>
    %reduce_sum3A_67 = arith.constant dense<0.000000e+00> : vector<256xf32>
    %reduce_sum3A_68 = vector.multi_reduction <add>, %add3A_66, %reduce_sum3A_67 [1] : vector<256x128xf32> to vector<256xf32>
    %broadcast_in_dim3A_69 = vector.shape_cast %reduce_sum3A_68 : vector<256xf32> to vector<256x1xf32>
    %div3A_70 = arith.constant 1.280000e+02 : f32
    %div3A_71 = vector.broadcast %div3A_70 : f32 to vector<256x1xf32>
    %div3A_72 = arith.divf %broadcast_in_dim3A_69, %div3A_71 : vector<256x1xf32>
    %sub3A_73 = vector.broadcast %div3A_72 : vector<256x1xf32> to vector<256x128xf32>
    %sub3A_74 = arith.subf %add3A_66, %sub3A_73 : vector<256x128xf32>
    %sub3A_75 = vector.broadcast %div3A_72 : vector<256x1xf32> to vector<256x128xf32>
    %sub3A_76 = arith.subf %add3A_66, %sub3A_75 : vector<256x128xf32>
    %mul3A_77 = arith.mulf %sub3A_74, %sub3A_76 : vector<256x128xf32>
    %reduce_sum3A_78 = arith.constant dense<0.000000e+00> : vector<256xf32>
    %reduce_sum3A_79 = vector.multi_reduction <add>, %mul3A_77, %reduce_sum3A_78 [1] : vector<256x128xf32> to vector<256xf32>
    %broadcast_in_dim3A_80 = vector.shape_cast %reduce_sum3A_79 : vector<256xf32> to vector<256x1xf32>
    %div3A_81 = arith.constant 1.280000e+02 : f32
    %div3A_82 = vector.broadcast %div3A_81 : f32 to vector<256x1xf32>
    %div3A_83 = arith.divf %broadcast_in_dim3A_80, %div3A_82 : vector<256x1xf32>
    %sub3A_84 = vector.broadcast %div3A_72 : vector<256x1xf32> to vector<256x128xf32>
    %sub3A_85 = arith.subf %add3A_66, %sub3A_84 : vector<256x128xf32>
    %add3A_86 = arith.constant 9.99999974E-6 : f32
    %add3A_87 = vector.broadcast %add3A_86 : f32 to vector<256x1xf32>
    %add3A_88 = arith.addf %div3A_83, %add3A_87 : vector<256x1xf32>
    %sqrt3A = math.sqrt %add3A_88 : vector<256x1xf32>
    %div3A_89 = vector.broadcast %sqrt3A : vector<256x1xf32> to vector<256x128xf32>
    %div3A_90 = arith.divf %sub3A_85, %div3A_89 : vector<256x128xf32>
    %get3A_91 = arith.constant 0 : index
    %get3A_92 = arith.constant 0 : index
    %get3A_93 = vector.load %arg9[%get3A_91, %get3A_92] : memref<1x128xf32, #tpu.memory_space<vmem>>, vector<1x128xf32>
    %get3A_94 = vector.shape_cast %get3A_93 : vector<1x128xf32> to vector<128xf32>
    %broadcast_in_dim3A_95 = vector.shape_cast %get3A_94 : vector<128xf32> to vector<1x128xf32>
    %mul3A_96 = vector.broadcast %broadcast_in_dim3A_95 : vector<1x128xf32> to vector<256x128xf32>
    %mul3A_97 = arith.mulf %div3A_90, %mul3A_96 : vector<256x128xf32>
    %get3A_98 = arith.constant 0 : index
    %get3A_99 = arith.constant 0 : index
    %get3A_100 = vector.load %arg10[%get3A_98, %get3A_99] : memref<1x128xf32, #tpu.memory_space<vmem>>, vector<1x128xf32>
    %get3A_101 = vector.shape_cast %get3A_100 : vector<1x128xf32> to vector<128xf32>
    %broadcast_in_dim3A_102 = vector.shape_cast %get3A_101 : vector<128xf32> to vector<1x128xf32>
    %add3A_103 = vector.broadcast %broadcast_in_dim3A_102 : vector<1x128xf32> to vector<256x128xf32>
    %add3A_104 = arith.addf %mul3A_97, %add3A_103 : vector<256x128xf32>
    %swap3A = arith.constant 0 : index
    %swap3A_105 = arith.constant 0 : index
    %swap3A_106 = vector.load %arg11[%swap3A, %swap3A_105] : memref<256x128xf32, #tpu.memory_space<vmem>>, vector<256x128xf32>
    tpu.vector_store %arg11[%swap3A, %swap3A_105], %add3A_104 {strides = array<i32>} : memref<256x128xf32, #tpu.memory_space<vmem>>, vector<256x128xf32>,
    return
  }
  func.func @transform_0(%arg0: i32) -> (i32, i32) {
    %c0_i32 = arith.constant 0 : i32
    %c0_i32_0 = arith.constant 0 : i32
    return %arg0, %c0_i32 : i32, i32
  }
  func.func @transform_1(%arg0: i32) -> (i32, i32) {
    %c0_i32 = arith.constant 0 : i32
    %c0_i32_0 = arith.constant 0 : i32
    return %arg0, %c0_i32 : i32, i32
  }
  func.func @transform_2(%arg0: i32) -> (i32, i32, i32) {
    %c0_i32 = arith.constant 0 : i32
    %c0_i32_0 = arith.constant 0 : i32
    %c0_i32_1 = arith.constant 0 : i32
    return %arg0, %c0_i32, %c0_i32_0 : i32, i32, i32
  }
  func.func @transform_3(%arg0: i32) -> (i32, i32, i32) {
    %c0_i32 = arith.constant 0 : i32
    %c0_i32_0 = arith.constant 0 : i32
    %c0_i32_1 = arith.constant 0 : i32
    return %arg0, %c0_i32, %c0_i32_0 : i32, i32, i32
  }
  func.func @transform_4(%arg0: i32) -> (i32, i32) {
    %c0_i32 = arith.constant 0 : i32
    %c0_i32_0 = arith.constant 0 : i32
    %c0_i32_1 = arith.constant 0 : i32
    return %c0_i32, %c0_i32_0 : i32, i32
  }
  func.func @transform_5(%arg0: i32) -> (i32, i32) {
    %c0_i32 = arith.constant 0 : i32
    %c0_i32_0 = arith.constant 0 : i32
    %c0_i32_1 = arith.constant 0 : i32
    return %c0_i32, %c0_i32_0 : i32, i32
  }
  func.func @transform_6(%arg0: i32) -> (i32, i32) {
    %c0_i32 = arith.constant 0 : i32
    %c0_i32_0 = arith.constant 0 : i32
    %c0_i32_1 = arith.constant 0 : i32
    return %c0_i32, %c0_i32_0 : i32, i32
  }
  func.func @transform_7(%arg0: i32) -> (i32, i32) {
    %c0_i32 = arith.constant 0 : i32
    %c0_i32_0 = arith.constant 0 : i32
    %c0_i32_1 = arith.constant 0 : i32
    return %c0_i32, %c0_i32_0 : i32, i32
  }
  func.func @transform_8(%arg0: i32) -> (i32, i32) {
    %c0_i32 = arith.constant 0 : i32
    %c0_i32_0 = arith.constant 0 : i32
    %c0_i32_1 = arith.constant 0 : i32
    return %c0_i32, %c0_i32_0 : i32, i32
  }
  func.func @transform_9(%arg0: i32) -> (i32, i32) {
    %c0_i32 = arith.constant 0 : i32
    %c0_i32_0 = arith.constant 0 : i32
    %c0_i32_1 = arith.constant 0 : i32
    return %c0_i32, %c0_i32_0 : i32, i32
  }
  func.func @transform_10(%arg0: i32) -> (i32, i32) {
    %c0_i32 = arith.constant 0 : i32
    %c0_i32_0 = arith.constant 0 : i32
    return %arg0, %c0_i32 : i32, i32
  }
}

</mosaic_0001>

<sc_bundles>
// kernel: kernel.10.cloned.1.call-start
scs
__scs_entry_jumppad:
0x0: {  	(pc) =	sbr.rel $0x88, $3  }
0x1: {  	(tag) =	ssettag $0x0;
	lr =	simm.s32 $0x1  }
0x2: {  	[smem:$0x3F95] =	sst lr;
	_ =	strace $0xD0000000  }
0x3: {  	_ = 	snop  }
0x4: {  	_ = 	snop  }
0x5: {  	_ = 	snop  }
0x6: {  	_ = 	snop  }
0x7: {  	_ = 	snop  }
__scs_overlays_trampoline_lowered:
0x8: {  	[smem:$0x3FA4] =	sst s0  }
0x9: {  	[smem:$0x3FA5] =	sst s1  }
0xa: {  	[smem:$0x3FA6] =	sst s2  }
0xb: {  	[smem:$0x3FA7] =	sst s3  }
0xc: {  	[smem:$0x3FA8] =	sst s4  }
0xd: {  	[smem:$0x3FA9] =	sst s5  }
0xe: {  	[smem:$0x3FAA] =	sst s6  }
0xf: {  	[smem:$0x3FAB] =	sst s7  }
0x10: {  	[smem:$0x3FAC] =	sst s8  }
0x11: {  	[smem:$0x3FAD] =	sst s9;
	s0 =	simm.s32 @!p0 $0x0  }
0x12: {  	s1 =	sld [smem:$0x3F93];
	s0 =	simm.s32 @p0 $0x1  }
0x13: {  	[smem:$0x3FAE] =	sst s0;
	s0 =	simm.s32 @!p1 $0x0  }
0x14: {  	s2 =	sld [smem:$0x3F92];
	s0 =	simm.s32 @p1 $0x1  }
0x15: {  	[smem:$0x3FAF] =	sst s0;
	s0 =	simm.s32 @!p2 $0x0  }
0x16: {  	s3 =	sld [smem:$0x3FDB];
	s0 =	simm.s32 @p2 $0x1  }
0x17: {  	s4 =	simm.s32 $0x1BF5;
	[smem:$0x3FB1] =	sst s0  }
0x18: {  	s0 =	sld [smem:$0x3F94];
	_ =	swait.ge [sflag:s4], $0x0  }
0x19: {  	s7 =	sld [smem:$0x3F95]  }
0x1a: {  	s8 =	sadd.s32 $0xFFFFE003, lr  }
0x1b: {  	s9 =	sadd.s32 $0xFFFFFEF7, lr;
	s5 =	simm.s32 $0xFFFFFFFF;
	p2 =	slt.u32 s8, $0xFFFFF086  }
0x1c: {  	p1 =	slt.u32 s9, $0xF7A;
	s5 =	simm.s32 @!p2 $0x0  }
0x1d: {  	s5 =	simm.s32 @p1 $0x1;
	p0 =	seq.s32 s7, s2  }
0x1e: {  	s7 =	smul.u32 @!p0 $0xF7A, s2;
	p2 =	seq.s32 @!p0 s5, $0x0  }
0x1f: {  	s9 =	smul.u32 $0xF7A, s1;
	s8 =	simm.s32 @!p0 $0x1BF5;
	p2 =	por !p2, p0  }
0x20: {  	[sflag:s8] =	ssyncset.s32 @!p0 $0xFFFFF086;
	s6 =	sadd.s32 @!p0 s3, s7;
	s7 =	simm.s32 @!p0 $0x108  }
0x21: {  	s3 =	sadd.s32 s3, s9;
	s6 =	sadd.s32 @!p0 $0x88, s6;
	s7 =	simm.s32 @p2 $0x1082  }
0x22: {  	[simem:s7], [sflag:s8] =	dma.local @!p0 [hbm:s6], $0xF7A  }
0x23: {  	s9 =	sor.u32 $0xD0000000, s2;
	s6 =	simm.s32 $0x108;
	_ =	swait.ge @!p0 [sflag:s8], $0x0  }
0x24: {  	s3 =	sadd.s32 $0x88, s3;
	s6 =	simm.s32 @!p1 $0x1082;
	[sflag:s4] =	ssyncset.s32 $0xFFFFF086  }
0x25: {  	[simem:s6], [sflag:s4] =	dma.local [hbm:s3], $0xF7A  }
0x26: {  	[smem:$0x3F95] =	sst s1;
	(tag) =	ssettag s2;
	_ =	strace s9  }
0x27: {  	s1 =	sld [smem:$0x3FA5]  }
0x28: {  	s2 =	sld [smem:$0x3FA6]  }
0x29: {  	s4 =	sld [smem:$0x3FA8]  }
0x2a: {  	p0 =	seq.s32 s5, $0x0;
	s5 =	sld [smem:$0x3FA9]  }
0x2b: {  	s6 =	sld [smem:$0x3FAA]  }
0x2c: {  	s7 =	sld [smem:$0x3FAB]  }
0x2d: {  	s3 =	simm.s32 $0x108;
	s8 =	sld [smem:$0x3FAC]  }
0x2e: {  	s3 =	simm.s32 @!p0 $0x1082;
	s9 =	sld [smem:$0x3FAD]  }
0x2f: {  	lr =	sadd.s32 s0, s3;
	s0 =	sld [smem:$0x3FA4]  }
0x30: {  	s3 =	sld [smem:$0x3FA7]  }
0x31: {  	[smem:$0x3FB0] =	sst s10  }
0x32: {  	s10 =	sld [smem:$0x3FAE];
	_ =	sdelay $0x3  }
0x33: {  	p0 =	seq.s32 s10, $0x1;
	s10 =	sld [smem:$0x3FB0];
	_ =	sdelay $0x3  }
0x34: {  	[smem:$0x3FB0] =	sst s10  }
0x35: {  	s10 =	sld [smem:$0x3FAF];
	_ =	sdelay $0x3  }
0x36: {  	p1 =	seq.s32 s10, $0x1;
	s10 =	sld [smem:$0x3FB0];
	_ =	sdelay $0x3  }
0x37: {  	[smem:$0x3FB0] =	sst s10  }
0x38: {  	s10 =	sld [smem:$0x3FB1]  }
0x39: {  	_ = 	snop;
	(pc) =	sbr.ind lr, $3  }
0x3a: {  	_ = 	snop  }
0x3b: {  	_ = 	snop  }
0x3c: {  	p2 =	seq.s32 s10, $0x1;
	s10 =	sld [smem:$0x3FB0]  }
0x3d: {  	_ =	shalt  }
0x3e: {  	_ =	shalt  }
0x3f: {  	_ =	shalt  }
0x40: {  	_ =	shalt  }
0x41: {  	_ =	shalt  }
0x42: {  	_ =	shalt  }
0x43: {  	_ =	shalt  }
0x44: {  	_ =	shalt  }
0x45: {  	_ =	shalt  }
0x46: {  	_ =	shalt  }
0x47: {  	_ =	shalt  }
0x48: {  	_ =	shalt  }
0x49: {  	_ =	shalt  }
0x4a: {  	_ =	shalt  }
0x4b: {  	_ =	shalt  }
0x4c: {  	_ =	shalt  }
0x4d: {  	_ =	shalt  }
0x4e: {  	_ =	shalt  }
0x4f: {  	_ =	shalt  }
0x50: {  	_ =	shalt  }
0x51: {  	_ =	shalt  }
0x52: {  	_ =	shalt  }
0x53: {  	_ =	shalt  }
0x54: {  	_ =	shalt  }
0x55: {  	_ =	shalt  }
0x56: {  	_ =	shalt  }
0x57: {  	_ =	shalt  }
0x58: {  	_ =	shalt  }
0x59: {  	_ =	shalt  }
0x5a: {  	_ =	shalt  }
0x5b: {  	_ =	shalt  }
0x5c: {  	_ =	shalt  }
0x5d: {  	_ =	shalt  }
0x5e: {  	_ =	shalt  }
0x5f: {  	_ =	shalt  }
0x60: {  	_ =	shalt  }
0x61: {  	_ =	shalt  }
0x62: {  	_ =	shalt  }
0x63: {  	_ =	shalt  }
0x64: {  	_ =	shalt  }
0x65: {  	_ =	shalt  }
0x66: {  	_ =	shalt  }
0x67: {  	_ =	shalt  }
0x68: {  	_ =	shalt  }
0x69: {  	_ =	shalt  }
0x6a: {  	_ =	shalt  }
0x6b: {  	_ =	shalt  }
0x6c: {  	_ =	shalt  }
0x6d: {  	_ =	shalt  }
0x6e: {  	_ =	shalt  }
0x6f: {  	_ =	shalt  }
0x70: {  	_ =	shalt  }
0x71: {  	_ =	shalt  }
0x72: {  	_ =	shalt  }
0x73: {  	_ =	shalt  }
0x74: {  	_ =	shalt  }
0x75: {  	_ =	shalt  }
0x76: {  	_ =	shalt  }
0x77: {  	_ =	shalt  }
0x78: {  	_ =	shalt  }
0x79: {  	_ =	shalt  }
0x7a: {  	_ =	shalt  }
0x7b: {  	_ =	shalt  }
0x7c: {  	_ =	shalt  }
0x7d: {  	_ =	shalt  }
0x7e: {  	_ =	shalt  }
0x7f: {  	_ =	shalt  }
0x80: {  	_ =	shalt  }
0x81: {  	_ =	shalt  }
0x82: {  	_ =	shalt  }
0x83: {  	_ =	shalt  }
0x84: {  	_ =	shalt  }
0x85: {  	_ =	shalt  }
0x86: {  	_ =	shalt  }
0x87: {  	_ =	shalt  }
.Lfunc_end0:
.L_simem_size_0:
called_computation_lowered:
.L_overlay_start_0:
0x88: {  	s2 =	sld [smem:$0x3FD9]  }
0x89: {  	s3 =	sld [smem:$0x3FFE];
	_ =	sdelay $0x1  }
0x8a: {  	s1 =	srdreg.scid  }
0x8b: {  	s0 =	sand.u32 $0x1, s1  }
0x8c: {  	s17 =	sshll.u32 s0, $0xA;
	s2 =	sadd.s32 s3, s2  }
0x8d: {  	s2 =	sadd.s32 s2, s17  }
0x8e: {  	[smem:$0x3FBC] =	sst s2  }
0x8f: {  	_ = 	snop  }
0x90: {  	s2 =	sld [smem:$0x3FD0];
	(tm) =	ssettm $0x1  }
0x91: {  	s18 =	sld [smem:$0x3FFB];
	_ =	sdelay $0x3  }
0x92: {  	_ =	strace s18  }
0x93: {  	s3 =	sld [smem:$0x3FFC];
	_ =	sdelay $0x3  }
0x94: {  	_ =	strace s3  }
0x95: {  	s3 =	sld [smem:$0x3FFD];
	_ =	sdelay $0x3  }
0x96: {  	_ =	strace s3  }
0x97: {  	_ =	strace $0x8FFFFFFF  }
0x98: {  	s19 =	sld [smem:$0x3FDB];
	_ =	sdelay $0x1  }
0x99: {  	s4 =	simm.s32 $_scs_section_size  }
0x9a: {  	s5 =	simm.s32 $_size__tile_overlayer_lowered;
	s6 =	simm.s32 $_tile_overlayer_lowered  }
0x9b: {  	s22 =	simm.s32 $0x1BFF;
	s21 =	sshll.u32 s6, $0x1;
	s3 =	sadd.s32 s4, s19  }
0x9c: {  	s7 =	simm.s32 $0x0;
	s20 =	sshll.u32 s5, $0x1;
	s5 =	sadd.s32 s21, s3  }
0x9d: {  	[timem:s7], [sflag:s22] =	dma.local [hbm:s5], s20  }
0x9e: {  	_ =	swait.ge [sflag:s22], s20  }
0x9f: {  	s4 =	ssub.s32 $0x0, s20;
	[sflag:s22] =	ssyncset.done $0x0  }
0xa0: {  	[sflag:s22] =	ssyncadd.s32 s4;
	_ =	sdelay $0x1  }
0xa1: {  	s23 =	simm.s32 $0x1B8B  }
0xa2: {  	_ =	swait.ge [sflag:s23], $0x1  }
0xa3: {  	[sflag:s23] =	ssyncset.done $0x0  }
0xa4: {  	s25 =	simm.s32 $0x1B8E;
	s24 =	sld [smem:$0x3FFE];
	[sflag:s23] =	ssyncadd.s32 $0xFFFFFFFF  }
0xa5: {  	s26 =	simm.s32 $execute0_lowered;
	[smem:$0x3FD2] =	sst s25  }
0xa6: {  	s5 =	sshll.u32 s26, $0x1;
	_ =	strace $0x80000046;
	[dreg:$0x1] =	wrdreg $0xFFFFFFFF  }
0xa7: {  	s28 =	simm.s32 $_size_execute0_lowered;
	s3 =	sadd.s32 s3, s5;
	[dreg:$0x0] =	wrdreg $0x0  }
0xa8: {  	s5 =	sshll.u32 s28, $0x1;
	[dreg:$0x2] =	wrdreg s3  }
0xa9: {  	[dreg:$0x3] =	wrdreg s5  }
0xaa: {  	[dreg:$0x4] =	wrdreg $0xC0  }
0xab: {  	_ =	task [dreg:s7], $0x5FFFF  }
0xac: {  	[dreg:$0x1] =	wrdreg $0xFFFFFFFF  }
0xad: {  	[dreg:$0x0] =	wrdreg $0x60  }
0xae: {  	[dreg:$0x2] =	wrdreg s24  }
0xaf: {  	[dreg:$0x3] =	wrdreg s2  }
0xb0: {  	[dreg:$0x4] =	wrdreg $0x9  }
0xb1: {  	_ =	task.clear_ibuf [dreg:s7], $0x5FFFF;
	_ =	strace $0x90000046  }
0xb2: {  	s29 =	simm.s32 $0x9;
	_ =	strace $0x80000048  }
0xb3: {  	_ =	swait.ge [sflag:s29], $0x1  }
0xb4: {  	[sflag:s29] =	ssyncadd.s32 $0xFFFFFFFF  }
0xb5: {  	_ =	strace $0x90000048  }
0xb6: {  	_ =	sfence  }
0xb7: {  	s30 =	sld [smem:$0x0];
	_ =	sdelay $0x2  }
0xb8: {  	s31 =	sshll.u32 s1, $0xD;
	s1 =	sshrl.u32 s1, $0x2  }
0xb9: {  	s3 =	sand.u32 $0x4000, s31;
	s1 =	sadd.s32 s1, s30  }
0xba: {  	s0 =	sor.u32 s3, s0;
	s1 =	sshll.u32 s1, $0x11  }
0xbb: {  	s0 =	sor.u32 s1, s0  }
0xbc: {  	s0 =	sadd.s32 $0x8F2B, s0  }
0xbd: {  	[sflag:s0] =	ssyncadd.remote.s32 $0x1  }
0xbe: {  	_ =	sfence.sel $0xFFFF  }
0xbf: {  	[dreg:$0x0] =	wrdreg $0xFFFFFFFF;
	(pc) =	sbr.abs _section_cstart, $3  }
0xc0: {  	[dreg:$0x1] =	wrdreg $0xFFFFFFFF  }
0xc1: {  	_ =	task.clear_ibuf [dreg:s7], $0x2FFFF;
	_ =	strace $0x9FFFFFFF  }
0xc2: {  	(tm) =	ssettm $0x7FFFFFFF  }
0xc3: {  	_ =	shalt  }
tec
execute0_lowered:
.L_overlay_start_1:
0x0: {  	(tag) =	ssettag $0x1  }
0x1: {  	s4 =	rddreg [dreg:$0x0]  }
0x2: {  	s30 =	rddreg [dreg:$0x1];
	s0 =	srdreg.scid;
	s2 =	simm.s32 $0x0  }
0x3: {  	s1 =	stileid.u32;
	s3 =	sand.u32 $0x1, s0;
	[smem:$0x7FF] =	sst s2  }
0x4: {  	s5 =	sshll.u32 s1, $0xE;
	[dreg:$0xb] =	wrdreg s3;
	s6 =	sshll.u32 s3, $0xD  }
0x5: {  	s0 =	sadd.s32 $0x22C00, s4;
	s1 =	sor.u32 s6, s5;
	_ =	strace $0x80000047  }
0x6: {  	[dreg:$0xc] =	wrdreg s0;
	s7 =	sshrl.u32 s1, $0x3;
	s5 =	sshll.u32 s1, $0x4  }
0x7: {  	s9 =	sor.u32 $0x200, s1;
	s6 =	sor.u32 $0x400, s1;
	s3 =	sadd.s32 s30, s7  }
0x8: {  	s8 =	sadd.s32 s0, s5;
	s10 =	sshrl.u32 s9, $0x3;
	[dreg:$0x3] =	wrdreg s3  }
0x9: {  	s5 =	sshll.u32 s9, $0x4;
	[dreg:$0x4] =	wrdreg s8;
	s3 =	sadd.s32 s30, s10  }
0xa: {  	s12 =	sshrl.u32 s6, $0x3;
	s11 =	sadd.s32 s0, s5;
	[dreg:$0x5] =	wrdreg s3  }
0xb: {  	s14 =	sshll.u32 s6, $0x4;
	s13 =	sadd.s32 s30, s12;
	[dreg:$0x6] =	wrdreg s11  }
0xc: {  	s16 =	sor.u32 $0x600, s1;
	s15 =	sadd.s32 s0, s14;
	[dreg:$0x7] =	wrdreg s13  }
0xd: {  	s17 =	sshrl.u32 s16, $0x3;
	[dreg:$0x8] =	wrdreg s15  }
0xe: {  	s5 =	sshll.u32 s16, $0x4;
	s3 =	sadd.s32 s30, s17;
	s18 =	rddreg [dreg:$0x3]  }
0xf: {  	s19 =	sadd.s32 s0, s5;
	[dreg:$0x9] =	wrdreg s3  }
0x10: {  	[dreg:$0xa] =	wrdreg s19;
	s3 =	simm.s32 $0x2  }
0x11: {  	[tilespmem:s2], [sflag:$0x2] =	stream.linear.gather [hbm4b:s18+s2], $0x200, $0x38;
	[tilespmem:$0x10200] =	vst v63  }
0x12: {  	_ =	swait.ge [sflag:s3], $0x200  }
0x13: {  	s4 =	sadd.s32 $0x642C00, s4;
	[sflag:s3] =	ssyncset.done $0x0  }
0x14: {  	s6 =	simm.s32 $0x1;
	s5 =	simm.s32 $0x200;
	[sflag:s3] =	ssyncadd.s32 $0xFFFFFE00  }
0x15: {  	[tilespmem:s5], [sflag:$0x1] =	stream.indirect.gather [hbm4b:s4+s5], $0x80, s2, s5, $0xb8;
	[tilespmem:$0x10200] =	vst v63  }
0x16: {  	_ =	swait.ge [sflag:s6], $0x10000  }
0x17: {  	[sflag:s6] =	ssyncset.done $0x0  }
0x18: {  	s7 =	rddreg [dreg:$0x4];
	[sflag:s6] =	ssyncadd.s32 $0xFFFF0000  }
0x19: {  	[hbm4b:s7+s2] =	stream.linear.scatter [tilespmem:s5], [sflag:$0x2], $0x10000, $0x38;
	[tilespmem:$0x10200] =	vst v63  }
0x1a: {  	_ =	swait.ge [sflag:s3], $0x10000  }
0x1b: {  	[sflag:s3] =	ssyncset.done $0x0  }
0x1c: {  	s20 =	rddreg [dreg:$0x5];
	[sflag:s3] =	ssyncadd.s32 $0xFFFF0000  }
0x1d: {  	[tilespmem:s2], [sflag:$0x2] =	stream.linear.gather [hbm4b:s20+s2], $0x200, $0x38;
	[tilespmem:$0x10200] =	vst v63  }
0x1e: {  	_ =	swait.ge [sflag:s3], $0x200  }
0x1f: {  	[sflag:s3] =	ssyncset.done $0x0  }
0x20: {  	[sflag:s3] =	ssyncadd.s32 $0xFFFFFE00  }
0x21: {  	[tilespmem:s5], [sflag:$0x1] =	stream.indirect.gather [hbm4b:s4+s5], $0x80, s2, s5, $0xb8;
	[tilespmem:$0x10200] =	vst v63  }
0x22: {  	_ =	swait.ge [sflag:s6], $0x10000  }
0x23: {  	[sflag:s6] =	ssyncset.done $0x0  }
0x24: {  	s21 =	rddreg [dreg:$0x6];
	[sflag:s6] =	ssyncadd.s32 $0xFFFF0000  }
0x25: {  	[hbm4b:s21+s2] =	stream.linear.scatter [tilespmem:s5], [sflag:$0x2], $0x10000, $0x38;
	[tilespmem:$0x10200] =	vst v63  }
0x26: {  	_ =	swait.ge [sflag:s3], $0x10000  }
0x27: {  	[sflag:s3] =	ssyncset.done $0x0  }
0x28: {  	s22 =	rddreg [dreg:$0x7];
	[sflag:s3] =	ssyncadd.s32 $0xFFFF0000  }
0x29: {  	[tilespmem:s2], [sflag:$0x2] =	stream.linear.gather [hbm4b:s22+s2], $0x200, $0x38;
	[tilespmem:$0x10200] =	vst v63  }
0x2a: {  	_ =	swait.ge [sflag:s3], $0x200  }
0x2b: {  	[sflag:s3] =	ssyncset.done $0x0  }
0x2c: {  	[sflag:s3] =	ssyncadd.s32 $0xFFFFFE00  }
0x2d: {  	[tilespmem:s5], [sflag:$0x1] =	stream.indirect.gather [hbm4b:s4+s5], $0x80, s2, s5, $0xb8;
	[tilespmem:$0x10200] =	vst v63  }
0x2e: {  	_ =	swait.ge [sflag:s6], $0x10000  }
0x2f: {  	[sflag:s6] =	ssyncset.done $0x0  }
0x30: {  	s23 =	rddreg [dreg:$0x8];
	[sflag:s6] =	ssyncadd.s32 $0xFFFF0000  }
0x31: {  	[hbm4b:s23+s2] =	stream.linear.scatter [tilespmem:s5], [sflag:$0x2], $0x10000, $0x38;
	[tilespmem:$0x10200] =	vst v63  }
0x32: {  	_ =	swait.ge [sflag:s3], $0x10000  }
0x33: {  	[sflag:s3] =	ssyncset.done $0x0  }
0x34: {  	s24 =	rddreg [dreg:$0x9];
	[sflag:s3] =	ssyncadd.s32 $0xFFFF0000  }
0x35: {  	[tilespmem:s2], [sflag:$0x2] =	stream.linear.gather [hbm4b:s24+s2], $0x200, $0x38;
	[tilespmem:$0x10200] =	vst v63  }
0x36: {  	_ =	swait.ge [sflag:s3], $0x200  }
0x37: {  	[sflag:s3] =	ssyncset.done $0x0  }
0x38: {  	[sflag:s3] =	ssyncadd.s32 $0xFFFFFE00  }
0x39: {  	[tilespmem:s5], [sflag:$0x1] =	stream.indirect.gather [hbm4b:s4+s5], $0x80, s2, s5, $0xb8;
	[tilespmem:$0x10200] =	vst v63  }
0x3a: {  	_ =	swait.ge [sflag:s6], $0x10000  }
0x3b: {  	[sflag:s6] =	ssyncset.done $0x0  }
0x3c: {  	s25 =	rddreg [dreg:$0xa];
	[sflag:s6] =	ssyncadd.s32 $0xFFFF0000  }
0x3d: {  	[hbm4b:s25+s2] =	stream.linear.scatter [tilespmem:s5], [sflag:$0x2], $0x10000, $0x38;
	[tilespmem:$0x10200] =	vst v63  }
0x3e: {  	s8 =	sor.u32 $0x800, s1;
	_ =	swait.ge [sflag:s3], $0x10000  }
0x3f: {  	s26 =	sshrl.u32 s8, $0x3;
	[sflag:s3] =	ssyncset.done $0x0  }
0x40: {  	s7 =	sadd.s32 s30, s26;
	[sflag:s3] =	ssyncadd.s32 $0xFFFF0000  }
0x41: {  	[tilespmem:s2], [sflag:$0x2] =	stream.linear.gather [hbm4b:s7+s2], $0x200, $0x38;
	[tilespmem:$0x10200] =	vst v63  }
0x42: {  	_ =	swait.ge [sflag:s3], $0x200  }
0x43: {  	[sflag:s3] =	ssyncset.done $0x0  }
0x44: {  	[sflag:s3] =	ssyncadd.s32 $0xFFFFFE00  }
0x45: {  	[tilespmem:s5], [sflag:$0x1] =	stream.indirect.gather [hbm4b:s4+s5], $0x80, s2, s5, $0xb8;
	[tilespmem:$0x10200] =	vst v63  }
0x46: {  	_ =	swait.ge [sflag:s6], $0x10000  }
0x47: {  	s8 =	sshll.u32 s8, $0x4;
	[sflag:s6] =	ssyncset.done $0x0  }
0x48: {  	s8 =	sadd.s32 s0, s8;
	[sflag:s6] =	ssyncadd.s32 $0xFFFF0000  }
0x49: {  	[hbm4b:s8+s2] =	stream.linear.scatter [tilespmem:s5], [sflag:$0x2], $0x10000, $0x38;
	[tilespmem:$0x10200] =	vst v63  }
0x4a: {  	s10 =	sor.u32 $0xA00, s1;
	_ =	swait.ge [sflag:s3], $0x10000  }
0x4b: {  	s9 =	sshrl.u32 s10, $0x3;
	[sflag:s3] =	ssyncset.done $0x0  }
0x4c: {  	s9 =	sadd.s32 s30, s9;
	[sflag:s3] =	ssyncadd.s32 $0xFFFF0000  }
0x4d: {  	[tilespmem:s2], [sflag:$0x2] =	stream.linear.gather [hbm4b:s9+s2], $0x200, $0x38;
	[tilespmem:$0x10200] =	vst v63  }
0x4e: {  	_ =	swait.ge [sflag:s3], $0x200  }
0x4f: {  	[sflag:s3] =	ssyncset.done $0x0  }
0x50: {  	[sflag:s3] =	ssyncadd.s32 $0xFFFFFE00  }
0x51: {  	[tilespmem:s5], [sflag:$0x1] =	stream.indirect.gather [hbm4b:s4+s5], $0x80, s2, s5, $0xb8;
	[tilespmem:$0x10200] =	vst v63  }
0x52: {  	_ =	swait.ge [sflag:s6], $0x10000  }
0x53: {  	s10 =	sshll.u32 s10, $0x4;
	[sflag:s6] =	ssyncset.done $0x0  }
0x54: {  	s10 =	sadd.s32 s0, s10;
	[sflag:s6] =	ssyncadd.s32 $0xFFFF0000  }
0x55: {  	[hbm4b:s10+s2] =	stream.linear.scatter [tilespmem:s5], [sflag:$0x2], $0x10000, $0x38;
	[tilespmem:$0x10200] =	vst v63  }
0x56: {  	s12 =	sor.u32 $0xC00, s1;
	_ =	swait.ge [sflag:s3], $0x10000  }
0x57: {  	s11 =	sshrl.u32 s12, $0x3;
	[sflag:s3] =	ssyncset.done $0x0  }
0x58: {  	s11 =	sadd.s32 s30, s11;
	[sflag:s3] =	ssyncadd.s32 $0xFFFF0000  }
0x59: {  	[tilespmem:s2], [sflag:$0x2] =	stream.linear.gather [hbm4b:s11+s2], $0x200, $0x38;
	[tilespmem:$0x10200] =	vst v63  }
0x5a: {  	_ =	swait.ge [sflag:s3], $0x200  }
0x5b: {  	[sflag:s3] =	ssyncset.done $0x0  }
0x5c: {  	[sflag:s3] =	ssyncadd.s32 $0xFFFFFE00  }
0x5d: {  	[tilespmem:s5], [sflag:$0x1] =	stream.indirect.gather [hbm4b:s4+s5], $0x80, s2, s5, $0xb8;
	[tilespmem:$0x10200] =	vst v63  }
0x5e: {  	_ =	swait.ge [sflag:s6], $0x10000  }
0x5f: {  	s12 =	sshll.u32 s12, $0x4;
	[sflag:s6] =	ssyncset.done $0x0  }
0x60: {  	s12 =	sadd.s32 s0, s12;
	[sflag:s6] =	ssyncadd.s32 $0xFFFF0000  }
0x61: {  	[hbm4b:s12+s2] =	stream.linear.scatter [tilespmem:s5], [sflag:$0x2], $0x10000, $0x38;
	[tilespmem:$0x10200] =	vst v63  }
0x62: {  	s14 =	sor.u32 $0xE00, s1;
	_ =	swait.ge [sflag:s3], $0x10000  }
0x63: {  	s13 =	sshrl.u32 s14, $0x3;
	[sflag:s3] =	ssyncset.done $0x0  }
0x64: {  	s13 =	sadd.s32 s30, s13;
	[sflag:s3] =	ssyncadd.s32 $0xFFFF0000  }
0x65: {  	[tilespmem:s2], [sflag:$0x2] =	stream.linear.gather [hbm4b:s13+s2], $0x200, $0x38;
	[tilespmem:$0x10200] =	vst v63  }
0x66: {  	_ =	swait.ge [sflag:s3], $0x200  }
0x67: {  	[sflag:s3] =	ssyncset.done $0x0  }
0x68: {  	[sflag:s3] =	ssyncadd.s32 $0xFFFFFE00  }
0x69: {  	[tilespmem:s5], [sflag:$0x1] =	stream.indirect.gather [hbm4b:s4+s5], $0x80, s2, s5, $0xb8;
	[tilespmem:$0x10200] =	vst v63  }
0x6a: {  	_ =	swait.ge [sflag:s6], $0x10000  }
0x6b: {  	s14 =	sshll.u32 s14, $0x4;
	[sflag:s6] =	ssyncset.done $0x0  }
0x6c: {  	s14 =	sadd.s32 s0, s14;
	[sflag:s6] =	ssyncadd.s32 $0xFFFF0000  }
0x6d: {  	[hbm4b:s14+s2] =	stream.linear.scatter [tilespmem:s5], [sflag:$0x2], $0x10000, $0x38;
	[tilespmem:$0x10200] =	vst v63  }
0x6e: {  	s16 =	sor.u32 $0x1000, s1;
	_ =	swait.ge [sflag:s3], $0x10000  }
0x6f: {  	s15 =	sshrl.u32 s16, $0x3;
	[sflag:s3] =	ssyncset.done $0x0  }
0x70: {  	s15 =	sadd.s32 s30, s15;
	[sflag:s3] =	ssyncadd.s32 $0xFFFF0000  }
0x71: {  	[tilespmem:s2], [sflag:$0x2] =	stream.linear.gather [hbm4b:s15+s2], $0x200, $0x38;
	[tilespmem:$0x10200] =	vst v63  }
0x72: {  	_ =	swait.ge [sflag:s3], $0x200  }
0x73: {  	[sflag:s3] =	ssyncset.done $0x0  }
0x74: {  	[sflag:s3] =	ssyncadd.s32 $0xFFFFFE00  }
0x75: {  	[tilespmem:s5], [sflag:$0x1] =	stream.indirect.gather [hbm4b:s4+s5], $0x80, s2, s5, $0xb8;
	[tilespmem:$0x10200] =	vst v63  }
0x76: {  	_ =	swait.ge [sflag:s6], $0x10000  }
0x77: {  	s16 =	sshll.u32 s16, $0x4;
	[sflag:s6] =	ssyncset.done $0x0  }
0x78: {  	s16 =	sadd.s32 s0, s16;
	[sflag:s6] =	ssyncadd.s32 $0xFFFF0000  }
0x79: {  	[hbm4b:s16+s2] =	stream.linear.scatter [tilespmem:s5], [sflag:$0x2], $0x10000, $0x38;
	[tilespmem:$0x10200] =	vst v63  }
0x7a: {  	s18 =	sor.u32 $0x1200, s1;
	_ =	swait.ge [sflag:s3], $0x10000  }
0x7b: {  	s17 =	sshrl.u32 s18, $0x3;
	[sflag:s3] =	ssyncset.done $0x0  }
0x7c: {  	s17 =	sadd.s32 s30, s17;
	[sflag:s3] =	ssyncadd.s32 $0xFFFF0000  }
0x7d: {  	[tilespmem:s2], [sflag:$0x2] =	stream.linear.gather [hbm4b:s17+s2], $0x200, $0x38;
	[tilespmem:$0x10200] =	vst v63  }
0x7e: {  	_ =	swait.ge [sflag:s3], $0x200  }
0x7f: {  	[sflag:s3] =	ssyncset.done $0x0  }
0x80: {  	[sflag:s3] =	ssyncadd.s32 $0xFFFFFE00  }
0x81: {  	[tilespmem:s5], [sflag:$0x1] =	stream.indirect.gather [hbm4b:s4+s5], $0x80, s2, s5, $0xb8;
	[tilespmem:$0x10200] =	vst v63  }
0x82: {  	_ =	swait.ge [sflag:s6], $0x10000  }
0x83: {  	s18 =	sshll.u32 s18, $0x4;
	[sflag:s6] =	ssyncset.done $0x0  }
0x84: {  	s18 =	sadd.s32 s0, s18;
	[sflag:s6] =	ssyncadd.s32 $0xFFFF0000  }
0x85: {  	[hbm4b:s18+s2] =	stream.linear.scatter [tilespmem:s5], [sflag:$0x2], $0x10000, $0x38;
	[tilespmem:$0x10200] =	vst v63  }
0x86: {  	s20 =	sor.u32 $0x1400, s1;
	_ =	swait.ge [sflag:s3], $0x10000  }
0x87: {  	s19 =	sshrl.u32 s20, $0x3;
	[sflag:s3] =	ssyncset.done $0x0  }
0x88: {  	s19 =	sadd.s32 s30, s19;
	[sflag:s3] =	ssyncadd.s32 $0xFFFF0000  }
0x89: {  	[tilespmem:s2], [sflag:$0x2] =	stream.linear.gather [hbm4b:s19+s2], $0x200, $0x38;
	[tilespmem:$0x10200] =	vst v63  }
0x8a: {  	_ =	swait.ge [sflag:s3], $0x200  }
0x8b: {  	[sflag:s3] =	ssyncset.done $0x0  }
0x8c: {  	[sflag:s3] =	ssyncadd.s32 $0xFFFFFE00  }
0x8d: {  	[tilespmem:s5], [sflag:$0x1] =	stream.indirect.gather [hbm4b:s4+s5], $0x80, s2, s5, $0xb8;
	[tilespmem:$0x10200] =	vst v63  }
0x8e: {  	_ =	swait.ge [sflag:s6], $0x10000  }
0x8f: {  	s20 =	sshll.u32 s20, $0x4;
	[sflag:s6] =	ssyncset.done $0x0  }
0x90: {  	s20 =	sadd.s32 s0, s20;
	[sflag:s6] =	ssyncadd.s32 $0xFFFF0000  }
0x91: {  	[hbm4b:s20+s2] =	stream.linear.scatter [tilespmem:s5], [sflag:$0x2], $0x10000, $0x38;
	[tilespmem:$0x10200] =	vst v63  }
0x92: {  	s22 =	sor.u32 $0x1600, s1;
	_ =	swait.ge [sflag:s3], $0x10000  }
0x93: {  	s21 =	sshrl.u32 s22, $0x3;
	[sflag:s3] =	ssyncset.done $0x0  }
0x94: {  	s21 =	sadd.s32 s30, s21;
	[sflag:s3] =	ssyncadd.s32 $0xFFFF0000  }
0x95: {  	[tilespmem:s2], [sflag:$0x2] =	stream.linear.gather [hbm4b:s21+s2], $0x200, $0x38;
	[tilespmem:$0x10200] =	vst v63  }
0x96: {  	_ =	swait.ge [sflag:s3], $0x200  }
0x97: {  	[sflag:s3] =	ssyncset.done $0x0  }
0x98: {  	[sflag:s3] =	ssyncadd.s32 $0xFFFFFE00  }
0x99: {  	[tilespmem:s5], [sflag:$0x1] =	stream.indirect.gather [hbm4b:s4+s5], $0x80, s2, s5, $0xb8;
	[tilespmem:$0x10200] =	vst v63  }
0x9a: {  	_ =	swait.ge [sflag:s6], $0x10000  }
0x9b: {  	s22 =	sshll.u32 s22, $0x4;
	[sflag:s6] =	ssyncset.done $0x0  }
0x9c: {  	s22 =	sadd.s32 s0, s22;
	[sflag:s6] =	ssyncadd.s32 $0xFFFF0000  }
0x9d: {  	[hbm4b:s22+s2] =	stream.linear.scatter [tilespmem:s5], [sflag:$0x2], $0x10000, $0x38;
	[tilespmem:$0x10200] =	vst v63  }
0x9e: {  	s24 =	sor.u32 $0x1800, s1;
	_ =	swait.ge [sflag:s3], $0x10000  }
0x9f: {  	s23 =	sshrl.u32 s24, $0x3;
	[sflag:s3] =	ssyncset.done $0x0  }
0xa0: {  	s23 =	sadd.s32 s30, s23;
	[sflag:s3] =	ssyncadd.s32 $0xFFFF0000  }
0xa1: {  	[tilespmem:s2], [sflag:$0x2] =	stream.linear.gather [hbm4b:s23+s2], $0x200, $0x38;
	[tilespmem:$0x10200] =	vst v63  }
0xa2: {  	_ =	swait.ge [sflag:s3], $0x200  }
0xa3: {  	[sflag:s3] =	ssyncset.done $0x0  }
0xa4: {  	[sflag:s3] =	ssyncadd.s32 $0xFFFFFE00  }
0xa5: {  	[tilespmem:s5], [sflag:$0x1] =	stream.indirect.gather [hbm4b:s4+s5], $0x80, s2, s5, $0xb8;
	[tilespmem:$0x10200] =	vst v63  }
0xa6: {  	_ =	swait.ge [sflag:s6], $0x10000  }
0xa7: {  	s24 =	sshll.u32 s24, $0x4;
	[sflag:s6] =	ssyncset.done $0x0  }
0xa8: {  	s24 =	sadd.s32 s0, s24;
	[sflag:s6] =	ssyncadd.s32 $0xFFFF0000  }
0xa9: {  	[hbm4b:s24+s2] =	stream.linear.scatter [tilespmem:s5], [sflag:$0x2], $0x10000, $0x38;
	[tilespmem:$0x10200] =	vst v63  }
0xaa: {  	s26 =	sor.u32 $0x1A00, s1;
	_ =	swait.ge [sflag:s3], $0x10000  }
0xab: {  	s25 =	sshrl.u32 s26, $0x3;
	[sflag:s3] =	ssyncset.done $0x0  }
0xac: {  	s25 =	sadd.s32 s30, s25;
	[sflag:s3] =	ssyncadd.s32 $0xFFFF0000  }
0xad: {  	[tilespmem:s2], [sflag:$0x2] =	stream.linear.gather [hbm4b:s25+s2], $0x200, $0x38;
	[tilespmem:$0x10200] =	vst v63  }
0xae: {  	_ =	swait.ge [sflag:s3], $0x200  }
0xaf: {  	[sflag:s3] =	ssyncset.done $0x0  }
0xb0: {  	[sflag:s3] =	ssyncadd.s32 $0xFFFFFE00  }
0xb1: {  	[tilespmem:s5], [sflag:$0x1] =	stream.indirect.gather [hbm4b:s4+s5], $0x80, s2, s5, $0xb8;
	[tilespmem:$0x10200] =	vst v63  }
0xb2: {  	_ =	swait.ge [sflag:s6], $0x10000  }
0xb3: {  	s26 =	sshll.u32 s26, $0x4;
	[sflag:s6] =	ssyncset.done $0x0  }
0xb4: {  	s26 =	sadd.s32 s0, s26;
	[sflag:s6] =	ssyncadd.s32 $0xFFFF0000  }
0xb5: {  	[hbm4b:s26+s2] =	stream.linear.scatter [tilespmem:s5], [sflag:$0x2], $0x10000, $0x38;
	[tilespmem:$0x10200] =	vst v63  }
0xb6: {  	s29 =	sor.u32 $0x1C00, s1;
	_ =	swait.ge [sflag:s3], $0x10000  }
0xb7: {  	s28 =	sshrl.u32 s29, $0x3;
	[sflag:s3] =	ssyncset.done $0x0  }
0xb8: {  	s28 =	sadd.s32 s30, s28;
	[sflag:s3] =	ssyncadd.s32 $0xFFFF0000  }
0xb9: {  	[tilespmem:s2], [sflag:$0x2] =	stream.linear.gather [hbm4b:s28+s2], $0x200, $0x38;
	[tilespmem:$0x10200] =	vst v63  }
0xba: {  	_ =	swait.ge [sflag:s3], $0x200  }
0xbb: {  	[sflag:s3] =	ssyncset.done $0x0  }
0xbc: {  	[sflag:s3] =	ssyncadd.s32 $0xFFFFFE00  }
0xbd: {  	[tilespmem:s5], [sflag:$0x1] =	stream.indirect.gather [hbm4b:s4+s5], $0x80, s2, s5, $0xb8;
	[tilespmem:$0x10200] =	vst v63  }
0xbe: {  	_ =	swait.ge [sflag:s6], $0x10000  }
0xbf: {  	s29 =	sshll.u32 s29, $0x4;
	[sflag:s6] =	ssyncset.done $0x0  }
0xc0: {  	s29 =	sadd.s32 s0, s29;
	[sflag:s6] =	ssyncadd.s32 $0xFFFF0000  }
0xc1: {  	[hbm4b:s29+s2] =	stream.linear.scatter [tilespmem:s5], [sflag:$0x2], $0x10000, $0x38;
	[tilespmem:$0x10200] =	vst v63  }
0xc2: {  	s1 =	sor.u32 $0x1E00, s1;
	_ =	swait.ge [sflag:s3], $0x10000  }
0xc3: {  	s31 =	sshrl.u32 s1, $0x3;
	[sflag:s3] =	ssyncset.done $0x0  }
0xc4: {  	s30 =	sadd.s32 s30, s31;
	[sflag:s3] =	ssyncadd.s32 $0xFFFF0000  }
0xc5: {  	[tilespmem:s2], [sflag:$0x2] =	stream.linear.gather [hbm4b:s30+s2], $0x200, $0x38;
	[tilespmem:$0x10200] =	vst v63  }
0xc6: {  	_ =	swait.ge [sflag:s3], $0x200  }
0xc7: {  	[sflag:s3] =	ssyncset.done $0x0;
	s0 =	rddreg [dreg:$0xb]  }
0xc8: {  	s31 =	ssub.s32 $0x2, s0;
	[sflag:s3] =	ssyncadd.s32 $0xFFFFFE00  }
0xc9: {  	[tilespmem:s5], [sflag:$0x1] =	stream.indirect.gather [hbm4b:s4+s5], $0x80, s2, s5, $0xb8;
	[tilespmem:$0x10200] =	vst v63  }
0xca: {  	s0 =	sshrl.u32 s31, $0x1  }
0xcb: {  	s0 =	ssub.s32 s31, s0  }
0xcc: {  	s0 =	smax.u32 s0, $0x1  }
0xcd: {  	p0 =	sne.s32 s0, $0x1  }
.Ltmp0:
0xce: {  	_ =	swait.ge [sflag:s6], $0x10000;
	(pc) =	sbr.rel @!p0 .LBB2_2-.Ltmp0, $4  }
0xcf: {  	s1 =	sshll.u32 s1, $0x4;
	[sflag:s6] =	ssyncset.done $0x0;
	s31 =	rddreg [dreg:$0xc]  }
0xd0: {  	s31 =	sadd.s32 s31, s1;
	[sflag:s6] =	ssyncadd.s32 $0xFFFF0000  }
0xd1: {  	[hbm4b:s31+s2] =	stream.linear.scatter [tilespmem:s5], [sflag:$0x2], $0x10000, $0x38;
	[tilespmem:$0x10200] =	vst v63  }
0xd2: {  	s0 =	sadd.s32 $0xFFFFFFFF, s0;
	_ =	swait.ge [sflag:s3], $0x10000  }
.LBB2_1:
0xd3: {  	[sflag:s3] =	ssyncset.done $0x0  }
0xd4: {  	s1 =	rddreg [dreg:$0x3];
	[sflag:s3] =	ssyncadd.s32 $0xFFFF0000  }
0xd5: {  	[tilespmem:s2], [sflag:$0x2] =	stream.linear.gather [hbm4b:s1+s2], $0x200, $0x38;
	[tilespmem:$0x10200] =	vst v63  }
0xd6: {  	_ =	swait.ge [sflag:s3], $0x200  }
0xd7: {  	[sflag:s3] =	ssyncset.done $0x0  }
0xd8: {  	[sflag:s3] =	ssyncadd.s32 $0xFFFFFE00  }
0xd9: {  	[tilespmem:s5], [sflag:$0x1] =	stream.indirect.gather [hbm4b:s4+s5], $0x80, s2, s5, $0xb8;
	[tilespmem:$0x10200] =	vst v63  }
0xda: {  	_ =	swait.ge [sflag:s6], $0x10000  }
0xdb: {  	[sflag:s6] =	ssyncset.done $0x0  }
0xdc: {  	s1 =	rddreg [dreg:$0x4];
	[sflag:s6] =	ssyncadd.s32 $0xFFFF0000  }
0xdd: {  	[hbm4b:s1+s2] =	stream.linear.scatter [tilespmem:s5], [sflag:$0x2], $0x10000, $0x38;
	[tilespmem:$0x10200] =	vst v63  }
0xde: {  	_ =	swait.ge [sflag:s3], $0x10000  }
0xdf: {  	[sflag:s3] =	ssyncset.done $0x0  }
0xe0: {  	s1 =	rddreg [dreg:$0x5];
	[sflag:s3] =	ssyncadd.s32 $0xFFFF0000  }
0xe1: {  	[tilespmem:s2], [sflag:$0x2] =	stream.linear.gather [hbm4b:s1+s2], $0x200, $0x38;
	[tilespmem:$0x10200] =	vst v63  }
0xe2: {  	_ =	swait.ge [sflag:s3], $0x200  }
0xe3: {  	[sflag:s3] =	ssyncset.done $0x0  }
0xe4: {  	[sflag:s3] =	ssyncadd.s32 $0xFFFFFE00  }
0xe5: {  	[tilespmem:s5], [sflag:$0x1] =	stream.indirect.gather [hbm4b:s4+s5], $0x80, s2, s5, $0xb8;
	[tilespmem:$0x10200] =	vst v63  }
0xe6: {  	_ =	swait.ge [sflag:s6], $0x10000  }
0xe7: {  	[sflag:s6] =	ssyncset.done $0x0  }
0xe8: {  	s1 =	rddreg [dreg:$0x6];
	[sflag:s6] =	ssyncadd.s32 $0xFFFF0000  }
0xe9: {  	[hbm4b:s1+s2] =	stream.linear.scatter [tilespmem:s5], [sflag:$0x2], $0x10000, $0x38;
	[tilespmem:$0x10200] =	vst v63  }
0xea: {  	_ =	swait.ge [sflag:s3], $0x10000  }
0xeb: {  	[sflag:s3] =	ssyncset.done $0x0  }
0xec: {  	s1 =	rddreg [dreg:$0x7];
	[sflag:s3] =	ssyncadd.s32 $0xFFFF0000  }
0xed: {  	[tilespmem:s2], [sflag:$0x2] =	stream.linear.gather [hbm4b:s1+s2], $0x200, $0x38;
	[tilespmem:$0x10200] =	vst v63  }
0xee: {  	_ =	swait.ge [sflag:s3], $0x200  }
0xef: {  	[sflag:s3] =	ssyncset.done $0x0  }
0xf0: {  	[sflag:s3] =	ssyncadd.s32 $0xFFFFFE00  }
0xf1: {  	[tilespmem:s5], [sflag:$0x1] =	stream.indirect.gather [hbm4b:s4+s5], $0x80, s2, s5, $0xb8;
	[tilespmem:$0x10200] =	vst v63  }
0xf2: {  	_ =	swait.ge [sflag:s6], $0x10000  }
0xf3: {  	[sflag:s6] =	ssyncset.done $0x0  }
0xf4: {  	s1 =	rddreg [dreg:$0x8];
	[sflag:s6] =	ssyncadd.s32 $0xFFFF0000  }
0xf5: {  	[hbm4b:s1+s2] =	stream.linear.scatter [tilespmem:s5], [sflag:$0x2], $0x10000, $0x38;
	[tilespmem:$0x10200] =	vst v63  }
0xf6: {  	_ =	swait.ge [sflag:s3], $0x10000  }
0xf7: {  	[sflag:s3] =	ssyncset.done $0x0  }
0xf8: {  	s1 =	rddreg [dreg:$0x9];
	[sflag:s3] =	ssyncadd.s32 $0xFFFF0000  }
0xf9: {  	[tilespmem:s2], [sflag:$0x2] =	stream.linear.gather [hbm4b:s1+s2], $0x200, $0x38;
	[tilespmem:$0x10200] =	vst v63  }
0xfa: {  	_ =	swait.ge [sflag:s3], $0x200  }
0xfb: {  	[sflag:s3] =	ssyncset.done $0x0  }
0xfc: {  	[sflag:s3] =	ssyncadd.s32 $0xFFFFFE00  }
0xfd: {  	[tilespmem:s5], [sflag:$0x1] =	stream.indirect.gather [hbm4b:s4+s5], $0x80, s2, s5, $0xb8;
	[tilespmem:$0x10200] =	vst v63  }
0xfe: {  	_ =	swait.ge [sflag:s6], $0x10000  }
0xff: {  	[sflag:s6] =	ssyncset.done $0x0  }
0x100: {  	s1 =	rddreg [dreg:$0xa];
	[sflag:s6] =	ssyncadd.s32 $0xFFFF0000  }
0x101: {  	[hbm4b:s1+s2] =	stream.linear.scatter [tilespmem:s5], [sflag:$0x2], $0x10000, $0x38;
	[tilespmem:$0x10200] =	vst v63  }
0x102: {  	_ =	swait.ge [sflag:s3], $0x10000  }
0x103: {  	[sflag:s3] =	ssyncset.done $0x0  }
0x104: {  	[sflag:s3] =	ssyncadd.s32 $0xFFFF0000  }
0x105: {  	[tilespmem:s2], [sflag:$0x2] =	stream.linear.gather [hbm4b:s7+s2], $0x200, $0x38;
	[tilespmem:$0x10200] =	vst v63  }
0x106: {  	_ =	swait.ge [sflag:s3], $0x200  }
0x107: {  	[sflag:s3] =	ssyncset.done $0x0  }
0x108: {  	[sflag:s3] =	ssyncadd.s32 $0xFFFFFE00  }
0x109: {  	[tilespmem:s5], [sflag:$0x1] =	stream.indirect.gather [hbm4b:s4+s5], $0x80, s2, s5, $0xb8;
	[tilespmem:$0x10200] =	vst v63  }
0x10a: {  	_ =	swait.ge [sflag:s6], $0x10000  }
0x10b: {  	[sflag:s6] =	ssyncset.done $0x0  }
0x10c: {  	[sflag:s6] =	ssyncadd.s32 $0xFFFF0000  }
0x10d: {  	[hbm4b:s8+s2] =	stream.linear.scatter [tilespmem:s5], [sflag:$0x2], $0x10000, $0x38;
	[tilespmem:$0x10200] =	vst v63  }
0x10e: {  	_ =	swait.ge [sflag:s3], $0x10000  }
0x10f: {  	[sflag:s3] =	ssyncset.done $0x0  }
0x110: {  	[sflag:s3] =	ssyncadd.s32 $0xFFFF0000  }
0x111: {  	[tilespmem:s2], [sflag:$0x2] =	stream.linear.gather [hbm4b:s9+s2], $0x200, $0x38;
	[tilespmem:$0x10200] =	vst v63  }
0x112: {  	_ =	swait.ge [sflag:s3], $0x200  }
0x113: {  	[sflag:s3] =	ssyncset.done $0x0  }
0x114: {  	[sflag:s3] =	ssyncadd.s32 $0xFFFFFE00  }
0x115: {  	[tilespmem:s5], [sflag:$0x1] =	stream.indirect.gather [hbm4b:s4+s5], $0x80, s2, s5, $0xb8;
	[tilespmem:$0x10200] =	vst v63  }
0x116: {  	_ =	swait.ge [sflag:s6], $0x10000  }
0x117: {  	[sflag:s6] =	ssyncset.done $0x0  }
0x118: {  	[sflag:s6] =	ssyncadd.s32 $0xFFFF0000  }
0x119: {  	[hbm4b:s10+s2] =	stream.linear.scatter [tilespmem:s5], [sflag:$0x2], $0x10000, $0x38;
	[tilespmem:$0x10200] =	vst v63  }
0x11a: {  	_ =	swait.ge [sflag:s3], $0x10000  }
0x11b: {  	[sflag:s3] =	ssyncset.done $0x0  }
0x11c: {  	[sflag:s3] =	ssyncadd.s32 $0xFFFF0000  }
0x11d: {  	[tilespmem:s2], [sflag:$0x2] =	stream.linear.gather [hbm4b:s11+s2], $0x200, $0x38;
	[tilespmem:$0x10200] =	vst v63  }
0x11e: {  	_ =	swait.ge [sflag:s3], $0x200  }
0x11f: {  	[sflag:s3] =	ssyncset.done $0x0  }
0x120: {  	[sflag:s3] =	ssyncadd.s32 $0xFFFFFE00  }
0x121: {  	[tilespmem:s5], [sflag:$0x1] =	stream.indirect.gather [hbm4b:s4+s5], $0x80, s2, s5, $0xb8;
	[tilespmem:$0x10200] =	vst v63  }
0x122: {  	_ =	swait.ge [sflag:s6], $0x10000  }
0x123: {  	[sflag:s6] =	ssyncset.done $0x0  }
0x124: {  	[sflag:s6] =	ssyncadd.s32 $0xFFFF0000  }
0x125: {  	[hbm4b:s12+s2] =	stream.linear.scatter [tilespmem:s5], [sflag:$0x2], $0x10000, $0x38;
	[tilespmem:$0x10200] =	vst v63  }
0x126: {  	_ =	swait.ge [sflag:s3], $0x10000  }
0x127: {  	[sflag:s3] =	ssyncset.done $0x0  }
0x128: {  	[sflag:s3] =	ssyncadd.s32 $0xFFFF0000  }
0x129: {  	[tilespmem:s2], [sflag:$0x2] =	stream.linear.gather [hbm4b:s13+s2], $0x200, $0x38;
	[tilespmem:$0x10200] =	vst v63  }
0x12a: {  	_ =	swait.ge [sflag:s3], $0x200  }
0x12b: {  	[sflag:s3] =	ssyncset.done $0x0  }
0x12c: {  	[sflag:s3] =	ssyncadd.s32 $0xFFFFFE00  }
0x12d: {  	[tilespmem:s5], [sflag:$0x1] =	stream.indirect.gather [hbm4b:s4+s5], $0x80, s2, s5, $0xb8;
	[tilespmem:$0x10200] =	vst v63  }
0x12e: {  	_ =	swait.ge [sflag:s6], $0x10000  }
0x12f: {  	[sflag:s6] =	ssyncset.done $0x0  }
0x130: {  	[sflag:s6] =	ssyncadd.s32 $0xFFFF0000  }
0x131: {  	[hbm4b:s14+s2] =	stream.linear.scatter [tilespmem:s5], [sflag:$0x2], $0x10000, $0x38;
	[tilespmem:$0x10200] =	vst v63  }
0x132: {  	_ =	swait.ge [sflag:s3], $0x10000  }
0x133: {  	[sflag:s3] =	ssyncset.done $0x0  }
0x134: {  	[sflag:s3] =	ssyncadd.s32 $0xFFFF0000  }
0x135: {  	[tilespmem:s2], [sflag:$0x2] =	stream.linear.gather [hbm4b:s15+s2], $0x200, $0x38;
	[tilespmem:$0x10200] =	vst v63  }
0x136: {  	_ =	swait.ge [sflag:s3], $0x200  }
0x137: {  	[sflag:s3] =	ssyncset.done $0x0  }
0x138: {  	[sflag:s3] =	ssyncadd.s32 $0xFFFFFE00  }
0x139: {  	[tilespmem:s5], [sflag:$0x1] =	stream.indirect.gather [hbm4b:s4+s5], $0x80, s2, s5, $0xb8;
	[tilespmem:$0x10200] =	vst v63  }
0x13a: {  	_ =	swait.ge [sflag:s6], $0x10000  }
0x13b: {  	[sflag:s6] =	ssyncset.done $0x0  }
0x13c: {  	[sflag:s6] =	ssyncadd.s32 $0xFFFF0000  }
0x13d: {  	[hbm4b:s16+s2] =	stream.linear.scatter [tilespmem:s5], [sflag:$0x2], $0x10000, $0x38;
	[tilespmem:$0x10200] =	vst v63  }
0x13e: {  	_ =	swait.ge [sflag:s3], $0x10000  }
0x13f: {  	[sflag:s3] =	ssyncset.done $0x0  }
0x140: {  	[sflag:s3] =	ssyncadd.s32 $0xFFFF0000  }
0x141: {  	[tilespmem:s2], [sflag:$0x2] =	stream.linear.gather [hbm4b:s17+s2], $0x200, $0x38;
	[tilespmem:$0x10200] =	vst v63  }
0x142: {  	_ =	swait.ge [sflag:s3], $0x200  }
0x143: {  	[sflag:s3] =	ssyncset.done $0x0  }
0x144: {  	[sflag:s3] =	ssyncadd.s32 $0xFFFFFE00  }
0x145: {  	[tilespmem:s5], [sflag:$0x1] =	stream.indirect.gather [hbm4b:s4+s5], $0x80, s2, s5, $0xb8;
	[tilespmem:$0x10200] =	vst v63  }
0x146: {  	_ =	swait.ge [sflag:s6], $0x10000  }
0x147: {  	[sflag:s6] =	ssyncset.done $0x0  }
0x148: {  	[sflag:s6] =	ssyncadd.s32 $0xFFFF0000  }
0x149: {  	[hbm4b:s18+s2] =	stream.linear.scatter [tilespmem:s5], [sflag:$0x2], $0x10000, $0x38;
	[tilespmem:$0x10200] =	vst v63  }
0x14a: {  	_ =	swait.ge [sflag:s3], $0x10000  }
0x14b: {  	[sflag:s3] =	ssyncset.done $0x0  }
0x14c: {  	[sflag:s3] =	ssyncadd.s32 $0xFFFF0000  }
0x14d: {  	[tilespmem:s2], [sflag:$0x2] =	stream.linear.gather [hbm4b:s19+s2], $0x200, $0x38;
	[tilespmem:$0x10200] =	vst v63  }
0x14e: {  	_ =	swait.ge [sflag:s3], $0x200  }
0x14f: {  	[sflag:s3] =	ssyncset.done $0x0  }
0x150: {  	[sflag:s3] =	ssyncadd.s32 $0xFFFFFE00  }
0x151: {  	[tilespmem:s5], [sflag:$0x1] =	stream.indirect.gather [hbm4b:s4+s5], $0x80, s2, s5, $0xb8;
	[tilespmem:$0x10200] =	vst v63  }
0x152: {  	_ =	swait.ge [sflag:s6], $0x10000  }
0x153: {  	[sflag:s6] =	ssyncset.done $0x0  }
0x154: {  	[sflag:s6] =	ssyncadd.s32 $0xFFFF0000  }
0x155: {  	[hbm4b:s20+s2] =	stream.linear.scatter [tilespmem:s5], [sflag:$0x2], $0x10000, $0x38;
	[tilespmem:$0x10200] =	vst v63  }
0x156: {  	_ =	swait.ge [sflag:s3], $0x10000  }
0x157: {  	[sflag:s3] =	ssyncset.done $0x0  }
0x158: {  	[sflag:s3] =	ssyncadd.s32 $0xFFFF0000  }
0x159: {  	[tilespmem:s2], [sflag:$0x2] =	stream.linear.gather [hbm4b:s21+s2], $0x200, $0x38;
	[tilespmem:$0x10200] =	vst v63  }
0x15a: {  	_ =	swait.ge [sflag:s3], $0x200  }
0x15b: {  	[sflag:s3] =	ssyncset.done $0x0  }
0x15c: {  	[sflag:s3] =	ssyncadd.s32 $0xFFFFFE00  }
0x15d: {  	[tilespmem:s5], [sflag:$0x1] =	stream.indirect.gather [hbm4b:s4+s5], $0x80, s2, s5, $0xb8;
	[tilespmem:$0x10200] =	vst v63  }
0x15e: {  	_ =	swait.ge [sflag:s6], $0x10000  }
0x15f: {  	[sflag:s6] =	ssyncset.done $0x0  }
0x160: {  	[sflag:s6] =	ssyncadd.s32 $0xFFFF0000  }
0x161: {  	[hbm4b:s22+s2] =	stream.linear.scatter [tilespmem:s5], [sflag:$0x2], $0x10000, $0x38;
	[tilespmem:$0x10200] =	vst v63  }
0x162: {  	_ =	swait.ge [sflag:s3], $0x10000  }
0x163: {  	[sflag:s3] =	ssyncset.done $0x0  }
0x164: {  	[sflag:s3] =	ssyncadd.s32 $0xFFFF0000  }
0x165: {  	[tilespmem:s2], [sflag:$0x2] =	stream.linear.gather [hbm4b:s23+s2], $0x200, $0x38;
	[tilespmem:$0x10200] =	vst v63  }
0x166: {  	_ =	swait.ge [sflag:s3], $0x200  }
0x167: {  	[sflag:s3] =	ssyncset.done $0x0  }
0x168: {  	[sflag:s3] =	ssyncadd.s32 $0xFFFFFE00  }
0x169: {  	[tilespmem:s5], [sflag:$0x1] =	stream.indirect.gather [hbm4b:s4+s5], $0x80, s2, s5, $0xb8;
	[tilespmem:$0x10200] =	vst v63  }
0x16a: {  	_ =	swait.ge [sflag:s6], $0x10000  }
0x16b: {  	[sflag:s6] =	ssyncset.done $0x0  }
0x16c: {  	[sflag:s6] =	ssyncadd.s32 $0xFFFF0000  }
0x16d: {  	[hbm4b:s24+s2] =	stream.linear.scatter [tilespmem:s5], [sflag:$0x2], $0x10000, $0x38;
	[tilespmem:$0x10200] =	vst v63  }
0x16e: {  	_ =	swait.ge [sflag:s3], $0x10000  }
0x16f: {  	[sflag:s3] =	ssyncset.done $0x0  }
0x170: {  	[sflag:s3] =	ssyncadd.s32 $0xFFFF0000  }
0x171: {  	[tilespmem:s2], [sflag:$0x2] =	stream.linear.gather [hbm4b:s25+s2], $0x200, $0x38;
	[tilespmem:$0x10200] =	vst v63  }
0x172: {  	_ =	swait.ge [sflag:s3], $0x200  }
0x173: {  	[sflag:s3] =	ssyncset.done $0x0  }
0x174: {  	[sflag:s3] =	ssyncadd.s32 $0xFFFFFE00  }
0x175: {  	[tilespmem:s5], [sflag:$0x1] =	stream.indirect.gather [hbm4b:s4+s5], $0x80, s2, s5, $0xb8;
	[tilespmem:$0x10200] =	vst v63  }
0x176: {  	_ =	swait.ge [sflag:s6], $0x10000  }
0x177: {  	[sflag:s6] =	ssyncset.done $0x0  }
0x178: {  	[sflag:s6] =	ssyncadd.s32 $0xFFFF0000  }
0x179: {  	[hbm4b:s26+s2] =	stream.linear.scatter [tilespmem:s5], [sflag:$0x2], $0x10000, $0x38;
	[tilespmem:$0x10200] =	vst v63  }
0x17a: {  	_ =	swait.ge [sflag:s3], $0x10000  }
0x17b: {  	[sflag:s3] =	ssyncset.done $0x0  }
0x17c: {  	[sflag:s3] =	ssyncadd.s32 $0xFFFF0000  }
0x17d: {  	[tilespmem:s2], [sflag:$0x2] =	stream.linear.gather [hbm4b:s28+s2], $0x200, $0x38;
	[tilespmem:$0x10200] =	vst v63  }
0x17e: {  	_ =	swait.ge [sflag:s3], $0x200  }
0x17f: {  	[sflag:s3] =	ssyncset.done $0x0  }
0x180: {  	[sflag:s3] =	ssyncadd.s32 $0xFFFFFE00  }
0x181: {  	[tilespmem:s5], [sflag:$0x1] =	stream.indirect.gather [hbm4b:s4+s5], $0x80, s2, s5, $0xb8;
	[tilespmem:$0x10200] =	vst v63  }
0x182: {  	_ =	swait.ge [sflag:s6], $0x10000  }
0x183: {  	[sflag:s6] =	ssyncset.done $0x0  }
0x184: {  	[sflag:s6] =	ssyncadd.s32 $0xFFFF0000  }
0x185: {  	[hbm4b:s29+s2] =	stream.linear.scatter [tilespmem:s5], [sflag:$0x2], $0x10000, $0x38;
	[tilespmem:$0x10200] =	vst v63  }
0x186: {  	_ =	swait.ge [sflag:s3], $0x10000  }
0x187: {  	[sflag:s3] =	ssyncset.done $0x0  }
0x188: {  	[sflag:s3] =	ssyncadd.s32 $0xFFFF0000  }
0x189: {  	[tilespmem:s2], [sflag:$0x2] =	stream.linear.gather [hbm4b:s30+s2], $0x200, $0x38;
	[tilespmem:$0x10200] =	vst v63  }
0x18a: {  	_ =	swait.ge [sflag:s3], $0x200  }
0x18b: {  	[sflag:s3] =	ssyncset.done $0x0  }
0x18c: {  	p0 =	sne.s32 s0, $0x1;
	[sflag:s3] =	ssyncadd.s32 $0xFFFFFE00  }
0x18d: {  	[tilespmem:s5], [sflag:$0x1] =	stream.indirect.gather [hbm4b:s4+s5], $0x80, s2, s5, $0xb8;
	[tilespmem:$0x10200] =	vst v63  }
.Ltmp1:
0x18e: {  	_ =	swait.ge [sflag:s6], $0x10000;
	(pc) =	sbr.rel @p0 .LBB2_1-.Ltmp1, $4  }
0x18f: {  	[sflag:s6] =	ssyncset.done $0x0  }
0x190: {  	[sflag:s6] =	ssyncadd.s32 $0xFFFF0000  }
0x191: {  	[hbm4b:s31+s2] =	stream.linear.scatter [tilespmem:s5], [sflag:$0x2], $0x10000, $0x38;
	[tilespmem:$0x10200] =	vst v63  }
0x192: {  	s0 =	sadd.s32 $0xFFFFFFFF, s0;
	_ =	swait.ge [sflag:s3], $0x10000  }
.LBB2_2:
0x193: {  	[sflag:s3] =	ssyncset.done $0x0  }
0x194: {  	[sflag:s3] =	ssyncadd.s32 $0xFFFF0000  }
0x195: {  	_ =	sfence.sel $0x180000  }
0x196: {  	[bflag:$0x0] =	sbarrier.arrive $0xFFFF  }
0x197: {  	_ =	strace $0x90000047  }
0x198: {  	s0 =	stileid.u32;
	[bflag:$0x2] =	sbarrier.arrive $0xFFFF  }
0x199: {  	p0 =	sne.s32 s0, $0x0;
	s0 =	rddreg [dreg:$0x2]  }
0x19a: {  	s0 =	sadd.s32 @!p0 $0x100000, s0  }
0x19b: {  	[sflag:s0] =	ssyncadd.tile.s32 @!p0 $0x1;
	_ =	shalt  }
.Lfunc_end2:
_tile_overlayer_lowered:
.L_overlay_start_2:
0x19c: {  	(tag) =	ssettag $0x2  }
0x19d: {  	s0 =	rddreg [dreg:$0x0];
	s2 =	stileid.u32  }
0x19e: {  	s1 =	rddreg [dreg:$0x1];
	p0 =	sne.s32 s2, $0x0  }
0x19f: {  	s3 =	rddreg [dreg:$0x2];
	[bflag:$0x3] =	sbarrier.arrive $0xFFFF;
	s2 =	simm.s32 @!p0 $0x1C02  }
0x1a0: {  	[timem:s3], [sflag:s2] =	dma.local @!p0 [hbm:s0], s1  }
0x1a1: {  	s0 =	simm.s32 @!p0 $0x2  }
0x1a2: {  	_ =	swait.ge @!p0 [sflag:s0], s1  }
0x1a3: {  	s1 =	ssub.s32 @!p0 $0x0, s1;
	[sflag:s0] =	ssyncset.done @!p0 $0x0  }
0x1a4: {  	[sflag:s0] =	ssyncadd.s32 @!p0 s1  }
0x1a5: {  	[bflag:$0x3] =	sbarrier.arrive $0xFFFF  }
0x1a6: {  	_ =	shalt  }

// kernel: kernel.13.cloned.1.call-start
scs
__scs_entry_jumppad:
0x0: {  	(pc) =	sbr.rel $0x88, $3  }
0x1: {  	(tag) =	ssettag $0x0;
	lr =	simm.s32 $0x1  }
0x2: {  	[smem:$0x3F95] =	sst lr;
	_ =	strace $0xD0000000  }
0x3: {  	_ = 	snop  }
0x4: {  	_ = 	snop  }
0x5: {  	_ = 	snop  }
0x6: {  	_ = 	snop  }
0x7: {  	_ = 	snop  }
__scs_overlays_trampoline_lowered:
0x8: {  	[smem:$0x3FA4] =	sst s0  }
0x9: {  	[smem:$0x3FA5] =	sst s1  }
0xa: {  	[smem:$0x3FA6] =	sst s2  }
0xb: {  	[smem:$0x3FA7] =	sst s3  }
0xc: {  	[smem:$0x3FA8] =	sst s4  }
0xd: {  	[smem:$0x3FA9] =	sst s5  }
0xe: {  	[smem:$0x3FAA] =	sst s6  }
0xf: {  	[smem:$0x3FAB] =	sst s7  }
0x10: {  	[smem:$0x3FAC] =	sst s8  }
0x11: {  	[smem:$0x3FAD] =	sst s9;
	s0 =	simm.s32 @!p0 $0x0  }
0x12: {  	s1 =	sld [smem:$0x3F93];
	s0 =	simm.s32 @p0 $0x1  }
0x13: {  	[smem:$0x3FAE] =	sst s0;
	s0 =	simm.s32 @!p1 $0x0  }
0x14: {  	s2 =	sld [smem:$0x3F92];
	s0 =	simm.s32 @p1 $0x1  }
0x15: {  	[smem:$0x3FAF] =	sst s0;
	s0 =	simm.s32 @!p2 $0x0  }
0x16: {  	s3 =	sld [smem:$0x3FDB];
	s0 =	simm.s32 @p2 $0x1  }
0x17: {  	s4 =	simm.s32 $0x1BF5;
	[smem:$0x3FB1] =	sst s0  }
0x18: {  	s0 =	sld [smem:$0x3F94];
	_ =	swait.ge [sflag:s4], $0x0  }
0x19: {  	s7 =	sld [smem:$0x3F95]  }
0x1a: {  	s8 =	sadd.s32 $0xFFFFE003, lr  }
0x1b: {  	s9 =	sadd.s32 $0xFFFFFEF7, lr;
	s5 =	simm.s32 $0xFFFFFFFF;
	p2 =	slt.u32 s8, $0xFFFFF086  }
0x1c: {  	p1 =	slt.u32 s9, $0xF7A;
	s5 =	simm.s32 @!p2 $0x0  }
0x1d: {  	s5 =	simm.s32 @p1 $0x1;
	p0 =	seq.s32 s7, s2  }
0x1e: {  	s7 =	smul.u32 @!p0 $0xF7A, s2;
	p2 =	seq.s32 @!p0 s5, $0x0  }
0x1f: {  	s9 =	smul.u32 $0xF7A, s1;
	s8 =	simm.s32 @!p0 $0x1BF5;
	p2 =	por !p2, p0  }
0x20: {  	[sflag:s8] =	ssyncset.s32 @!p0 $0xFFFFF086;
	s6 =	sadd.s32 @!p0 s3, s7;
	s7 =	simm.s32 @!p0 $0x108  }
0x21: {  	s3 =	sadd.s32 s3, s9;
	s6 =	sadd.s32 @!p0 $0x88, s6;
	s7 =	simm.s32 @p2 $0x1082  }
0x22: {  	[simem:s7], [sflag:s8] =	dma.local @!p0 [hbm:s6], $0xF7A  }
0x23: {  	s9 =	sor.u32 $0xD0000000, s2;
	s6 =	simm.s32 $0x108;
	_ =	swait.ge @!p0 [sflag:s8], $0x0  }
0x24: {  	s3 =	sadd.s32 $0x88, s3;
	s6 =	simm.s32 @!p1 $0x1082;
	[sflag:s4] =	ssyncset.s32 $0xFFFFF086  }
0x25: {  	[simem:s6], [sflag:s4] =	dma.local [hbm:s3], $0xF7A  }
0x26: {  	[smem:$0x3F95] =	sst s1;
	(tag) =	ssettag s2;
	_ =	strace s9  }
0x27: {  	s1 =	sld [smem:$0x3FA5]  }
0x28: {  	s2 =	sld [smem:$0x3FA6]  }
0x29: {  	s4 =	sld [smem:$0x3FA8]  }
0x2a: {  	p0 =	seq.s32 s5, $0x0;
	s5 =	sld [smem:$0x3FA9]  }
0x2b: {  	s6 =	sld [smem:$0x3FAA]  }
0x2c: {  	s7 =	sld [smem:$0x3FAB]  }
0x2d: {  	s3 =	simm.s32 $0x108;
	s8 =	sld [smem:$0x3FAC]  }
0x2e: {  	s3 =	simm.s32 @!p0 $0x1082;
	s9 =	sld [smem:$0x3FAD]  }
0x2f: {  	lr =	sadd.s32 s0, s3;
	s0 =	sld [smem:$0x3FA4]  }
0x30: {  	s3 =	sld [smem:$0x3FA7]  }
0x31: {  	[smem:$0x3FB0] =	sst s10  }
0x32: {  	s10 =	sld [smem:$0x3FAE];
	_ =	sdelay $0x3  }
0x33: {  	p0 =	seq.s32 s10, $0x1;
	s10 =	sld [smem:$0x3FB0];
	_ =	sdelay $0x3  }
0x34: {  	[smem:$0x3FB0] =	sst s10  }
0x35: {  	s10 =	sld [smem:$0x3FAF];
	_ =	sdelay $0x3  }
0x36: {  	p1 =	seq.s32 s10, $0x1;
	s10 =	sld [smem:$0x3FB0];
	_ =	sdelay $0x3  }
0x37: {  	[smem:$0x3FB0] =	sst s10  }
0x38: {  	s10 =	sld [smem:$0x3FB1]  }
0x39: {  	_ = 	snop;
	(pc) =	sbr.ind lr, $3  }
0x3a: {  	_ = 	snop  }
0x3b: {  	_ = 	snop  }
0x3c: {  	p2 =	seq.s32 s10, $0x1;
	s10 =	sld [smem:$0x3FB0]  }
0x3d: {  	_ =	shalt  }
0x3e: {  	_ =	shalt  }
0x3f: {  	_ =	shalt  }
0x40: {  	_ =	shalt  }
0x41: {  	_ =	shalt  }
0x42: {  	_ =	shalt  }
0x43: {  	_ =	shalt  }
0x44: {  	_ =	shalt  }
0x45: {  	_ =	shalt  }
0x46: {  	_ =	shalt  }
0x47: {  	_ =	shalt  }
0x48: {  	_ =	shalt  }
0x49: {  	_ =	shalt  }
0x4a: {  	_ =	shalt  }
0x4b: {  	_ =	shalt  }
0x4c: {  	_ =	shalt  }
0x4d: {  	_ =	shalt  }
0x4e: {  	_ =	shalt  }
0x4f: {  	_ =	shalt  }
0x50: {  	_ =	shalt  }
0x51: {  	_ =	shalt  }
0x52: {  	_ =	shalt  }
0x53: {  	_ =	shalt  }
0x54: {  	_ =	shalt  }
0x55: {  	_ =	shalt  }
0x56: {  	_ =	shalt  }
0x57: {  	_ =	shalt  }
0x58: {  	_ =	shalt  }
0x59: {  	_ =	shalt  }
0x5a: {  	_ =	shalt  }
0x5b: {  	_ =	shalt  }
0x5c: {  	_ =	shalt  }
0x5d: {  	_ =	shalt  }
0x5e: {  	_ =	shalt  }
0x5f: {  	_ =	shalt  }
0x60: {  	_ =	shalt  }
0x61: {  	_ =	shalt  }
0x62: {  	_ =	shalt  }
0x63: {  	_ =	shalt  }
0x64: {  	_ =	shalt  }
0x65: {  	_ =	shalt  }
0x66: {  	_ =	shalt  }
0x67: {  	_ =	shalt  }
0x68: {  	_ =	shalt  }
0x69: {  	_ =	shalt  }
0x6a: {  	_ =	shalt  }
0x6b: {  	_ =	shalt  }
0x6c: {  	_ =	shalt  }
0x6d: {  	_ =	shalt  }
0x6e: {  	_ =	shalt  }
0x6f: {  	_ =	shalt  }
0x70: {  	_ =	shalt  }
0x71: {  	_ =	shalt  }
0x72: {  	_ =	shalt  }
0x73: {  	_ =	shalt  }
0x74: {  	_ =	shalt  }
0x75: {  	_ =	shalt  }
0x76: {  	_ =	shalt  }
0x77: {  	_ =	shalt  }
0x78: {  	_ =	shalt  }
0x79: {  	_ =	shalt  }
0x7a: {  	_ =	shalt  }
0x7b: {  	_ =	shalt  }
0x7c: {  	_ =	shalt  }
0x7d: {  	_ =	shalt  }
0x7e: {  	_ =	shalt  }
0x7f: {  	_ =	shalt  }
0x80: {  	_ =	shalt  }
0x81: {  	_ =	shalt  }
0x82: {  	_ =	shalt  }
0x83: {  	_ =	shalt  }
0x84: {  	_ =	shalt  }
0x85: {  	_ =	shalt  }
0x86: {  	_ =	shalt  }
0x87: {  	_ =	shalt  }
.Lfunc_end0:
.L_simem_size_0:
called_computation.1_lowered:
.L_overlay_start_0:
0x88: {  	s2 =	sld [smem:$0x3FD9]  }
0x89: {  	s3 =	sld [smem:$0x3FFE];
	_ =	sdelay $0x1  }
0x8a: {  	s1 =	srdreg.scid  }
0x8b: {  	s0 =	sand.u32 $0x1, s1  }
0x8c: {  	s17 =	sshll.u32 s0, $0xA;
	s2 =	sadd.s32 s3, s2  }
0x8d: {  	s2 =	sadd.s32 s2, s17  }
0x8e: {  	[smem:$0x3FBC] =	sst s2  }
0x8f: {  	_ = 	snop  }
0x90: {  	s2 =	sld [smem:$0x3FC8]  }
0x91: {  	s18 =	sld [smem:$0x3FD0];
	(tm) =	ssettm $0x1  }
0x92: {  	s4 =	sld [smem:$0x3FFB];
	_ =	sdelay $0x3  }
0x93: {  	_ =	strace s4  }
0x94: {  	s4 =	sld [smem:$0x3FFC];
	_ =	sdelay $0x3  }
0x95: {  	_ =	strace s4  }
0x96: {  	s4 =	sld [smem:$0x3FFD];
	_ =	sdelay $0x3  }
0x97: {  	_ =	strace s4  }
0x98: {  	_ =	strace $0x8FFFFFFF  }
0x99: {  	s19 =	sld [smem:$0x3FDB];
	_ =	sdelay $0x1  }
0x9a: {  	s5 =	simm.s32 $_scs_section_size  }
0x9b: {  	s6 =	simm.s32 $_size__tile_overlayer_lowered;
	s7 =	simm.s32 $_tile_overlayer_lowered  }
0x9c: {  	s22 =	simm.s32 $0x1BFF;
	s21 =	sshll.u32 s7, $0x1;
	s4 =	sadd.s32 s5, s19  }
0x9d: {  	s8 =	simm.s32 $0x0;
	s20 =	sshll.u32 s6, $0x1;
	s6 =	sadd.s32 s21, s4  }
0x9e: {  	[timem:s8], [sflag:s22] =	dma.local [hbm:s6], s20  }
0x9f: {  	_ =	swait.ge [sflag:s22], s20  }
0xa0: {  	s5 =	ssub.s32 $0x0, s20;
	[sflag:s22] =	ssyncset.done $0x0  }
0xa1: {  	[sflag:s22] =	ssyncadd.s32 s5;
	_ =	sdelay $0x1  }
0xa2: {  	s23 =	simm.s32 $0x1B8B  }
0xa3: {  	_ =	swait.ge [sflag:s23], $0x1  }
0xa4: {  	[sflag:s23] =	ssyncset.done $0x0  }
0xa5: {  	s25 =	simm.s32 $0x1B8E;
	s24 =	sld [smem:$0x3FFE];
	[sflag:s23] =	ssyncadd.s32 $0xFFFFFFFF  }
0xa6: {  	s26 =	simm.s32 $execute0_lowered;
	[smem:$0x3FD2] =	sst s25  }
0xa7: {  	s6 =	sshll.u32 s26, $0x1;
	_ =	strace $0x80000049;
	[dreg:$0x1] =	wrdreg $0xFFFFFFFF  }
0xa8: {  	s28 =	simm.s32 $_size_execute0_lowered;
	s4 =	sadd.s32 s4, s6;
	[dreg:$0x0] =	wrdreg $0x0  }
0xa9: {  	s6 =	sshll.u32 s28, $0x1;
	[dreg:$0x2] =	wrdreg s4  }
0xaa: {  	[dreg:$0x3] =	wrdreg s6  }
0xab: {  	[dreg:$0x4] =	wrdreg $0xC0  }
0xac: {  	_ =	task [dreg:s8], $0x5FFFF  }
0xad: {  	[dreg:$0x1] =	wrdreg $0xFFFFFFFF  }
0xae: {  	[dreg:$0x0] =	wrdreg $0x60  }
0xaf: {  	[dreg:$0x2] =	wrdreg s2  }
0xb0: {  	[dreg:$0x3] =	wrdreg s18  }
0xb1: {  	[dreg:$0x4] =	wrdreg s24  }
0xb2: {  	[dreg:$0x5] =	wrdreg $0x9  }
0xb3: {  	_ =	task.clear_ibuf [dreg:s8], $0x6FFFF;
	_ =	strace $0x90000049  }
0xb4: {  	s29 =	simm.s32 $0x9;
	_ =	strace $0x8000004B  }
0xb5: {  	_ =	swait.ge [sflag:s29], $0x1  }
0xb6: {  	[sflag:s29] =	ssyncadd.s32 $0xFFFFFFFF  }
0xb7: {  	_ =	strace $0x9000004B  }
0xb8: {  	_ =	sfence  }
0xb9: {  	s30 =	sld [smem:$0x0];
	_ =	sdelay $0x2  }
0xba: {  	s31 =	sshll.u32 s1, $0xD;
	s1 =	sshrl.u32 s1, $0x2  }
0xbb: {  	s3 =	sand.u32 $0x4000, s31;
	s1 =	sadd.s32 s1, s30  }
0xbc: {  	s0 =	sor.u32 s3, s0;
	s1 =	sshll.u32 s1, $0x11  }
0xbd: {  	s0 =	sor.u32 s1, s0  }
0xbe: {  	s0 =	sadd.s32 $0x8F2B, s0  }
0xbf: {  	[sflag:s0] =	ssyncadd.remote.s32 $0x1  }
0xc0: {  	_ =	sfence.sel $0xFFFF  }
0xc1: {  	[dreg:$0x0] =	wrdreg $0xFFFFFFFF;
	(pc) =	sbr.abs _section_cstart, $3  }
0xc2: {  	[dreg:$0x1] =	wrdreg $0xFFFFFFFF  }
0xc3: {  	_ =	task.clear_ibuf [dreg:s8], $0x2FFFF;
	_ =	strace $0x9FFFFFFF  }
0xc4: {  	(tm) =	ssettm $0x7FFFFFFF  }
0xc5: {  	_ =	shalt  }
tec
execute0_lowered:
.L_overlay_start_1:
0x0: {  	(tag) =	ssettag $0x1  }
0x1: {  	s2 =	rddreg [dreg:$0x0]  }
0x2: {  	s31 =	rddreg [dreg:$0x1];
	s1 =	srdreg.scid  }
0x3: {  	s4 =	rddreg [dreg:$0x2];
	s0 =	stileid.u32;
	s1 =	sand.u32 $0x1, s1  }
0x4: {  	s3 =	simm.s32 $0x0;
	s5 =	sshll.u32 s0, $0xE;
	s6 =	sshll.u32 s1, $0xD  }
0x5: {  	[smem:$0x7FF] =	sst s3;
	s30 =	sor.u32 s6, s5  }
0x6: {  	s0 =	sadd.s32 $0x22C00, s4;
	_ =	strace $0x8000004A;
	s5 =	sshrl.u32 s30, $0x3  }
0x7: {  	s7 =	sshll.u32 s30, $0x4;
	s9 =	sor.u32 $0x200, s30;
	s6 =	sadd.s32 s31, s5  }
0x8: {  	s8 =	sadd.s32 s0, s7;
	s10 =	sshrl.u32 s9, $0x3;
	[dreg:$0x4] =	wrdreg s6  }
0x9: {  	s5 =	sshll.u32 s9, $0x4;
	[dreg:$0x5] =	wrdreg s8;
	s4 =	sadd.s32 s31, s10  }
0xa: {  	s16 =	sor.u32 $0x600, s30;
	s11 =	sadd.s32 s0, s5;
	[dreg:$0x6] =	wrdreg s4  }
0xb: {  	s17 =	sshrl.u32 s16, $0x3;
	s6 =	sor.u32 $0x400, s30;
	[dreg:$0x7] =	wrdreg s11  }
0xc: {  	s5 =	sshll.u32 s16, $0x4;
	s4 =	sadd.s32 s31, s17;
	s18 =	rddreg [dreg:$0x4]  }
0xd: {  	s12 =	sshrl.u32 s6, $0x3;
	s19 =	sadd.s32 s0, s5;
	[dreg:$0xa] =	wrdreg s4  }
0xe: {  	s14 =	sshll.u32 s6, $0x4;
	s13 =	sadd.s32 s31, s12;
	[dreg:$0xb] =	wrdreg s19  }
0xf: {  	[tilespmem:s3], [sflag:$0x2] =	stream.linear.gather [hbm4b:s18+s3], $0x200, $0x38;
	[tilespmem:$0x10200] =	vst v63  }
0x10: {  	s15 =	sadd.s32 s0, s14;
	[dreg:$0x8] =	wrdreg s13  }
0x11: {  	s4 =	simm.s32 $0x2;
	[dreg:$0x9] =	wrdreg s15  }
0x12: {  	_ =	swait.ge [sflag:s4], $0x200  }
0x13: {  	[sflag:s4] =	ssyncset.done $0x0  }
0x14: {  	s5 =	simm.s32 $0x200;
	s6 =	simm.s32 $0x1;
	[sflag:s4] =	ssyncadd.s32 $0xFFFFFE00  }
0x15: {  	[tilespmem:s5], [sflag:$0x1] =	stream.indirect.gather [hbm4b:s2+s5], $0x80, s3, s5, $0xb8;
	[tilespmem:$0x10200] =	vst v63  }
0x16: {  	_ =	swait.ge [sflag:s6], $0x10000  }
0x17: {  	[sflag:s6] =	ssyncset.done $0x0  }
0x18: {  	s7 =	rddreg [dreg:$0x5];
	[sflag:s6] =	ssyncadd.s32 $0xFFFF0000  }
0x19: {  	[hbm4b:s7+s3] =	stream.linear.scatter [tilespmem:s5], [sflag:$0x2], $0x10000, $0x38;
	[tilespmem:$0x10200] =	vst v63  }
0x1a: {  	_ =	swait.ge [sflag:s4], $0x10000  }
0x1b: {  	[sflag:s4] =	ssyncset.done $0x0  }
0x1c: {  	s20 =	rddreg [dreg:$0x6];
	[sflag:s4] =	ssyncadd.s32 $0xFFFF0000  }
0x1d: {  	[tilespmem:s3], [sflag:$0x2] =	stream.linear.gather [hbm4b:s20+s3], $0x200, $0x38;
	[tilespmem:$0x10200] =	vst v63  }
0x1e: {  	_ =	swait.ge [sflag:s4], $0x200  }
0x1f: {  	[sflag:s4] =	ssyncset.done $0x0  }
0x20: {  	[sflag:s4] =	ssyncadd.s32 $0xFFFFFE00  }
0x21: {  	[tilespmem:s5], [sflag:$0x1] =	stream.indirect.gather [hbm4b:s2+s5], $0x80, s3, s5, $0xb8;
	[tilespmem:$0x10200] =	vst v63  }
0x22: {  	_ =	swait.ge [sflag:s6], $0x10000  }
0x23: {  	[sflag:s6] =	ssyncset.done $0x0  }
0x24: {  	s21 =	rddreg [dreg:$0x7];
	[sflag:s6] =	ssyncadd.s32 $0xFFFF0000  }
0x25: {  	[hbm4b:s21+s3] =	stream.linear.scatter [tilespmem:s5], [sflag:$0x2], $0x10000, $0x38;
	[tilespmem:$0x10200] =	vst v63  }
0x26: {  	_ =	swait.ge [sflag:s4], $0x10000  }
0x27: {  	[sflag:s4] =	ssyncset.done $0x0  }
0x28: {  	s22 =	rddreg [dreg:$0x8];
	[sflag:s4] =	ssyncadd.s32 $0xFFFF0000  }
0x29: {  	[tilespmem:s3], [sflag:$0x2] =	stream.linear.gather [hbm4b:s22+s3], $0x200, $0x38;
	[tilespmem:$0x10200] =	vst v63  }
0x2a: {  	_ =	swait.ge [sflag:s4], $0x200  }
0x2b: {  	[sflag:s4] =	ssyncset.done $0x0  }
0x2c: {  	[sflag:s4] =	ssyncadd.s32 $0xFFFFFE00  }
0x2d: {  	[tilespmem:s5], [sflag:$0x1] =	stream.indirect.gather [hbm4b:s2+s5], $0x80, s3, s5, $0xb8;
	[tilespmem:$0x10200] =	vst v63  }
0x2e: {  	_ =	swait.ge [sflag:s6], $0x10000  }
0x2f: {  	[sflag:s6] =	ssyncset.done $0x0  }
0x30: {  	s23 =	rddreg [dreg:$0x9];
	[sflag:s6] =	ssyncadd.s32 $0xFFFF0000  }
0x31: {  	[hbm4b:s23+s3] =	stream.linear.scatter [tilespmem:s5], [sflag:$0x2], $0x10000, $0x38;
	[tilespmem:$0x10200] =	vst v63  }
0x32: {  	_ =	swait.ge [sflag:s4], $0x10000  }
0x33: {  	[sflag:s4] =	ssyncset.done $0x0  }
0x34: {  	s24 =	rddreg [dreg:$0xa];
	[sflag:s4] =	ssyncadd.s32 $0xFFFF0000  }
0x35: {  	[tilespmem:s3], [sflag:$0x2] =	stream.linear.gather [hbm4b:s24+s3], $0x200, $0x38;
	[tilespmem:$0x10200] =	vst v63  }
0x36: {  	_ =	swait.ge [sflag:s4], $0x200  }
0x37: {  	[sflag:s4] =	ssyncset.done $0x0  }
0x38: {  	[sflag:s4] =	ssyncadd.s32 $0xFFFFFE00  }
0x39: {  	[tilespmem:s5], [sflag:$0x1] =	stream.indirect.gather [hbm4b:s2+s5], $0x80, s3, s5, $0xb8;
	[tilespmem:$0x10200] =	vst v63  }
0x3a: {  	_ =	swait.ge [sflag:s6], $0x10000  }
0x3b: {  	[sflag:s6] =	ssyncset.done $0x0  }
0x3c: {  	s25 =	rddreg [dreg:$0xb];
	[sflag:s6] =	ssyncadd.s32 $0xFFFF0000  }
0x3d: {  	[hbm4b:s25+s3] =	stream.linear.scatter [tilespmem:s5], [sflag:$0x2], $0x10000, $0x38;
	[tilespmem:$0x10200] =	vst v63  }
0x3e: {  	s8 =	sor.u32 $0x800, s30;
	_ =	swait.ge [sflag:s4], $0x10000  }
0x3f: {  	s26 =	sshrl.u32 s8, $0x3;
	[sflag:s4] =	ssyncset.done $0x0  }
0x40: {  	s7 =	sadd.s32 s31, s26;
	[sflag:s4] =	ssyncadd.s32 $0xFFFF0000  }
0x41: {  	[tilespmem:s3], [sflag:$0x2] =	stream.linear.gather [hbm4b:s7+s3], $0x200, $0x38;
	[tilespmem:$0x10200] =	vst v63  }
0x42: {  	_ =	swait.ge [sflag:s4], $0x200  }
0x43: {  	[sflag:s4] =	ssyncset.done $0x0  }
0x44: {  	[sflag:s4] =	ssyncadd.s32 $0xFFFFFE00  }
0x45: {  	[tilespmem:s5], [sflag:$0x1] =	stream.indirect.gather [hbm4b:s2+s5], $0x80, s3, s5, $0xb8;
	[tilespmem:$0x10200] =	vst v63  }
0x46: {  	_ =	swait.ge [sflag:s6], $0x10000  }
0x47: {  	s8 =	sshll.u32 s8, $0x4;
	[sflag:s6] =	ssyncset.done $0x0  }
0x48: {  	s8 =	sadd.s32 s0, s8;
	[sflag:s6] =	ssyncadd.s32 $0xFFFF0000  }
0x49: {  	[hbm4b:s8+s3] =	stream.linear.scatter [tilespmem:s5], [sflag:$0x2], $0x10000, $0x38;
	[tilespmem:$0x10200] =	vst v63  }
0x4a: {  	s10 =	sor.u32 $0xA00, s30;
	_ =	swait.ge [sflag:s4], $0x10000  }
0x4b: {  	s9 =	sshrl.u32 s10, $0x3;
	[sflag:s4] =	ssyncset.done $0x0  }
0x4c: {  	s9 =	sadd.s32 s31, s9;
	[sflag:s4] =	ssyncadd.s32 $0xFFFF0000  }
0x4d: {  	[tilespmem:s3], [sflag:$0x2] =	stream.linear.gather [hbm4b:s9+s3], $0x200, $0x38;
	[tilespmem:$0x10200] =	vst v63  }
0x4e: {  	_ =	swait.ge [sflag:s4], $0x200  }
0x4f: {  	[sflag:s4] =	ssyncset.done $0x0  }
0x50: {  	[sflag:s4] =	ssyncadd.s32 $0xFFFFFE00  }
0x51: {  	[tilespmem:s5], [sflag:$0x1] =	stream.indirect.gather [hbm4b:s2+s5], $0x80, s3, s5, $0xb8;
	[tilespmem:$0x10200] =	vst v63  }
0x52: {  	_ =	swait.ge [sflag:s6], $0x10000  }
0x53: {  	s10 =	sshll.u32 s10, $0x4;
	[sflag:s6] =	ssyncset.done $0x0  }
0x54: {  	s10 =	sadd.s32 s0, s10;
	[sflag:s6] =	ssyncadd.s32 $0xFFFF0000  }
0x55: {  	[hbm4b:s10+s3] =	stream.linear.scatter [tilespmem:s5], [sflag:$0x2], $0x10000, $0x38;
	[tilespmem:$0x10200] =	vst v63  }
0x56: {  	s12 =	sor.u32 $0xC00, s30;
	_ =	swait.ge [sflag:s4], $0x10000  }
0x57: {  	s11 =	sshrl.u32 s12, $0x3;
	[sflag:s4] =	ssyncset.done $0x0  }
0x58: {  	s11 =	sadd.s32 s31, s11;
	[sflag:s4] =	ssyncadd.s32 $0xFFFF0000  }
0x59: {  	[tilespmem:s3], [sflag:$0x2] =	stream.linear.gather [hbm4b:s11+s3], $0x200, $0x38;
	[tilespmem:$0x10200] =	vst v63  }
0x5a: {  	_ =	swait.ge [sflag:s4], $0x200  }
0x5b: {  	[sflag:s4] =	ssyncset.done $0x0  }
0x5c: {  	[sflag:s4] =	ssyncadd.s32 $0xFFFFFE00  }
0x5d: {  	[tilespmem:s5], [sflag:$0x1] =	stream.indirect.gather [hbm4b:s2+s5], $0x80, s3, s5, $0xb8;
	[tilespmem:$0x10200] =	vst v63  }
0x5e: {  	_ =	swait.ge [sflag:s6], $0x10000  }
0x5f: {  	s12 =	sshll.u32 s12, $0x4;
	[sflag:s6] =	ssyncset.done $0x0  }
0x60: {  	s12 =	sadd.s32 s0, s12;
	[sflag:s6] =	ssyncadd.s32 $0xFFFF0000  }
0x61: {  	[hbm4b:s12+s3] =	stream.linear.scatter [tilespmem:s5], [sflag:$0x2], $0x10000, $0x38;
	[tilespmem:$0x10200] =	vst v63  }
0x62: {  	s14 =	sor.u32 $0xE00, s30;
	_ =	swait.ge [sflag:s4], $0x10000  }
0x63: {  	s13 =	sshrl.u32 s14, $0x3;
	[sflag:s4] =	ssyncset.done $0x0  }
0x64: {  	s13 =	sadd.s32 s31, s13;
	[sflag:s4] =	ssyncadd.s32 $0xFFFF0000  }
0x65: {  	[tilespmem:s3], [sflag:$0x2] =	stream.linear.gather [hbm4b:s13+s3], $0x200, $0x38;
	[tilespmem:$0x10200] =	vst v63  }
0x66: {  	_ =	swait.ge [sflag:s4], $0x200  }
0x67: {  	[sflag:s4] =	ssyncset.done $0x0  }
0x68: {  	[sflag:s4] =	ssyncadd.s32 $0xFFFFFE00  }
0x69: {  	[tilespmem:s5], [sflag:$0x1] =	stream.indirect.gather [hbm4b:s2+s5], $0x80, s3, s5, $0xb8;
	[tilespmem:$0x10200] =	vst v63  }
0x6a: {  	_ =	swait.ge [sflag:s6], $0x10000  }
0x6b: {  	s14 =	sshll.u32 s14, $0x4;
	[sflag:s6] =	ssyncset.done $0x0  }
0x6c: {  	s14 =	sadd.s32 s0, s14;
	[sflag:s6] =	ssyncadd.s32 $0xFFFF0000  }
0x6d: {  	[hbm4b:s14+s3] =	stream.linear.scatter [tilespmem:s5], [sflag:$0x2], $0x10000, $0x38;
	[tilespmem:$0x10200] =	vst v63  }
0x6e: {  	s16 =	sor.u32 $0x1000, s30;
	_ =	swait.ge [sflag:s4], $0x10000  }
0x6f: {  	s15 =	sshrl.u32 s16, $0x3;
	[sflag:s4] =	ssyncset.done $0x0  }
0x70: {  	s15 =	sadd.s32 s31, s15;
	[sflag:s4] =	ssyncadd.s32 $0xFFFF0000  }
0x71: {  	[tilespmem:s3], [sflag:$0x2] =	stream.linear.gather [hbm4b:s15+s3], $0x200, $0x38;
	[tilespmem:$0x10200] =	vst v63  }
0x72: {  	_ =	swait.ge [sflag:s4], $0x200  }
0x73: {  	[sflag:s4] =	ssyncset.done $0x0  }
0x74: {  	[sflag:s4] =	ssyncadd.s32 $0xFFFFFE00  }
0x75: {  	[tilespmem:s5], [sflag:$0x1] =	stream.indirect.gather [hbm4b:s2+s5], $0x80, s3, s5, $0xb8;
	[tilespmem:$0x10200] =	vst v63  }
0x76: {  	_ =	swait.ge [sflag:s6], $0x10000  }
0x77: {  	s16 =	sshll.u32 s16, $0x4;
	[sflag:s6] =	ssyncset.done $0x0  }
0x78: {  	s16 =	sadd.s32 s0, s16;
	[sflag:s6] =	ssyncadd.s32 $0xFFFF0000  }
0x79: {  	[hbm4b:s16+s3] =	stream.linear.scatter [tilespmem:s5], [sflag:$0x2], $0x10000, $0x38;
	[tilespmem:$0x10200] =	vst v63  }
0x7a: {  	s18 =	sor.u32 $0x1200, s30;
	_ =	swait.ge [sflag:s4], $0x10000  }
0x7b: {  	s17 =	sshrl.u32 s18, $0x3;
	[sflag:s4] =	ssyncset.done $0x0  }
0x7c: {  	s17 =	sadd.s32 s31, s17;
	[sflag:s4] =	ssyncadd.s32 $0xFFFF0000  }
0x7d: {  	[tilespmem:s3], [sflag:$0x2] =	stream.linear.gather [hbm4b:s17+s3], $0x200, $0x38;
	[tilespmem:$0x10200] =	vst v63  }
0x7e: {  	_ =	swait.ge [sflag:s4], $0x200  }
0x7f: {  	[sflag:s4] =	ssyncset.done $0x0  }
0x80: {  	[sflag:s4] =	ssyncadd.s32 $0xFFFFFE00  }
0x81: {  	[tilespmem:s5], [sflag:$0x1] =	stream.indirect.gather [hbm4b:s2+s5], $0x80, s3, s5, $0xb8;
	[tilespmem:$0x10200] =	vst v63  }
0x82: {  	_ =	swait.ge [sflag:s6], $0x10000  }
0x83: {  	s18 =	sshll.u32 s18, $0x4;
	[sflag:s6] =	ssyncset.done $0x0  }
0x84: {  	s18 =	sadd.s32 s0, s18;
	[sflag:s6] =	ssyncadd.s32 $0xFFFF0000  }
0x85: {  	[hbm4b:s18+s3] =	stream.linear.scatter [tilespmem:s5], [sflag:$0x2], $0x10000, $0x38;
	[tilespmem:$0x10200] =	vst v63  }
0x86: {  	s20 =	sor.u32 $0x1400, s30;
	_ =	swait.ge [sflag:s4], $0x10000  }
0x87: {  	s19 =	sshrl.u32 s20, $0x3;
	[sflag:s4] =	ssyncset.done $0x0  }
0x88: {  	s19 =	sadd.s32 s31, s19;
	[sflag:s4] =	ssyncadd.s32 $0xFFFF0000  }
0x89: {  	[tilespmem:s3], [sflag:$0x2] =	stream.linear.gather [hbm4b:s19+s3], $0x200, $0x38;
	[tilespmem:$0x10200] =	vst v63  }
0x8a: {  	_ =	swait.ge [sflag:s4], $0x200  }
0x8b: {  	[sflag:s4] =	ssyncset.done $0x0  }
0x8c: {  	[sflag:s4] =	ssyncadd.s32 $0xFFFFFE00  }
0x8d: {  	[tilespmem:s5], [sflag:$0x1] =	stream.indirect.gather [hbm4b:s2+s5], $0x80, s3, s5, $0xb8;
	[tilespmem:$0x10200] =	vst v63  }
0x8e: {  	_ =	swait.ge [sflag:s6], $0x10000  }
0x8f: {  	s20 =	sshll.u32 s20, $0x4;
	[sflag:s6] =	ssyncset.done $0x0  }
0x90: {  	s20 =	sadd.s32 s0, s20;
	[sflag:s6] =	ssyncadd.s32 $0xFFFF0000  }
0x91: {  	[hbm4b:s20+s3] =	stream.linear.scatter [tilespmem:s5], [sflag:$0x2], $0x10000, $0x38;
	[tilespmem:$0x10200] =	vst v63  }
0x92: {  	s22 =	sor.u32 $0x1600, s30;
	_ =	swait.ge [sflag:s4], $0x10000  }
0x93: {  	s21 =	sshrl.u32 s22, $0x3;
	[sflag:s4] =	ssyncset.done $0x0  }
0x94: {  	s21 =	sadd.s32 s31, s21;
	[sflag:s4] =	ssyncadd.s32 $0xFFFF0000  }
0x95: {  	[tilespmem:s3], [sflag:$0x2] =	stream.linear.gather [hbm4b:s21+s3], $0x200, $0x38;
	[tilespmem:$0x10200] =	vst v63  }
0x96: {  	_ =	swait.ge [sflag:s4], $0x200  }
0x97: {  	[sflag:s4] =	ssyncset.done $0x0  }
0x98: {  	[sflag:s4] =	ssyncadd.s32 $0xFFFFFE00  }
0x99: {  	[tilespmem:s5], [sflag:$0x1] =	stream.indirect.gather [hbm4b:s2+s5], $0x80, s3, s5, $0xb8;
	[tilespmem:$0x10200] =	vst v63  }
0x9a: {  	_ =	swait.ge [sflag:s6], $0x10000  }
0x9b: {  	s22 =	sshll.u32 s22, $0x4;
	[sflag:s6] =	ssyncset.done $0x0  }
0x9c: {  	s22 =	sadd.s32 s0, s22;
	[sflag:s6] =	ssyncadd.s32 $0xFFFF0000  }
0x9d: {  	[hbm4b:s22+s3] =	stream.linear.scatter [tilespmem:s5], [sflag:$0x2], $0x10000, $0x38;
	[tilespmem:$0x10200] =	vst v63  }
0x9e: {  	s24 =	sor.u32 $0x1800, s30;
	_ =	swait.ge [sflag:s4], $0x10000  }
0x9f: {  	s23 =	sshrl.u32 s24, $0x3;
	[sflag:s4] =	ssyncset.done $0x0  }
0xa0: {  	s23 =	sadd.s32 s31, s23;
	[sflag:s4] =	ssyncadd.s32 $0xFFFF0000  }
0xa1: {  	[tilespmem:s3], [sflag:$0x2] =	stream.linear.gather [hbm4b:s23+s3], $0x200, $0x38;
	[tilespmem:$0x10200] =	vst v63  }
0xa2: {  	_ =	swait.ge [sflag:s4], $0x200  }
0xa3: {  	[sflag:s4] =	ssyncset.done $0x0  }
0xa4: {  	[sflag:s4] =	ssyncadd.s32 $0xFFFFFE00  }
0xa5: {  	[tilespmem:s5], [sflag:$0x1] =	stream.indirect.gather [hbm4b:s2+s5], $0x80, s3, s5, $0xb8;
	[tilespmem:$0x10200] =	vst v63  }
0xa6: {  	_ =	swait.ge [sflag:s6], $0x10000  }
0xa7: {  	s24 =	sshll.u32 s24, $0x4;
	[sflag:s6] =	ssyncset.done $0x0  }
0xa8: {  	s24 =	sadd.s32 s0, s24;
	[sflag:s6] =	ssyncadd.s32 $0xFFFF0000  }
0xa9: {  	[hbm4b:s24+s3] =	stream.linear.scatter [tilespmem:s5], [sflag:$0x2], $0x10000, $0x38;
	[tilespmem:$0x10200] =	vst v63  }
0xaa: {  	s26 =	sor.u32 $0x1A00, s30;
	_ =	swait.ge [sflag:s4], $0x10000  }
0xab: {  	s25 =	sshrl.u32 s26, $0x3;
	[sflag:s4] =	ssyncset.done $0x0  }
0xac: {  	s25 =	sadd.s32 s31, s25;
	[sflag:s4] =	ssyncadd.s32 $0xFFFF0000  }
0xad: {  	[tilespmem:s3], [sflag:$0x2] =	stream.linear.gather [hbm4b:s25+s3], $0x200, $0x38;
	[tilespmem:$0x10200] =	vst v63  }
0xae: {  	_ =	swait.ge [sflag:s4], $0x200  }
0xaf: {  	[sflag:s4] =	ssyncset.done $0x0  }
0xb0: {  	[sflag:s4] =	ssyncadd.s32 $0xFFFFFE00  }
0xb1: {  	[tilespmem:s5], [sflag:$0x1] =	stream.indirect.gather [hbm4b:s2+s5], $0x80, s3, s5, $0xb8;
	[tilespmem:$0x10200] =	vst v63  }
0xb2: {  	_ =	swait.ge [sflag:s6], $0x10000  }
0xb3: {  	s26 =	sshll.u32 s26, $0x4;
	[sflag:s6] =	ssyncset.done $0x0  }
0xb4: {  	s26 =	sadd.s32 s0, s26;
	[dreg:$0xc] =	wrdreg s0;
	[sflag:s6] =	ssyncadd.s32 $0xFFFF0000  }
0xb5: {  	[hbm4b:s26+s3] =	stream.linear.scatter [tilespmem:s5], [sflag:$0x2], $0x10000, $0x38;
	[tilespmem:$0x10200] =	vst v63  }
0xb6: {  	s29 =	sor.u32 $0x1C00, s30;
	_ =	swait.ge [sflag:s4], $0x10000  }
0xb7: {  	s28 =	sshrl.u32 s29, $0x3;
	[sflag:s4] =	ssyncset.done $0x0  }
0xb8: {  	s28 =	sadd.s32 s31, s28;
	[sflag:s4] =	ssyncadd.s32 $0xFFFF0000  }
0xb9: {  	[tilespmem:s3], [sflag:$0x2] =	stream.linear.gather [hbm4b:s28+s3], $0x200, $0x38;
	[tilespmem:$0x10200] =	vst v63  }
0xba: {  	_ =	swait.ge [sflag:s4], $0x200  }
0xbb: {  	[sflag:s4] =	ssyncset.done $0x0  }
0xbc: {  	[sflag:s4] =	ssyncadd.s32 $0xFFFFFE00  }
0xbd: {  	[tilespmem:s5], [sflag:$0x1] =	stream.indirect.gather [hbm4b:s2+s5], $0x80, s3, s5, $0xb8;
	[tilespmem:$0x10200] =	vst v63  }
0xbe: {  	_ =	swait.ge [sflag:s6], $0x10000  }
0xbf: {  	s29 =	sshll.u32 s29, $0x4;
	[sflag:s6] =	ssyncset.done $0x0  }
0xc0: {  	s29 =	sadd.s32 s0, s29;
	[sflag:s6] =	ssyncadd.s32 $0xFFFF0000  }
0xc1: {  	[hbm4b:s29+s3] =	stream.linear.scatter [tilespmem:s5], [sflag:$0x2], $0x10000, $0x38;
	[tilespmem:$0x10200] =	vst v63  }
0xc2: {  	s0 =	sor.u32 $0x1E00, s30;
	_ =	swait.ge [sflag:s4], $0x10000  }
0xc3: {  	s1 =	ssub.s32 $0x2, s1;
	s30 =	sshrl.u32 s0, $0x3;
	[sflag:s4] =	ssyncset.done $0x0  }
0xc4: {  	s30 =	sadd.s32 s31, s30;
	s31 =	sshrl.u32 s1, $0x1;
	[sflag:s4] =	ssyncadd.s32 $0xFFFF0000  }
0xc5: {  	[tilespmem:s3], [sflag:$0x2] =	stream.linear.gather [hbm4b:s30+s3], $0x200, $0x38;
	[tilespmem:$0x10200] =	vst v63  }
0xc6: {  	s1 =	ssub.s32 s1, s31;
	_ =	swait.ge [sflag:s4], $0x200  }
0xc7: {  	s1 =	smax.u32 s1, $0x1;
	[sflag:s4] =	ssyncset.done $0x0  }
0xc8: {  	p0 =	sne.s32 s1, $0x1;
	[sflag:s4] =	ssyncadd.s32 $0xFFFFFE00  }
0xc9: {  	[tilespmem:s5], [sflag:$0x1] =	stream.indirect.gather [hbm4b:s2+s5], $0x80, s3, s5, $0xb8;
	[tilespmem:$0x10200] =	vst v63  }
.Ltmp0:
0xca: {  	_ =	swait.ge [sflag:s6], $0x10000;
	(pc) =	sbr.rel @!p0 .LBB2_2-.Ltmp0, $4  }
0xcb: {  	s0 =	sshll.u32 s0, $0x4;
	[sflag:s6] =	ssyncset.done $0x0;
	s31 =	rddreg [dreg:$0xc]  }
0xcc: {  	s31 =	sadd.s32 s31, s0;
	[sflag:s6] =	ssyncadd.s32 $0xFFFF0000  }
0xcd: {  	[hbm4b:s31+s3] =	stream.linear.scatter [tilespmem:s5], [sflag:$0x2], $0x10000, $0x38;
	[tilespmem:$0x10200] =	vst v63  }
0xce: {  	s0 =	sadd.s32 $0xFFFFFFFF, s1;
	_ =	swait.ge [sflag:s4], $0x10000  }
.LBB2_1:
0xcf: {  	[sflag:s4] =	ssyncset.done $0x0  }
0xd0: {  	s1 =	rddreg [dreg:$0x4];
	[sflag:s4] =	ssyncadd.s32 $0xFFFF0000  }
0xd1: {  	[tilespmem:s3], [sflag:$0x2] =	stream.linear.gather [hbm4b:s1+s3], $0x200, $0x38;
	[tilespmem:$0x10200] =	vst v63  }
0xd2: {  	_ =	swait.ge [sflag:s4], $0x200  }
0xd3: {  	[sflag:s4] =	ssyncset.done $0x0  }
0xd4: {  	[sflag:s4] =	ssyncadd.s32 $0xFFFFFE00  }
0xd5: {  	[tilespmem:s5], [sflag:$0x1] =	stream.indirect.gather [hbm4b:s2+s5], $0x80, s3, s5, $0xb8;
	[tilespmem:$0x10200] =	vst v63  }
0xd6: {  	_ =	swait.ge [sflag:s6], $0x10000  }
0xd7: {  	[sflag:s6] =	ssyncset.done $0x0  }
0xd8: {  	s1 =	rddreg [dreg:$0x5];
	[sflag:s6] =	ssyncadd.s32 $0xFFFF0000  }
0xd9: {  	[hbm4b:s1+s3] =	stream.linear.scatter [tilespmem:s5], [sflag:$0x2], $0x10000, $0x38;
	[tilespmem:$0x10200] =	vst v63  }
0xda: {  	_ =	swait.ge [sflag:s4], $0x10000  }
0xdb: {  	[sflag:s4] =	ssyncset.done $0x0  }
0xdc: {  	s1 =	rddreg [dreg:$0x6];
	[sflag:s4] =	ssyncadd.s32 $0xFFFF0000  }
0xdd: {  	[tilespmem:s3], [sflag:$0x2] =	stream.linear.gather [hbm4b:s1+s3], $0x200, $0x38;
	[tilespmem:$0x10200] =	vst v63  }
0xde: {  	_ =	swait.ge [sflag:s4], $0x200  }
0xdf: {  	[sflag:s4] =	ssyncset.done $0x0  }
0xe0: {  	[sflag:s4] =	ssyncadd.s32 $0xFFFFFE00  }
0xe1: {  	[tilespmem:s5], [sflag:$0x1] =	stream.indirect.gather [hbm4b:s2+s5], $0x80, s3, s5, $0xb8;
	[tilespmem:$0x10200] =	vst v63  }
0xe2: {  	_ =	swait.ge [sflag:s6], $0x10000  }
0xe3: {  	[sflag:s6] =	ssyncset.done $0x0  }
0xe4: {  	s1 =	rddreg [dreg:$0x7];
	[sflag:s6] =	ssyncadd.s32 $0xFFFF0000  }
0xe5: {  	[hbm4b:s1+s3] =	stream.linear.scatter [tilespmem:s5], [sflag:$0x2], $0x10000, $0x38;
	[tilespmem:$0x10200] =	vst v63  }
0xe6: {  	_ =	swait.ge [sflag:s4], $0x10000  }
0xe7: {  	[sflag:s4] =	ssyncset.done $0x0  }
0xe8: {  	s1 =	rddreg [dreg:$0x8];
	[sflag:s4] =	ssyncadd.s32 $0xFFFF0000  }
0xe9: {  	[tilespmem:s3], [sflag:$0x2] =	stream.linear.gather [hbm4b:s1+s3], $0x200, $0x38;
	[tilespmem:$0x10200] =	vst v63  }
0xea: {  	_ =	swait.ge [sflag:s4], $0x200  }
0xeb: {  	[sflag:s4] =	ssyncset.done $0x0  }
0xec: {  	[sflag:s4] =	ssyncadd.s32 $0xFFFFFE00  }
0xed: {  	[tilespmem:s5], [sflag:$0x1] =	stream.indirect.gather [hbm4b:s2+s5], $0x80, s3, s5, $0xb8;
	[tilespmem:$0x10200] =	vst v63  }
0xee: {  	_ =	swait.ge [sflag:s6], $0x10000  }
0xef: {  	[sflag:s6] =	ssyncset.done $0x0  }
0xf0: {  	s1 =	rddreg [dreg:$0x9];
	[sflag:s6] =	ssyncadd.s32 $0xFFFF0000  }
0xf1: {  	[hbm4b:s1+s3] =	stream.linear.scatter [tilespmem:s5], [sflag:$0x2], $0x10000, $0x38;
	[tilespmem:$0x10200] =	vst v63  }
0xf2: {  	_ =	swait.ge [sflag:s4], $0x10000  }
0xf3: {  	[sflag:s4] =	ssyncset.done $0x0  }
0xf4: {  	s1 =	rddreg [dreg:$0xa];
	[sflag:s4] =	ssyncadd.s32 $0xFFFF0000  }
0xf5: {  	[tilespmem:s3], [sflag:$0x2] =	stream.linear.gather [hbm4b:s1+s3], $0x200, $0x38;
	[tilespmem:$0x10200] =	vst v63  }
0xf6: {  	_ =	swait.ge [sflag:s4], $0x200  }
0xf7: {  	[sflag:s4] =	ssyncset.done $0x0  }
0xf8: {  	[sflag:s4] =	ssyncadd.s32 $0xFFFFFE00  }
0xf9: {  	[tilespmem:s5], [sflag:$0x1] =	stream.indirect.gather [hbm4b:s2+s5], $0x80, s3, s5, $0xb8;
	[tilespmem:$0x10200] =	vst v63  }
0xfa: {  	_ =	swait.ge [sflag:s6], $0x10000  }
0xfb: {  	[sflag:s6] =	ssyncset.done $0x0  }
0xfc: {  	s1 =	rddreg [dreg:$0xb];
	[sflag:s6] =	ssyncadd.s32 $0xFFFF0000  }
0xfd: {  	[hbm4b:s1+s3] =	stream.linear.scatter [tilespmem:s5], [sflag:$0x2], $0x10000, $0x38;
	[tilespmem:$0x10200] =	vst v63  }
0xfe: {  	_ =	swait.ge [sflag:s4], $0x10000  }
0xff: {  	[sflag:s4] =	ssyncset.done $0x0  }
0x100: {  	[sflag:s4] =	ssyncadd.s32 $0xFFFF0000  }
0x101: {  	[tilespmem:s3], [sflag:$0x2] =	stream.linear.gather [hbm4b:s7+s3], $0x200, $0x38;
	[tilespmem:$0x10200] =	vst v63  }
0x102: {  	_ =	swait.ge [sflag:s4], $0x200  }
0x103: {  	[sflag:s4] =	ssyncset.done $0x0  }
0x104: {  	[sflag:s4] =	ssyncadd.s32 $0xFFFFFE00  }
0x105: {  	[tilespmem:s5], [sflag:$0x1] =	stream.indirect.gather [hbm4b:s2+s5], $0x80, s3, s5, $0xb8;
	[tilespmem:$0x10200] =	vst v63  }
0x106: {  	_ =	swait.ge [sflag:s6], $0x10000  }
0x107: {  	[sflag:s6] =	ssyncset.done $0x0  }
0x108: {  	[sflag:s6] =	ssyncadd.s32 $0xFFFF0000  }
0x109: {  	[hbm4b:s8+s3] =	stream.linear.scatter [tilespmem:s5], [sflag:$0x2], $0x10000, $0x38;
	[tilespmem:$0x10200] =	vst v63  }
0x10a: {  	_ =	swait.ge [sflag:s4], $0x10000  }
0x10b: {  	[sflag:s4] =	ssyncset.done $0x0  }
0x10c: {  	[sflag:s4] =	ssyncadd.s32 $0xFFFF0000  }
0x10d: {  	[tilespmem:s3], [sflag:$0x2] =	stream.linear.gather [hbm4b:s9+s3], $0x200, $0x38;
	[tilespmem:$0x10200] =	vst v63  }
0x10e: {  	_ =	swait.ge [sflag:s4], $0x200  }
0x10f: {  	[sflag:s4] =	ssyncset.done $0x0  }
0x110: {  	[sflag:s4] =	ssyncadd.s32 $0xFFFFFE00  }
0x111: {  	[tilespmem:s5], [sflag:$0x1] =	stream.indirect.gather [hbm4b:s2+s5], $0x80, s3, s5, $0xb8;
	[tilespmem:$0x10200] =	vst v63  }
0x112: {  	_ =	swait.ge [sflag:s6], $0x10000  }
0x113: {  	[sflag:s6] =	ssyncset.done $0x0  }
0x114: {  	[sflag:s6] =	ssyncadd.s32 $0xFFFF0000  }
0x115: {  	[hbm4b:s10+s3] =	stream.linear.scatter [tilespmem:s5], [sflag:$0x2], $0x10000, $0x38;
	[tilespmem:$0x10200] =	vst v63  }
0x116: {  	_ =	swait.ge [sflag:s4], $0x10000  }
0x117: {  	[sflag:s4] =	ssyncset.done $0x0  }
0x118: {  	[sflag:s4] =	ssyncadd.s32 $0xFFFF0000  }
0x119: {  	[tilespmem:s3], [sflag:$0x2] =	stream.linear.gather [hbm4b:s11+s3], $0x200, $0x38;
	[tilespmem:$0x10200] =	vst v63  }
0x11a: {  	_ =	swait.ge [sflag:s4], $0x200  }
0x11b: {  	[sflag:s4] =	ssyncset.done $0x0  }
0x11c: {  	[sflag:s4] =	ssyncadd.s32 $0xFFFFFE00  }
0x11d: {  	[tilespmem:s5], [sflag:$0x1] =	stream.indirect.gather [hbm4b:s2+s5], $0x80, s3, s5, $0xb8;
	[tilespmem:$0x10200] =	vst v63  }
0x11e: {  	_ =	swait.ge [sflag:s6], $0x10000  }
0x11f: {  	[sflag:s6] =	ssyncset.done $0x0  }
0x120: {  	[sflag:s6] =	ssyncadd.s32 $0xFFFF0000  }
0x121: {  	[hbm4b:s12+s3] =	stream.linear.scatter [tilespmem:s5], [sflag:$0x2], $0x10000, $0x38;
	[tilespmem:$0x10200] =	vst v63  }
0x122: {  	_ =	swait.ge [sflag:s4], $0x10000  }
0x123: {  	[sflag:s4] =	ssyncset.done $0x0  }
0x124: {  	[sflag:s4] =	ssyncadd.s32 $0xFFFF0000  }
0x125: {  	[tilespmem:s3], [sflag:$0x2] =	stream.linear.gather [hbm4b:s13+s3], $0x200, $0x38;
	[tilespmem:$0x10200] =	vst v63  }
0x126: {  	_ =	swait.ge [sflag:s4], $0x200  }
0x127: {  	[sflag:s4] =	ssyncset.done $0x0  }
0x128: {  	[sflag:s4] =	ssyncadd.s32 $0xFFFFFE00  }
0x129: {  	[tilespmem:s5], [sflag:$0x1] =	stream.indirect.gather [hbm4b:s2+s5], $0x80, s3, s5, $0xb8;
	[tilespmem:$0x10200] =	vst v63  }
0x12a: {  	_ =	swait.ge [sflag:s6], $0x10000  }
0x12b: {  	[sflag:s6] =	ssyncset.done $0x0  }
0x12c: {  	[sflag:s6] =	ssyncadd.s32 $0xFFFF0000  }
0x12d: {  	[hbm4b:s14+s3] =	stream.linear.scatter [tilespmem:s5], [sflag:$0x2], $0x10000, $0x38;
	[tilespmem:$0x10200] =	vst v63  }
0x12e: {  	_ =	swait.ge [sflag:s4], $0x10000  }
0x12f: {  	[sflag:s4] =	ssyncset.done $0x0  }
0x130: {  	[sflag:s4] =	ssyncadd.s32 $0xFFFF0000  }
0x131: {  	[tilespmem:s3], [sflag:$0x2] =	stream.linear.gather [hbm4b:s15+s3], $0x200, $0x38;
	[tilespmem:$0x10200] =	vst v63  }
0x132: {  	_ =	swait.ge [sflag:s4], $0x200  }
0x133: {  	[sflag:s4] =	ssyncset.done $0x0  }
0x134: {  	[sflag:s4] =	ssyncadd.s32 $0xFFFFFE00  }
0x135: {  	[tilespmem:s5], [sflag:$0x1] =	stream.indirect.gather [hbm4b:s2+s5], $0x80, s3, s5, $0xb8;
	[tilespmem:$0x10200] =	vst v63  }
0x136: {  	_ =	swait.ge [sflag:s6], $0x10000  }
0x137: {  	[sflag:s6] =	ssyncset.done $0x0  }
0x138: {  	[sflag:s6] =	ssyncadd.s32 $0xFFFF0000  }
0x139: {  	[hbm4b:s16+s3] =	stream.linear.scatter [tilespmem:s5], [sflag:$0x2], $0x10000, $0x38;
	[tilespmem:$0x10200] =	vst v63  }
0x13a: {  	_ =	swait.ge [sflag:s4], $0x10000  }
0x13b: {  	[sflag:s4] =	ssyncset.done $0x0  }
0x13c: {  	[sflag:s4] =	ssyncadd.s32 $0xFFFF0000  }
0x13d: {  	[tilespmem:s3], [sflag:$0x2] =	stream.linear.gather [hbm4b:s17+s3], $0x200, $0x38;
	[tilespmem:$0x10200] =	vst v63  }
0x13e: {  	_ =	swait.ge [sflag:s4], $0x200  }
0x13f: {  	[sflag:s4] =	ssyncset.done $0x0  }
0x140: {  	[sflag:s4] =	ssyncadd.s32 $0xFFFFFE00  }
0x141: {  	[tilespmem:s5], [sflag:$0x1] =	stream.indirect.gather [hbm4b:s2+s5], $0x80, s3, s5, $0xb8;
	[tilespmem:$0x10200] =	vst v63  }
0x142: {  	_ =	swait.ge [sflag:s6], $0x10000  }
0x143: {  	[sflag:s6] =	ssyncset.done $0x0  }
0x144: {  	[sflag:s6] =	ssyncadd.s32 $0xFFFF0000  }
0x145: {  	[hbm4b:s18+s3] =	stream.linear.scatter [tilespmem:s5], [sflag:$0x2], $0x10000, $0x38;
	[tilespmem:$0x10200] =	vst v63  }
0x146: {  	_ =	swait.ge [sflag:s4], $0x10000  }
0x147: {  	[sflag:s4] =	ssyncset.done $0x0  }
0x148: {  	[sflag:s4] =	ssyncadd.s32 $0xFFFF0000  }
0x149: {  	[tilespmem:s3], [sflag:$0x2] =	stream.linear.gather [hbm4b:s19+s3], $0x200, $0x38;
	[tilespmem:$0x10200] =	vst v63  }
0x14a: {  	_ =	swait.ge [sflag:s4], $0x200  }
0x14b: {  	[sflag:s4] =	ssyncset.done $0x0  }
0x14c: {  	[sflag:s4] =	ssyncadd.s32 $0xFFFFFE00  }
0x14d: {  	[tilespmem:s5], [sflag:$0x1] =	stream.indirect.gather [hbm4b:s2+s5], $0x80, s3, s5, $0xb8;
	[tilespmem:$0x10200] =	vst v63  }
0x14e: {  	_ =	swait.ge [sflag:s6], $0x10000  }
0x14f: {  	[sflag:s6] =	ssyncset.done $0x0  }
0x150: {  	[sflag:s6] =	ssyncadd.s32 $0xFFFF0000  }
0x151: {  	[hbm4b:s20+s3] =	stream.linear.scatter [tilespmem:s5], [sflag:$0x2], $0x10000, $0x38;
	[tilespmem:$0x10200] =	vst v63  }
0x152: {  	_ =	swait.ge [sflag:s4], $0x10000  }
0x153: {  	[sflag:s4] =	ssyncset.done $0x0  }
0x154: {  	[sflag:s4] =	ssyncadd.s32 $0xFFFF0000  }
0x155: {  	[tilespmem:s3], [sflag:$0x2] =	stream.linear.gather [hbm4b:s21+s3], $0x200, $0x38;
	[tilespmem:$0x10200] =	vst v63  }
0x156: {  	_ =	swait.ge [sflag:s4], $0x200  }
0x157: {  	[sflag:s4] =	ssyncset.done $0x0  }
0x158: {  	[sflag:s4] =	ssyncadd.s32 $0xFFFFFE00  }
0x159: {  	[tilespmem:s5], [sflag:$0x1] =	stream.indirect.gather [hbm4b:s2+s5], $0x80, s3, s5, $0xb8;
	[tilespmem:$0x10200] =	vst v63  }
0x15a: {  	_ =	swait.ge [sflag:s6], $0x10000  }
0x15b: {  	[sflag:s6] =	ssyncset.done $0x0  }
0x15c: {  	[sflag:s6] =	ssyncadd.s32 $0xFFFF0000  }
0x15d: {  	[hbm4b:s22+s3] =	stream.linear.scatter [tilespmem:s5], [sflag:$0x2], $0x10000, $0x38;
	[tilespmem:$0x10200] =	vst v63  }
0x15e: {  	_ =	swait.ge [sflag:s4], $0x10000  }
0x15f: {  	[sflag:s4] =	ssyncset.done $0x0  }
0x160: {  	[sflag:s4] =	ssyncadd.s32 $0xFFFF0000  }
0x161: {  	[tilespmem:s3], [sflag:$0x2] =	stream.linear.gather [hbm4b:s23+s3], $0x200, $0x38;
	[tilespmem:$0x10200] =	vst v63  }
0x162: {  	_ =	swait.ge [sflag:s4], $0x200  }
0x163: {  	[sflag:s4] =	ssyncset.done $0x0  }
0x164: {  	[sflag:s4] =	ssyncadd.s32 $0xFFFFFE00  }
0x165: {  	[tilespmem:s5], [sflag:$0x1] =	stream.indirect.gather [hbm4b:s2+s5], $0x80, s3, s5, $0xb8;
	[tilespmem:$0x10200] =	vst v63  }
0x166: {  	_ =	swait.ge [sflag:s6], $0x10000  }
0x167: {  	[sflag:s6] =	ssyncset.done $0x0  }
0x168: {  	[sflag:s6] =	ssyncadd.s32 $0xFFFF0000  }
0x169: {  	[hbm4b:s24+s3] =	stream.linear.scatter [tilespmem:s5], [sflag:$0x2], $0x10000, $0x38;
	[tilespmem:$0x10200] =	vst v63  }
0x16a: {  	_ =	swait.ge [sflag:s4], $0x10000  }
0x16b: {  	[sflag:s4] =	ssyncset.done $0x0  }
0x16c: {  	[sflag:s4] =	ssyncadd.s32 $0xFFFF0000  }
0x16d: {  	[tilespmem:s3], [sflag:$0x2] =	stream.linear.gather [hbm4b:s25+s3], $0x200, $0x38;
	[tilespmem:$0x10200] =	vst v63  }
0x16e: {  	_ =	swait.ge [sflag:s4], $0x200  }
0x16f: {  	[sflag:s4] =	ssyncset.done $0x0  }
0x170: {  	[sflag:s4] =	ssyncadd.s32 $0xFFFFFE00  }
0x171: {  	[tilespmem:s5], [sflag:$0x1] =	stream.indirect.gather [hbm4b:s2+s5], $0x80, s3, s5, $0xb8;
	[tilespmem:$0x10200] =	vst v63  }
0x172: {  	_ =	swait.ge [sflag:s6], $0x10000  }
0x173: {  	[sflag:s6] =	ssyncset.done $0x0  }
0x174: {  	[sflag:s6] =	ssyncadd.s32 $0xFFFF0000  }
0x175: {  	[hbm4b:s26+s3] =	stream.linear.scatter [tilespmem:s5], [sflag:$0x2], $0x10000, $0x38;
	[tilespmem:$0x10200] =	vst v63  }
0x176: {  	_ =	swait.ge [sflag:s4], $0x10000  }
0x177: {  	[sflag:s4] =	ssyncset.done $0x0  }
0x178: {  	[sflag:s4] =	ssyncadd.s32 $0xFFFF0000  }
0x179: {  	[tilespmem:s3], [sflag:$0x2] =	stream.linear.gather [hbm4b:s28+s3], $0x200, $0x38;
	[tilespmem:$0x10200] =	vst v63  }
0x17a: {  	_ =	swait.ge [sflag:s4], $0x200  }
0x17b: {  	[sflag:s4] =	ssyncset.done $0x0  }
0x17c: {  	[sflag:s4] =	ssyncadd.s32 $0xFFFFFE00  }
0x17d: {  	[tilespmem:s5], [sflag:$0x1] =	stream.indirect.gather [hbm4b:s2+s5], $0x80, s3, s5, $0xb8;
	[tilespmem:$0x10200] =	vst v63  }
0x17e: {  	_ =	swait.ge [sflag:s6], $0x10000  }
0x17f: {  	[sflag:s6] =	ssyncset.done $0x0  }
0x180: {  	[sflag:s6] =	ssyncadd.s32 $0xFFFF0000  }
0x181: {  	[hbm4b:s29+s3] =	stream.linear.scatter [tilespmem:s5], [sflag:$0x2], $0x10000, $0x38;
	[tilespmem:$0x10200] =	vst v63  }
0x182: {  	_ =	swait.ge [sflag:s4], $0x10000  }
0x183: {  	[sflag:s4] =	ssyncset.done $0x0  }
0x184: {  	[sflag:s4] =	ssyncadd.s32 $0xFFFF0000  }
0x185: {  	[tilespmem:s3], [sflag:$0x2] =	stream.linear.gather [hbm4b:s30+s3], $0x200, $0x38;
	[tilespmem:$0x10200] =	vst v63  }
0x186: {  	_ =	swait.ge [sflag:s4], $0x200  }
0x187: {  	[sflag:s4] =	ssyncset.done $0x0  }
0x188: {  	p0 =	sne.s32 s0, $0x1;
	[sflag:s4] =	ssyncadd.s32 $0xFFFFFE00  }
0x189: {  	[tilespmem:s5], [sflag:$0x1] =	stream.indirect.gather [hbm4b:s2+s5], $0x80, s3, s5, $0xb8;
	[tilespmem:$0x10200] =	vst v63  }
.Ltmp1:
0x18a: {  	_ =	swait.ge [sflag:s6], $0x10000;
	(pc) =	sbr.rel @p0 .LBB2_1-.Ltmp1, $4  }
0x18b: {  	[sflag:s6] =	ssyncset.done $0x0  }
0x18c: {  	[sflag:s6] =	ssyncadd.s32 $0xFFFF0000  }
0x18d: {  	[hbm4b:s31+s3] =	stream.linear.scatter [tilespmem:s5], [sflag:$0x2], $0x10000, $0x38;
	[tilespmem:$0x10200] =	vst v63  }
0x18e: {  	s0 =	sadd.s32 $0xFFFFFFFF, s0;
	_ =	swait.ge [sflag:s4], $0x10000  }
.LBB2_2:
0x18f: {  	[sflag:s4] =	ssyncset.done $0x0  }
0x190: {  	[sflag:s4] =	ssyncadd.s32 $0xFFFF0000  }
0x191: {  	_ =	sfence.sel $0x180000  }
0x192: {  	[bflag:$0x0] =	sbarrier.arrive $0xFFFF  }
0x193: {  	_ =	strace $0x9000004A  }
0x194: {  	s0 =	stileid.u32;
	[bflag:$0x2] =	sbarrier.arrive $0xFFFF  }
0x195: {  	p0 =	sne.s32 s0, $0x0;
	s0 =	rddreg [dreg:$0x3]  }
0x196: {  	s0 =	sadd.s32 @!p0 $0x100000, s0  }
0x197: {  	[sflag:s0] =	ssyncadd.tile.s32 @!p0 $0x1;
	_ =	shalt  }
.Lfunc_end2:
_tile_overlayer_lowered:
.L_overlay_start_2:
0x198: {  	(tag) =	ssettag $0x2  }
0x199: {  	s0 =	rddreg [dreg:$0x0];
	s2 =	stileid.u32  }
0x19a: {  	s1 =	rddreg [dreg:$0x1];
	p0 =	sne.s32 s2, $0x0  }
0x19b: {  	s3 =	rddreg [dreg:$0x2];
	[bflag:$0x3] =	sbarrier.arrive $0xFFFF;
	s2 =	simm.s32 @!p0 $0x1C02  }
0x19c: {  	[timem:s3], [sflag:s2] =	dma.local @!p0 [hbm:s0], s1  }
0x19d: {  	s0 =	simm.s32 @!p0 $0x2  }
0x19e: {  	_ =	swait.ge @!p0 [sflag:s0], s1  }
0x19f: {  	s1 =	ssub.s32 @!p0 $0x0, s1;
	[sflag:s0] =	ssyncset.done @!p0 $0x0  }
0x1a0: {  	[sflag:s0] =	ssyncadd.s32 @!p0 s1  }
0x1a1: {  	[bflag:$0x3] =	sbarrier.arrive $0xFFFF  }
0x1a2: {  	_ =	shalt  }

</sc_bundles>
